<compile_context>
chip_gen: v7x
topology: tpu7x:2x2x1
jax: 0.10.2.dev20260603
libtpu: 0.0.44.dev20260713+nightly
codegen_flags: <defaults>
</compile_context>

<pallas_src>
import jax
import jax.numpy as jnp
from jax import lax
from jax.experimental import pallas as pl
from jax.experimental.pallas import tpu as pltpu
from jax.experimental.pallas import tpu_sc as plsc

N = 10000
E = 320000
D = 128

NC = 2
NS = 16
NW = NC * NS
EDGES_PER_TILE = E // NW
CHUNK = 80
NCHUNK = EDGES_PER_TILE // CHUNK
ROWS_PAD = 10240
ZROWS = ROWS_PAD // NS
WB = 624

BLK = 2000
GRID = N // BLK


def _mlp_body(x_ref, w1_ref, b1_ref, w2_ref, b2_ref, o_ref):
    x = x_ref[...]
    h = jnp.dot(x, w1_ref[...], preferred_element_type=jnp.float32) + b1_ref[...]
    h = jnp.maximum(h, 0.0)
    h = jnp.dot(h, w2_ref[...], preferred_element_type=jnp.float32) + b2_ref[...]
    h = h * jax.nn.sigmoid(h)
    mu = jnp.mean(h, axis=1, keepdims=True)
    d = h - mu
    var = jnp.mean(d * d, axis=1, keepdims=True)
    o_ref[...] = d * lax.rsqrt(var + 1e-5)


_mlp = pl.pallas_call(
    _mlp_body,
    grid=(GRID,),
    in_specs=[
        pl.BlockSpec((BLK, D), lambda i: (i, 0)),
        pl.BlockSpec((D, D), lambda i: (0, 0)),
        pl.BlockSpec((1, D), lambda i: (0, 0)),
        pl.BlockSpec((D, D), lambda i: (0, 0)),
        pl.BlockSpec((1, D), lambda i: (0, 0)),
    ],
    out_specs=pl.BlockSpec((BLK, D), lambda i: (i, 0)),
    out_shape=jax.ShapeDtypeStruct((N, D), jnp.float32),
)


def _combine_body(a_ref, c_ref, hp_ref, o_ref):
    s = a_ref[0] + a_ref[1]
    cnt = jnp.sum(c_ref[...], axis=1).reshape(-1, 1)
    o_ref[...] = s / jnp.maximum(cnt, 1.0) + hp_ref[...]


_combine = pl.pallas_call(
    _combine_body,
    grid=(GRID,),
    in_specs=[
        pl.BlockSpec((2, BLK, D), lambda i: (0, i, 0)),
        pl.BlockSpec((BLK, NW), lambda i: (i, 0)),
        pl.BlockSpec((BLK, D), lambda i: (i, 0)),
    ],
    out_specs=pl.BlockSpec((BLK, D), lambda i: (i, 0)),
    out_shape=jax.ShapeDtypeStruct((N, D), jnp.float32),
)


def _agg_body(z_hbm, src_hbm, dst_hbm, out_hbm, sidx, didx, gidx, widx,
              rows, acc_sp, sem):
    c = lax.axis_index("c")
    s = lax.axis_index("s")
    wid = c * NS + s

    def _preload(g, _):
        pltpu.sync_copy(src_hbm.at[wid, pl.ds(g * 8, 8)],
                        sidx.at[pl.ds(g * 8, 8)])
        pltpu.sync_copy(dst_hbm.at[wid, pl.ds(g * 8, 8)],
                        didx.at[pl.ds(g * 8, 8)])
        return 0

    lax.fori_loop(0, NCHUNK // 8, _preload, 0)
    _tail = (NCHUNK // 8) * 8
    pltpu.sync_copy(src_hbm.at[wid, pl.ds(_tail, NCHUNK - _tail)],
                    sidx.at[pl.ds(_tail, NCHUNK - _tail)])
    pltpu.sync_copy(dst_hbm.at[wid, pl.ds(_tail, NCHUNK - _tail)],
                    didx.at[pl.ds(_tail, NCHUNK - _tail)])

    zeros16 = jnp.zeros((16,), jnp.float32)

    def _zero_row(r, _):
        for cc in range(D // 16):
            rows[r, pl.ds(cc * 16, 16)] = zeros16
        return 0

    lax.fori_loop(0, CHUNK, _zero_row, 0)
    for k in range(ZROWS // CHUNK):
        pltpu.sync_copy(rows, acc_sp.at[pl.ds(s * ZROWS + k * CHUNK, CHUNK)])
    if ZROWS % CHUNK:
        pltpu.sync_copy(rows, acc_sp.at[pl.ds(s * ZROWS + ZROWS - CHUNK,
                                              CHUNK)])
    plsc.subcore_barrier()

    def _chunk(j, _):
        for g in range(CHUNK // 16):
            gidx[pl.ds(g * 16, 16)] = sidx[j, pl.ds(g * 16, 16)]
            widx[pl.ds(g * 16, 16)] = didx[j, pl.ds(g * 16, 16)]
        pltpu.async_copy(z_hbm.at[gidx], rows, sem).wait()
        pltpu.sync_copy(rows, acc_sp.at[widx], add=True)
        return 0

    lax.fori_loop(0, NCHUNK, _chunk, 0)
    plsc.subcore_barrier()

    pltpu.sync_copy(acc_sp.at[pl.ds(s * WB, WB)],
                    out_hbm.at[c, pl.ds(s * WB, WB)])

    @pl.when(s == NS - 1)
    def _():
        pltpu.sync_copy(acc_sp.at[pl.ds(NS * WB, N - NS * WB)],
                        out_hbm.at[c, pl.ds(NS * WB, N - NS * WB)])


_aggregate = pl.kernel(
    _agg_body,
    out_type=jax.ShapeDtypeStruct((NC, N, D), jnp.float32),
    mesh=plsc.VectorSubcoreMesh(core_axis_name="c", subcore_axis_name="s"),
    scratch_types=[
        pltpu.VMEM((NCHUNK, CHUNK), jnp.int32),
        pltpu.VMEM((NCHUNK, CHUNK), jnp.int32),
        pltpu.VMEM((CHUNK,), jnp.int32),
        pltpu.VMEM((CHUNK,), jnp.int32),
        pltpu.VMEM((CHUNK, D), jnp.float32),
        pltpu.VMEM_SHARED((ROWS_PAD, D), jnp.float32),
        pltpu.SemaphoreType.DMA,
    ],
    compiler_params=pltpu.CompilerParams(needs_layout_passes=False),
)


def _cnt_body(dst_hbm, cnt_hbm, didx, cnt_v):
    c = lax.axis_index("c")
    s = lax.axis_index("s")
    wid = c * NS + s

    zeros16 = jnp.zeros((16,), jnp.float32)

    def _zero_cnt(r, _):
        cnt_v[0, pl.ds(r * 16, 16)] = zeros16
        return 0

    lax.fori_loop(0, N // 16, _zero_cnt, 0)
    pltpu.sync_copy(dst_hbm.at[wid], didx)

    ones16 = jnp.full((16,), 1.0, jnp.float32)

    def _group(g, _):
        idx = didx[0, pl.ds(g * 16, 16)]
        plsc.addupdate_scatter(cnt_v.at[0], [idx], ones16)
        return 0

    lax.fori_loop(0, EDGES_PER_TILE // 16, _group, 0)
    pltpu.sync_copy(cnt_v, cnt_hbm.at[wid])


_count_degrees = pl.kernel(
    _cnt_body,
    out_type=jax.ShapeDtypeStruct((NW, 1, N), jnp.float32),
    mesh=plsc.VectorSubcoreMesh(core_axis_name="c", subcore_axis_name="s"),
    scratch_types=[
        pltpu.VMEM((1, EDGES_PER_TILE), jnp.int32),
        pltpu.VMEM((1, N), jnp.float32),
    ],
    compiler_params=pltpu.CompilerParams(needs_layout_passes=False),
)


def kernel(x, edge_index, W1_0, b1_0, W2_0, b2_0, W1_1, b1_1, W2_1, b2_1,
           W1_2, b1_2, W2_2, b2_2):
    src = edge_index[0].reshape(NW, NCHUNK, CHUNK)
    dst = edge_index[1].reshape(NW, NCHUNK, CHUNK)
    dstw = edge_index[1].reshape(NW, 1, EDGES_PER_TILE)
    params = [
        (W1_0, b1_0, W2_0, b2_0),
        (W1_1, b1_1, W2_1, b2_1),
        (W1_2, b1_2, W2_2, b2_2),
    ]
    cnt = _count_degrees(dstw).reshape(NW, N).T
    h = x
    for (w1, b1, w2, b2) in params:
        z = _mlp(h, w1, b1.reshape(1, D), w2, b2.reshape(1, D))
        acc = _aggregate(z, src, dst)
        h = _combine(acc, cnt, h)
    return h

# --- scband reference (transcript-rebuilt; emitter-appended) ---
"""Pipeline reference for scband-gnndecoder-18820546691489 (READ-ONLY COPY).

The authoritative reference and input builder live on the scoring server;
editing this copy changes nothing except your own understanding.
"""

import jax, jax.numpy as jnp
import numpy as np

N = 10000
E = 320000
D = 128
NUM_LAYERS = 3


def setup_inputs(seed: int = 0) -> dict:
    key = jax.random.key(seed)
    ks = jax.random.split(key, 2 + 4 * NUM_LAYERS)
    inp = {}
    inp["x"] = jax.random.normal(ks[0], (N, D), dtype=jnp.float32)
    inp["edge_index"] = jax.random.randint(ks[1], (2, E), 0, N, dtype=jnp.int32)
    for l in range(NUM_LAYERS):
        b = 2 + 4 * l
        inp[f"W1_{l}"] = jax.random.normal(ks[b + 0], (D, D), dtype=jnp.float32) * 0.05
        inp[f"b1_{l}"] = jnp.zeros((D,), dtype=jnp.float32)
        inp[f"W2_{l}"] = jax.random.normal(ks[b + 1], (D, D), dtype=jnp.float32) * 0.05
        inp[f"b2_{l}"] = jnp.zeros((D,), dtype=jnp.float32)
    return inp


def _layer(x, edge_index, W1, b1, W2, b2):
    # mlp: Linear -> ReLU -> Linear
    h = jnp.dot(x, W1) + b1
    h = jax.nn.relu(h)
    h = jnp.dot(h, W2) + b2
    # SiLU-like gating: x * sigmoid(x)
    h = h * jax.nn.sigmoid(h)
    # parameter-free LayerNorm over feature dim (nn.LayerNorm created fresh each forward,
    # default weight=1 / bias=0, eps=1e-5)
    mu = jnp.mean(h, axis=-1, keepdims=True)
    var = jnp.mean(jnp.square(h - mu), axis=-1, keepdims=True)
    h = (h - mu) / jnp.sqrt(var + 1e-5)
    # propagate with aggr='mean': message x_j from src=edge_index[0], aggregate at dst=edge_index[1]
    src = edge_index[0]
    dst = edge_index[1]
    msg = jnp.take(h, src, axis=0)
    summed = jax.ops.segment_sum(msg, dst, num_segments=h.shape[0])
    cnt = jax.ops.segment_sum(jnp.ones((dst.shape[0],), dtype=h.dtype), dst, num_segments=h.shape[0])
    return summed / jnp.maximum(cnt, 1.0)[:, None]


def reference(x, edge_index, W1_0, b1_0, W2_0, b2_0, W1_1, b1_1, W2_1, b2_1, W1_2, b1_2, W2_2, b2_2):
    params = [
        (W1_0, b1_0, W2_0, b2_0),
        (W1_1, b1_1, W2_1, b2_1),
        (W1_2, b1_2, W2_2, b2_2),
    ]
    h = x
    for (W1, b1, W2, b2) in params:
        h = _layer(h, edge_index, W1, b1, W2, b2) + h
    return h

if __name__ == "__main__":
    import jax
    _d = setup_inputs()
    print(jax.jit(kernel)(*tuple(_d.values())))

</pallas_src>

<mosaic_0001>
#map = affine_map<(d0, d1) -> (0, 0)>
#map1 = affine_map<(d0, d1) -> (0, 0, 0)>
module attributes {stable_mosaic.version = 14 : i64} {
  func.func @_agg_body(%arg0: i32, %arg1: i32, %arg2: memref<10000x128xf32, #tpu.memory_space<hbm>>, %arg3: memref<32x125x80xi32, #tpu.memory_space<hbm>>, %arg4: memref<32x125x80xi32, #tpu.memory_space<hbm>>, %arg5: memref<2x10000x128xf32, #tpu.memory_space<hbm>>, %arg6: memref<125x80xi32, #tpu.memory_space<vmem>>, %arg7: memref<125x80xi32, #tpu.memory_space<vmem>>, %arg8: memref<80xi32, #tpu.memory_space<vmem>>, %arg9: memref<80xi32, #tpu.memory_space<vmem>>, %arg10: memref<80x128xf32, #tpu.memory_space<vmem>>, %arg11: memref<10240x128xf32, #tpu.memory_space<vmem_shared>>, %arg12: memref<!tpu.dma_semaphore, #tpu.memory_space<semaphore_mem>>) attributes {dimension_semantics = [#tpu.dimension_semantics<core_parallel>, #tpu.dimension_semantics<subcore_parallel>], iteration_bounds = array<i64: 2, 16>, scalar_prefetch = 0 : i64, scratch_operands = 7 : i64, tpu.core_type = #tpu.core_type<sc_vector_subcore>, window_params = [{transform_indices = #map}, {transform_indices = #map1}, {transform_indices = #map1}, {transform_indices = #map1}]} {
    %mul3A = arith.constant 16 : i32
    %mul3A_0 = arith.muli %arg0, %mul3A : i32
    %add3A = arith.addi %mul3A_0, %arg1 : i32
    %scan3A = arith.constant 0 : i32
    %scan3A_1 = arith.constant 0 : i32
    %scan3A_2 = arith.constant 15 : i32
    %scan3A_3 = arith.addi %scan3A_1, %scan3A_2 : i32
    %scan3A_4 = arith.constant 1 : i32
    %scan3A_5 = scf.for %scan3A_61 = %scan3A_1 to %scan3A_3 step %scan3A_4 iter_args(%scan3A_62 = %scan3A) -> (i32)  : i32 {
      %mul3A_63 = arith.constant 8 : i32
      %mul3A_64 = arith.muli %scan3A_61, %mul3A_63 : i32
      %mul3A_65 = arith.constant 8 : i32
      %mul3A_66 = arith.muli %scan3A_61, %mul3A_65 : i32
      "tpu.region"() ({
        %run_scoped3A = tpu.sem_alloc : memref<!tpu.dma_semaphore, #tpu.memory_space<semaphore_mem>>
        %dma_start3A = arith.constant 0 : i32
        %dma_start3A_72 = tpu.memref_slice %arg6[%mul3A_66, %dma_start3A] : memref<125x80xi32, #tpu.memory_space<vmem>> -> memref<8x80xi32, #tpu.memory_space<vmem>>
        %dma_start3A_73 = arith.constant 0 : i32
        %dma_start3A_74 = tpu.memref_slice %arg3[%add3A, %mul3A_64, %dma_start3A_73] : memref<32x125x80xi32, #tpu.memory_space<hbm>> -> memref<1x8x80xi32, #tpu.memory_space<hbm>>
        %dma_start3A_75 = tpu.memref_squeeze %dma_start3A_74 : memref<1x8x80xi32, #tpu.memory_space<hbm>> -> memref<8x80xi32, #tpu.memory_space<hbm>>
        %dma_start3A_76 = arith.constant 0 : i32
        %dma_start3A_77 = tpu.memref_slice %arg6[%mul3A_66, %dma_start3A_76] : memref<125x80xi32, #tpu.memory_space<vmem>> -> memref<8x80xi32, #tpu.memory_space<vmem>>
        %dma_start3A_78 = arith.constant 0 : i32
        %dma_start3A_79 = tpu.memref_slice %arg3[%add3A, %mul3A_64, %dma_start3A_78] : memref<32x125x80xi32, #tpu.memory_space<hbm>> -> memref<1x8x80xi32, #tpu.memory_space<hbm>>
        %dma_start3A_80 = tpu.memref_squeeze %dma_start3A_79 : memref<1x8x80xi32, #tpu.memory_space<hbm>> -> memref<8x80xi32, #tpu.memory_space<hbm>>
        tpu.enqueue_dma source(%dma_start3A_80 : memref<8x80xi32, #tpu.memory_space<hbm>>) target(%dma_start3A_77 : memref<8x80xi32, #tpu.memory_space<vmem>>) target_semaphore(%run_scoped3A : memref<!tpu.dma_semaphore, #tpu.memory_space<semaphore_mem>>)
        %dma_wait3A = arith.constant 0 : i32
        %dma_wait3A_81 = tpu.memref_slice %arg6[%mul3A_66, %dma_wait3A] : memref<125x80xi32, #tpu.memory_space<vmem>> -> memref<8x80xi32, #tpu.memory_space<vmem>>
        %dma_wait3A_82 = arith.constant 0 : i32
        %dma_wait3A_83 = tpu.memref_slice %arg3[%add3A, %mul3A_64, %dma_wait3A_82] : memref<32x125x80xi32, #tpu.memory_space<hbm>> -> memref<1x8x80xi32, #tpu.memory_space<hbm>>
        %dma_wait3A_84 = tpu.memref_squeeze %dma_wait3A_83 : memref<1x8x80xi32, #tpu.memory_space<hbm>> -> memref<8x80xi32, #tpu.memory_space<hbm>>
        %dma_wait3A_85 = arith.constant 0 : i32
        %dma_wait3A_86 = tpu.memref_slice %arg6[%mul3A_66, %dma_wait3A_85] : memref<125x80xi32, #tpu.memory_space<vmem>> -> memref<8x80xi32, #tpu.memory_space<vmem>>
        %dma_wait3A_87 = arith.constant 0 : i32
        %dma_wait3A_88 = tpu.memref_slice %arg3[%add3A, %mul3A_64, %dma_wait3A_87] : memref<32x125x80xi32, #tpu.memory_space<hbm>> -> memref<1x8x80xi32, #tpu.memory_space<hbm>>
        %dma_wait3A_89 = tpu.memref_squeeze %dma_wait3A_88 : memref<1x8x80xi32, #tpu.memory_space<hbm>> -> memref<8x80xi32, #tpu.memory_space<hbm>>
        tpu.wait_dma2 semaphore(%run_scoped3A : memref<!tpu.dma_semaphore, #tpu.memory_space<semaphore_mem>>) src(%dma_wait3A_89 : memref<8x80xi32, #tpu.memory_space<hbm>>) dst(%dma_wait3A_86 : memref<8x80xi32, #tpu.memory_space<vmem>>)
        tpu.yield
      }) : () -> ()
      %mul3A_67 = arith.constant 8 : i32
      %mul3A_68 = arith.muli %scan3A_61, %mul3A_67 : i32
      %mul3A_69 = arith.constant 8 : i32
      %mul3A_70 = arith.muli %scan3A_61, %mul3A_69 : i32
      "tpu.region"() ({
        %run_scoped3A = tpu.sem_alloc : memref<!tpu.dma_semaphore, #tpu.memory_space<semaphore_mem>>
        %dma_start3A = arith.constant 0 : i32
        %dma_start3A_72 = tpu.memref_slice %arg7[%mul3A_70, %dma_start3A] : memref<125x80xi32, #tpu.memory_space<vmem>> -> memref<8x80xi32, #tpu.memory_space<vmem>>
        %dma_start3A_73 = arith.constant 0 : i32
        %dma_start3A_74 = tpu.memref_slice %arg4[%add3A, %mul3A_68, %dma_start3A_73] : memref<32x125x80xi32, #tpu.memory_space<hbm>> -> memref<1x8x80xi32, #tpu.memory_space<hbm>>
        %dma_start3A_75 = tpu.memref_squeeze %dma_start3A_74 : memref<1x8x80xi32, #tpu.memory_space<hbm>> -> memref<8x80xi32, #tpu.memory_space<hbm>>
        %dma_start3A_76 = arith.constant 0 : i32
        %dma_start3A_77 = tpu.memref_slice %arg7[%mul3A_70, %dma_start3A_76] : memref<125x80xi32, #tpu.memory_space<vmem>> -> memref<8x80xi32, #tpu.memory_space<vmem>>
        %dma_start3A_78 = arith.constant 0 : i32
        %dma_start3A_79 = tpu.memref_slice %arg4[%add3A, %mul3A_68, %dma_start3A_78] : memref<32x125x80xi32, #tpu.memory_space<hbm>> -> memref<1x8x80xi32, #tpu.memory_space<hbm>>
        %dma_start3A_80 = tpu.memref_squeeze %dma_start3A_79 : memref<1x8x80xi32, #tpu.memory_space<hbm>> -> memref<8x80xi32, #tpu.memory_space<hbm>>
        tpu.enqueue_dma source(%dma_start3A_80 : memref<8x80xi32, #tpu.memory_space<hbm>>) target(%dma_start3A_77 : memref<8x80xi32, #tpu.memory_space<vmem>>) target_semaphore(%run_scoped3A : memref<!tpu.dma_semaphore, #tpu.memory_space<semaphore_mem>>)
        %dma_wait3A = arith.constant 0 : i32
        %dma_wait3A_81 = tpu.memref_slice %arg7[%mul3A_70, %dma_wait3A] : memref<125x80xi32, #tpu.memory_space<vmem>> -> memref<8x80xi32, #tpu.memory_space<vmem>>
        %dma_wait3A_82 = arith.constant 0 : i32
        %dma_wait3A_83 = tpu.memref_slice %arg4[%add3A, %mul3A_68, %dma_wait3A_82] : memref<32x125x80xi32, #tpu.memory_space<hbm>> -> memref<1x8x80xi32, #tpu.memory_space<hbm>>
        %dma_wait3A_84 = tpu.memref_squeeze %dma_wait3A_83 : memref<1x8x80xi32, #tpu.memory_space<hbm>> -> memref<8x80xi32, #tpu.memory_space<hbm>>
        %dma_wait3A_85 = arith.constant 0 : i32
        %dma_wait3A_86 = tpu.memref_slice %arg7[%mul3A_70, %dma_wait3A_85] : memref<125x80xi32, #tpu.memory_space<vmem>> -> memref<8x80xi32, #tpu.memory_space<vmem>>
        %dma_wait3A_87 = arith.constant 0 : i32
        %dma_wait3A_88 = tpu.memref_slice %arg4[%add3A, %mul3A_68, %dma_wait3A_87] : memref<32x125x80xi32, #tpu.memory_space<hbm>> -> memref<1x8x80xi32, #tpu.memory_space<hbm>>
        %dma_wait3A_89 = tpu.memref_squeeze %dma_wait3A_88 : memref<1x8x80xi32, #tpu.memory_space<hbm>> -> memref<8x80xi32, #tpu.memory_space<hbm>>
        tpu.wait_dma2 semaphore(%run_scoped3A : memref<!tpu.dma_semaphore, #tpu.memory_space<semaphore_mem>>) src(%dma_wait3A_89 : memref<8x80xi32, #tpu.memory_space<hbm>>) dst(%dma_wait3A_86 : memref<8x80xi32, #tpu.memory_space<vmem>>)
        tpu.yield
      }) : () -> ()
      %scan3A_71 = arith.constant 0 : i32
      scf.yield %scan3A_71 : i32
    }
    %scan3A_6 = arith.constant 15 : i32
    "tpu.region"() ({
      %run_scoped3A = tpu.sem_alloc : memref<!tpu.dma_semaphore, #tpu.memory_space<semaphore_mem>>
      %dma_start3A = arith.constant 120 : i32
      %dma_start3A_61 = arith.constant 0 : i32
      %dma_start3A_62 = tpu.memref_slice %arg6[%dma_start3A, %dma_start3A_61] : memref<125x80xi32, #tpu.memory_space<vmem>> -> memref<5x80xi32, #tpu.memory_space<vmem>>
      %dma_start3A_63 = arith.constant 120 : i32
      %dma_start3A_64 = arith.constant 0 : i32
      %dma_start3A_65 = tpu.memref_slice %arg3[%add3A, %dma_start3A_63, %dma_start3A_64] : memref<32x125x80xi32, #tpu.memory_space<hbm>> -> memref<1x5x80xi32, #tpu.memory_space<hbm>>
      %dma_start3A_66 = tpu.memref_squeeze %dma_start3A_65 : memref<1x5x80xi32, #tpu.memory_space<hbm>> -> memref<5x80xi32, #tpu.memory_space<hbm>>
      %dma_start3A_67 = arith.constant 120 : i32
      %dma_start3A_68 = arith.constant 0 : i32
      %dma_start3A_69 = tpu.memref_slice %arg6[%dma_start3A_67, %dma_start3A_68] : memref<125x80xi32, #tpu.memory_space<vmem>> -> memref<5x80xi32, #tpu.memory_space<vmem>>
      %dma_start3A_70 = arith.constant 120 : i32
      %dma_start3A_71 = arith.constant 0 : i32
      %dma_start3A_72 = tpu.memref_slice %arg3[%add3A, %dma_start3A_70, %dma_start3A_71] : memref<32x125x80xi32, #tpu.memory_space<hbm>> -> memref<1x5x80xi32, #tpu.memory_space<hbm>>
      %dma_start3A_73 = tpu.memref_squeeze %dma_start3A_72 : memref<1x5x80xi32, #tpu.memory_space<hbm>> -> memref<5x80xi32, #tpu.memory_space<hbm>>
      tpu.enqueue_dma source(%dma_start3A_73 : memref<5x80xi32, #tpu.memory_space<hbm>>) target(%dma_start3A_69 : memref<5x80xi32, #tpu.memory_space<vmem>>) target_semaphore(%run_scoped3A : memref<!tpu.dma_semaphore, #tpu.memory_space<semaphore_mem>>)
      %dma_wait3A = arith.constant 120 : i32
      %dma_wait3A_74 = arith.constant 0 : i32
      %dma_wait3A_75 = tpu.memref_slice %arg6[%dma_wait3A, %dma_wait3A_74] : memref<125x80xi32, #tpu.memory_space<vmem>> -> memref<5x80xi32, #tpu.memory_space<vmem>>
      %dma_wait3A_76 = arith.constant 120 : i32
      %dma_wait3A_77 = arith.constant 0 : i32
      %dma_wait3A_78 = tpu.memref_slice %arg3[%add3A, %dma_wait3A_76, %dma_wait3A_77] : memref<32x125x80xi32, #tpu.memory_space<hbm>> -> memref<1x5x80xi32, #tpu.memory_space<hbm>>
      %dma_wait3A_79 = tpu.memref_squeeze %dma_wait3A_78 : memref<1x5x80xi32, #tpu.memory_space<hbm>> -> memref<5x80xi32, #tpu.memory_space<hbm>>
      %dma_wait3A_80 = arith.constant 120 : i32
      %dma_wait3A_81 = arith.constant 0 : i32
      %dma_wait3A_82 = tpu.memref_slice %arg6[%dma_wait3A_80, %dma_wait3A_81] : memref<125x80xi32, #tpu.memory_space<vmem>> -> memref<5x80xi32, #tpu.memory_space<vmem>>
      %dma_wait3A_83 = arith.constant 120 : i32
      %dma_wait3A_84 = arith.constant 0 : i32
      %dma_wait3A_85 = tpu.memref_slice %arg3[%add3A, %dma_wait3A_83, %dma_wait3A_84] : memref<32x125x80xi32, #tpu.memory_space<hbm>> -> memref<1x5x80xi32, #tpu.memory_space<hbm>>
      %dma_wait3A_86 = tpu.memref_squeeze %dma_wait3A_85 : memref<1x5x80xi32, #tpu.memory_space<hbm>> -> memref<5x80xi32, #tpu.memory_space<hbm>>
      tpu.wait_dma2 semaphore(%run_scoped3A : memref<!tpu.dma_semaphore, #tpu.memory_space<semaphore_mem>>) src(%dma_wait3A_86 : memref<5x80xi32, #tpu.memory_space<hbm>>) dst(%dma_wait3A_82 : memref<5x80xi32, #tpu.memory_space<vmem>>)
      tpu.yield
    }) : () -> ()
    "tpu.region"() ({
      %run_scoped3A = tpu.sem_alloc : memref<!tpu.dma_semaphore, #tpu.memory_space<semaphore_mem>>
      %dma_start3A = arith.constant 120 : i32
      %dma_start3A_61 = arith.constant 0 : i32
      %dma_start3A_62 = tpu.memref_slice %arg7[%dma_start3A, %dma_start3A_61] : memref<125x80xi32, #tpu.memory_space<vmem>> -> memref<5x80xi32, #tpu.memory_space<vmem>>
      %dma_start3A_63 = arith.constant 120 : i32
      %dma_start3A_64 = arith.constant 0 : i32
      %dma_start3A_65 = tpu.memref_slice %arg4[%add3A, %dma_start3A_63, %dma_start3A_64] : memref<32x125x80xi32, #tpu.memory_space<hbm>> -> memref<1x5x80xi32, #tpu.memory_space<hbm>>
      %dma_start3A_66 = tpu.memref_squeeze %dma_start3A_65 : memref<1x5x80xi32, #tpu.memory_space<hbm>> -> memref<5x80xi32, #tpu.memory_space<hbm>>
      %dma_start3A_67 = arith.constant 120 : i32
      %dma_start3A_68 = arith.constant 0 : i32
      %dma_start3A_69 = tpu.memref_slice %arg7[%dma_start3A_67, %dma_start3A_68] : memref<125x80xi32, #tpu.memory_space<vmem>> -> memref<5x80xi32, #tpu.memory_space<vmem>>
      %dma_start3A_70 = arith.constant 120 : i32
      %dma_start3A_71 = arith.constant 0 : i32
      %dma_start3A_72 = tpu.memref_slice %arg4[%add3A, %dma_start3A_70, %dma_start3A_71] : memref<32x125x80xi32, #tpu.memory_space<hbm>> -> memref<1x5x80xi32, #tpu.memory_space<hbm>>
      %dma_start3A_73 = tpu.memref_squeeze %dma_start3A_72 : memref<1x5x80xi32, #tpu.memory_space<hbm>> -> memref<5x80xi32, #tpu.memory_space<hbm>>
      tpu.enqueue_dma source(%dma_start3A_73 : memref<5x80xi32, #tpu.memory_space<hbm>>) target(%dma_start3A_69 : memref<5x80xi32, #tpu.memory_space<vmem>>) target_semaphore(%run_scoped3A : memref<!tpu.dma_semaphore, #tpu.memory_space<semaphore_mem>>)
      %dma_wait3A = arith.constant 120 : i32
      %dma_wait3A_74 = arith.constant 0 : i32
      %dma_wait3A_75 = tpu.memref_slice %arg7[%dma_wait3A, %dma_wait3A_74] : memref<125x80xi32, #tpu.memory_space<vmem>> -> memref<5x80xi32, #tpu.memory_space<vmem>>
      %dma_wait3A_76 = arith.constant 120 : i32
      %dma_wait3A_77 = arith.constant 0 : i32
      %dma_wait3A_78 = tpu.memref_slice %arg4[%add3A, %dma_wait3A_76, %dma_wait3A_77] : memref<32x125x80xi32, #tpu.memory_space<hbm>> -> memref<1x5x80xi32, #tpu.memory_space<hbm>>
      %dma_wait3A_79 = tpu.memref_squeeze %dma_wait3A_78 : memref<1x5x80xi32, #tpu.memory_space<hbm>> -> memref<5x80xi32, #tpu.memory_space<hbm>>
      %dma_wait3A_80 = arith.constant 120 : i32
      %dma_wait3A_81 = arith.constant 0 : i32
      %dma_wait3A_82 = tpu.memref_slice %arg7[%dma_wait3A_80, %dma_wait3A_81] : memref<125x80xi32, #tpu.memory_space<vmem>> -> memref<5x80xi32, #tpu.memory_space<vmem>>
      %dma_wait3A_83 = arith.constant 120 : i32
      %dma_wait3A_84 = arith.constant 0 : i32
      %dma_wait3A_85 = tpu.memref_slice %arg4[%add3A, %dma_wait3A_83, %dma_wait3A_84] : memref<32x125x80xi32, #tpu.memory_space<hbm>> -> memref<1x5x80xi32, #tpu.memory_space<hbm>>
      %dma_wait3A_86 = tpu.memref_squeeze %dma_wait3A_85 : memref<1x5x80xi32, #tpu.memory_space<hbm>> -> memref<5x80xi32, #tpu.memory_space<hbm>>
      tpu.wait_dma2 semaphore(%run_scoped3A : memref<!tpu.dma_semaphore, #tpu.memory_space<semaphore_mem>>) src(%dma_wait3A_86 : memref<5x80xi32, #tpu.memory_space<hbm>>) dst(%dma_wait3A_82 : memref<5x80xi32, #tpu.memory_space<vmem>>)
      tpu.yield
    }) : () -> ()
    %broadcast_in_dim3A = arith.constant 0.000000e+00 : f32
    %broadcast_in_dim3A_7 = vector.broadcast %broadcast_in_dim3A : f32 to vector<16xf32>
    %scan3A_8 = arith.constant 0 : i32
    %scan3A_9 = arith.constant 0 : i32
    %scan3A_10 = arith.constant 80 : i32
    %scan3A_11 = arith.addi %scan3A_9, %scan3A_10 : i32
    %scan3A_12 = arith.constant 1 : i32
    %scan3A_13 = scf.for %scan3A_61 = %scan3A_9 to %scan3A_11 step %scan3A_12 iter_args(%scan3A_62 = %scan3A_8) -> (i32)  : i32 {
      %swap3A = arith.index_cast %scan3A_61 : i32 to index
      %swap3A_63 = arith.constant 0 : index
      %swap3A_64 = tpu.vector_load %arg10[%swap3A, %swap3A_63] {strides = array<i32>} : memref<80x128xf32, #tpu.memory_space<vmem>>, vector<16xf32>,
      tpu.vector_store %arg10[%swap3A, %swap3A_63], %broadcast_in_dim3A_7 {strides = array<i32>} : memref<80x128xf32, #tpu.memory_space<vmem>>, vector<16xf32>,
      %swap3A_65 = arith.index_cast %scan3A_61 : i32 to index
      %swap3A_66 = arith.constant 16 : index
      %swap3A_67 = tpu.vector_load %arg10[%swap3A_65, %swap3A_66] {strides = array<i32>} : memref<80x128xf32, #tpu.memory_space<vmem>>, vector<16xf32>,
      tpu.vector_store %arg10[%swap3A_65, %swap3A_66], %broadcast_in_dim3A_7 {strides = array<i32>} : memref<80x128xf32, #tpu.memory_space<vmem>>, vector<16xf32>,
      %swap3A_68 = arith.index_cast %scan3A_61 : i32 to index
      %swap3A_69 = arith.constant 32 : index
      %swap3A_70 = tpu.vector_load %arg10[%swap3A_68, %swap3A_69] {strides = array<i32>} : memref<80x128xf32, #tpu.memory_space<vmem>>, vector<16xf32>,
      tpu.vector_store %arg10[%swap3A_68, %swap3A_69], %broadcast_in_dim3A_7 {strides = array<i32>} : memref<80x128xf32, #tpu.memory_space<vmem>>, vector<16xf32>,
      %swap3A_71 = arith.index_cast %scan3A_61 : i32 to index
      %swap3A_72 = arith.constant 48 : index
      %swap3A_73 = tpu.vector_load %arg10[%swap3A_71, %swap3A_72] {strides = array<i32>} : memref<80x128xf32, #tpu.memory_space<vmem>>, vector<16xf32>,
      tpu.vector_store %arg10[%swap3A_71, %swap3A_72], %broadcast_in_dim3A_7 {strides = array<i32>} : memref<80x128xf32, #tpu.memory_space<vmem>>, vector<16xf32>,
      %swap3A_74 = arith.index_cast %scan3A_61 : i32 to index
      %swap3A_75 = arith.constant 64 : index
      %swap3A_76 = tpu.vector_load %arg10[%swap3A_74, %swap3A_75] {strides = array<i32>} : memref<80x128xf32, #tpu.memory_space<vmem>>, vector<16xf32>,
      tpu.vector_store %arg10[%swap3A_74, %swap3A_75], %broadcast_in_dim3A_7 {strides = array<i32>} : memref<80x128xf32, #tpu.memory_space<vmem>>, vector<16xf32>,
      %swap3A_77 = arith.index_cast %scan3A_61 : i32 to index
      %swap3A_78 = arith.constant 80 : index
      %swap3A_79 = tpu.vector_load %arg10[%swap3A_77, %swap3A_78] {strides = array<i32>} : memref<80x128xf32, #tpu.memory_space<vmem>>, vector<16xf32>,
      tpu.vector_store %arg10[%swap3A_77, %swap3A_78], %broadcast_in_dim3A_7 {strides = array<i32>} : memref<80x128xf32, #tpu.memory_space<vmem>>, vector<16xf32>,
      %swap3A_80 = arith.index_cast %scan3A_61 : i32 to index
      %swap3A_81 = arith.constant 96 : index
      %swap3A_82 = tpu.vector_load %arg10[%swap3A_80, %swap3A_81] {strides = array<i32>} : memref<80x128xf32, #tpu.memory_space<vmem>>, vector<16xf32>,
      tpu.vector_store %arg10[%swap3A_80, %swap3A_81], %broadcast_in_dim3A_7 {strides = array<i32>} : memref<80x128xf32, #tpu.memory_space<vmem>>, vector<16xf32>,
      %swap3A_83 = arith.index_cast %scan3A_61 : i32 to index
      %swap3A_84 = arith.constant 112 : index
      %swap3A_85 = tpu.vector_load %arg10[%swap3A_83, %swap3A_84] {strides = array<i32>} : memref<80x128xf32, #tpu.memory_space<vmem>>, vector<16xf32>,
      tpu.vector_store %arg10[%swap3A_83, %swap3A_84], %broadcast_in_dim3A_7 {strides = array<i32>} : memref<80x128xf32, #tpu.memory_space<vmem>>, vector<16xf32>,
      %scan3A_86 = arith.constant 0 : i32
      scf.yield %scan3A_86 : i32
    }
    %scan3A_14 = arith.constant 80 : i32
    %mul3A_15 = arith.constant 640 : i32
    %mul3A_16 = arith.muli %arg1, %mul3A_15 : i32
    %add3A_17 = arith.constant 0 : i32
    %add3A_18 = arith.addi %mul3A_16, %add3A_17 : i32
    "tpu.region"() ({
      %run_scoped3A = tpu.sem_alloc : memref<!tpu.dma_semaphore, #tpu.memory_space<semaphore_mem>>
      %dma_start3A = arith.constant 0 : i32
      %dma_start3A_61 = tpu.memref_slice %arg11[%add3A_18, %dma_start3A] : memref<10240x128xf32, #tpu.memory_space<vmem_shared>> -> memref<80x128xf32, #tpu.memory_space<vmem_shared>>
      %dma_start3A_62 = arith.constant 0 : i32
      %dma_start3A_63 = tpu.memref_slice %arg11[%add3A_18, %dma_start3A_62] : memref<10240x128xf32, #tpu.memory_space<vmem_shared>> -> memref<80x128xf32, #tpu.memory_space<vmem_shared>>
      tpu.enqueue_dma source(%arg10 : memref<80x128xf32, #tpu.memory_space<vmem>>) target(%dma_start3A_63 : memref<80x128xf32, #tpu.memory_space<vmem_shared>>) target_semaphore(%run_scoped3A : memref<!tpu.dma_semaphore, #tpu.memory_space<semaphore_mem>>)
      %dma_wait3A = arith.constant 0 : i32
      %dma_wait3A_64 = tpu.memref_slice %arg11[%add3A_18, %dma_wait3A] : memref<10240x128xf32, #tpu.memory_space<vmem_shared>> -> memref<80x128xf32, #tpu.memory_space<vmem_shared>>
      %dma_wait3A_65 = arith.constant 0 : i32
      %dma_wait3A_66 = tpu.memref_slice %arg11[%add3A_18, %dma_wait3A_65] : memref<10240x128xf32, #tpu.memory_space<vmem_shared>> -> memref<80x128xf32, #tpu.memory_space<vmem_shared>>
      tpu.wait_dma2 semaphore(%run_scoped3A : memref<!tpu.dma_semaphore, #tpu.memory_space<semaphore_mem>>) src(%arg10 : memref<80x128xf32, #tpu.memory_space<vmem>>) dst(%dma_wait3A_66 : memref<80x128xf32, #tpu.memory_space<vmem_shared>>)
      tpu.yield
    }) : () -> ()
    %mul3A_19 = arith.constant 640 : i32
    %mul3A_20 = arith.muli %arg1, %mul3A_19 : i32
    %add3A_21 = arith.constant 80 : i32
    %add3A_22 = arith.addi %mul3A_20, %add3A_21 : i32
    "tpu.region"() ({
      %run_scoped3A = tpu.sem_alloc : memref<!tpu.dma_semaphore, #tpu.memory_space<semaphore_mem>>
      %dma_start3A = arith.constant 0 : i32
      %dma_start3A_61 = tpu.memref_slice %arg11[%add3A_22, %dma_start3A] : memref<10240x128xf32, #tpu.memory_space<vmem_shared>> -> memref<80x128xf32, #tpu.memory_space<vmem_shared>>
      %dma_start3A_62 = arith.constant 0 : i32
      %dma_start3A_63 = tpu.memref_slice %arg11[%add3A_22, %dma_start3A_62] : memref<10240x128xf32, #tpu.memory_space<vmem_shared>> -> memref<80x128xf32, #tpu.memory_space<vmem_shared>>
      tpu.enqueue_dma source(%arg10 : memref<80x128xf32, #tpu.memory_space<vmem>>) target(%dma_start3A_63 : memref<80x128xf32, #tpu.memory_space<vmem_shared>>) target_semaphore(%run_scoped3A : memref<!tpu.dma_semaphore, #tpu.memory_space<semaphore_mem>>)
      %dma_wait3A = arith.constant 0 : i32
      %dma_wait3A_64 = tpu.memref_slice %arg11[%add3A_22, %dma_wait3A] : memref<10240x128xf32, #tpu.memory_space<vmem_shared>> -> memref<80x128xf32, #tpu.memory_space<vmem_shared>>
      %dma_wait3A_65 = arith.constant 0 : i32
      %dma_wait3A_66 = tpu.memref_slice %arg11[%add3A_22, %dma_wait3A_65] : memref<10240x128xf32, #tpu.memory_space<vmem_shared>> -> memref<80x128xf32, #tpu.memory_space<vmem_shared>>
      tpu.wait_dma2 semaphore(%run_scoped3A : memref<!tpu.dma_semaphore, #tpu.memory_space<semaphore_mem>>) src(%arg10 : memref<80x128xf32, #tpu.memory_space<vmem>>) dst(%dma_wait3A_66 : memref<80x128xf32, #tpu.memory_space<vmem_shared>>)
      tpu.yield
    }) : () -> ()
    %mul3A_23 = arith.constant 640 : i32
    %mul3A_24 = arith.muli %arg1, %mul3A_23 : i32
    %add3A_25 = arith.constant 160 : i32
    %add3A_26 = arith.addi %mul3A_24, %add3A_25 : i32
    "tpu.region"() ({
      %run_scoped3A = tpu.sem_alloc : memref<!tpu.dma_semaphore, #tpu.memory_space<semaphore_mem>>
      %dma_start3A = arith.constant 0 : i32
      %dma_start3A_61 = tpu.memref_slice %arg11[%add3A_26, %dma_start3A] : memref<10240x128xf32, #tpu.memory_space<vmem_shared>> -> memref<80x128xf32, #tpu.memory_space<vmem_shared>>
      %dma_start3A_62 = arith.constant 0 : i32
      %dma_start3A_63 = tpu.memref_slice %arg11[%add3A_26, %dma_start3A_62] : memref<10240x128xf32, #tpu.memory_space<vmem_shared>> -> memref<80x128xf32, #tpu.memory_space<vmem_shared>>
      tpu.enqueue_dma source(%arg10 : memref<80x128xf32, #tpu.memory_space<vmem>>) target(%dma_start3A_63 : memref<80x128xf32, #tpu.memory_space<vmem_shared>>) target_semaphore(%run_scoped3A : memref<!tpu.dma_semaphore, #tpu.memory_space<semaphore_mem>>)
      %dma_wait3A = arith.constant 0 : i32
      %dma_wait3A_64 = tpu.memref_slice %arg11[%add3A_26, %dma_wait3A] : memref<10240x128xf32, #tpu.memory_space<vmem_shared>> -> memref<80x128xf32, #tpu.memory_space<vmem_shared>>
      %dma_wait3A_65 = arith.constant 0 : i32
      %dma_wait3A_66 = tpu.memref_slice %arg11[%add3A_26, %dma_wait3A_65] : memref<10240x128xf32, #tpu.memory_space<vmem_shared>> -> memref<80x128xf32, #tpu.memory_space<vmem_shared>>
      tpu.wait_dma2 semaphore(%run_scoped3A : memref<!tpu.dma_semaphore, #tpu.memory_space<semaphore_mem>>) src(%arg10 : memref<80x128xf32, #tpu.memory_space<vmem>>) dst(%dma_wait3A_66 : memref<80x128xf32, #tpu.memory_space<vmem_shared>>)
      tpu.yield
    }) : () -> ()
    %mul3A_27 = arith.constant 640 : i32
    %mul3A_28 = arith.muli %arg1, %mul3A_27 : i32
    %add3A_29 = arith.constant 240 : i32
    %add3A_30 = arith.addi %mul3A_28, %add3A_29 : i32
    "tpu.region"() ({
      %run_scoped3A = tpu.sem_alloc : memref<!tpu.dma_semaphore, #tpu.memory_space<semaphore_mem>>
      %dma_start3A = arith.constant 0 : i32
      %dma_start3A_61 = tpu.memref_slice %arg11[%add3A_30, %dma_start3A] : memref<10240x128xf32, #tpu.memory_space<vmem_shared>> -> memref<80x128xf32, #tpu.memory_space<vmem_shared>>
      %dma_start3A_62 = arith.constant 0 : i32
      %dma_start3A_63 = tpu.memref_slice %arg11[%add3A_30, %dma_start3A_62] : memref<10240x128xf32, #tpu.memory_space<vmem_shared>> -> memref<80x128xf32, #tpu.memory_space<vmem_shared>>
      tpu.enqueue_dma source(%arg10 : memref<80x128xf32, #tpu.memory_space<vmem>>) target(%dma_start3A_63 : memref<80x128xf32, #tpu.memory_space<vmem_shared>>) target_semaphore(%run_scoped3A : memref<!tpu.dma_semaphore, #tpu.memory_space<semaphore_mem>>)
      %dma_wait3A = arith.constant 0 : i32
      %dma_wait3A_64 = tpu.memref_slice %arg11[%add3A_30, %dma_wait3A] : memref<10240x128xf32, #tpu.memory_space<vmem_shared>> -> memref<80x128xf32, #tpu.memory_space<vmem_shared>>
      %dma_wait3A_65 = arith.constant 0 : i32
      %dma_wait3A_66 = tpu.memref_slice %arg11[%add3A_30, %dma_wait3A_65] : memref<10240x128xf32, #tpu.memory_space<vmem_shared>> -> memref<80x128xf32, #tpu.memory_space<vmem_shared>>
      tpu.wait_dma2 semaphore(%run_scoped3A : memref<!tpu.dma_semaphore, #tpu.memory_space<semaphore_mem>>) src(%arg10 : memref<80x128xf32, #tpu.memory_space<vmem>>) dst(%dma_wait3A_66 : memref<80x128xf32, #tpu.memory_space<vmem_shared>>)
      tpu.yield
    }) : () -> ()
    %mul3A_31 = arith.constant 640 : i32
    %mul3A_32 = arith.muli %arg1, %mul3A_31 : i32
    %add3A_33 = arith.constant 320 : i32
    %add3A_34 = arith.addi %mul3A_32, %add3A_33 : i32
    "tpu.region"() ({
      %run_scoped3A = tpu.sem_alloc : memref<!tpu.dma_semaphore, #tpu.memory_space<semaphore_mem>>
      %dma_start3A = arith.constant 0 : i32
      %dma_start3A_61 = tpu.memref_slice %arg11[%add3A_34, %dma_start3A] : memref<10240x128xf32, #tpu.memory_space<vmem_shared>> -> memref<80x128xf32, #tpu.memory_space<vmem_shared>>
      %dma_start3A_62 = arith.constant 0 : i32
      %dma_start3A_63 = tpu.memref_slice %arg11[%add3A_34, %dma_start3A_62] : memref<10240x128xf32, #tpu.memory_space<vmem_shared>> -> memref<80x128xf32, #tpu.memory_space<vmem_shared>>
      tpu.enqueue_dma source(%arg10 : memref<80x128xf32, #tpu.memory_space<vmem>>) target(%dma_start3A_63 : memref<80x128xf32, #tpu.memory_space<vmem_shared>>) target_semaphore(%run_scoped3A : memref<!tpu.dma_semaphore, #tpu.memory_space<semaphore_mem>>)
      %dma_wait3A = arith.constant 0 : i32
      %dma_wait3A_64 = tpu.memref_slice %arg11[%add3A_34, %dma_wait3A] : memref<10240x128xf32, #tpu.memory_space<vmem_shared>> -> memref<80x128xf32, #tpu.memory_space<vmem_shared>>
      %dma_wait3A_65 = arith.constant 0 : i32
      %dma_wait3A_66 = tpu.memref_slice %arg11[%add3A_34, %dma_wait3A_65] : memref<10240x128xf32, #tpu.memory_space<vmem_shared>> -> memref<80x128xf32, #tpu.memory_space<vmem_shared>>
      tpu.wait_dma2 semaphore(%run_scoped3A : memref<!tpu.dma_semaphore, #tpu.memory_space<semaphore_mem>>) src(%arg10 : memref<80x128xf32, #tpu.memory_space<vmem>>) dst(%dma_wait3A_66 : memref<80x128xf32, #tpu.memory_space<vmem_shared>>)
      tpu.yield
    }) : () -> ()
    %mul3A_35 = arith.constant 640 : i32
    %mul3A_36 = arith.muli %arg1, %mul3A_35 : i32
    %add3A_37 = arith.constant 400 : i32
    %add3A_38 = arith.addi %mul3A_36, %add3A_37 : i32
    "tpu.region"() ({
      %run_scoped3A = tpu.sem_alloc : memref<!tpu.dma_semaphore, #tpu.memory_space<semaphore_mem>>
      %dma_start3A = arith.constant 0 : i32
      %dma_start3A_61 = tpu.memref_slice %arg11[%add3A_38, %dma_start3A] : memref<10240x128xf32, #tpu.memory_space<vmem_shared>> -> memref<80x128xf32, #tpu.memory_space<vmem_shared>>
      %dma_start3A_62 = arith.constant 0 : i32
      %dma_start3A_63 = tpu.memref_slice %arg11[%add3A_38, %dma_start3A_62] : memref<10240x128xf32, #tpu.memory_space<vmem_shared>> -> memref<80x128xf32, #tpu.memory_space<vmem_shared>>
      tpu.enqueue_dma source(%arg10 : memref<80x128xf32, #tpu.memory_space<vmem>>) target(%dma_start3A_63 : memref<80x128xf32, #tpu.memory_space<vmem_shared>>) target_semaphore(%run_scoped3A : memref<!tpu.dma_semaphore, #tpu.memory_space<semaphore_mem>>)
      %dma_wait3A = arith.constant 0 : i32
      %dma_wait3A_64 = tpu.memref_slice %arg11[%add3A_38, %dma_wait3A] : memref<10240x128xf32, #tpu.memory_space<vmem_shared>> -> memref<80x128xf32, #tpu.memory_space<vmem_shared>>
      %dma_wait3A_65 = arith.constant 0 : i32
      %dma_wait3A_66 = tpu.memref_slice %arg11[%add3A_38, %dma_wait3A_65] : memref<10240x128xf32, #tpu.memory_space<vmem_shared>> -> memref<80x128xf32, #tpu.memory_space<vmem_shared>>
      tpu.wait_dma2 semaphore(%run_scoped3A : memref<!tpu.dma_semaphore, #tpu.memory_space<semaphore_mem>>) src(%arg10 : memref<80x128xf32, #tpu.memory_space<vmem>>) dst(%dma_wait3A_66 : memref<80x128xf32, #tpu.memory_space<vmem_shared>>)
      tpu.yield
    }) : () -> ()
    %mul3A_39 = arith.constant 640 : i32
    %mul3A_40 = arith.muli %arg1, %mul3A_39 : i32
    %add3A_41 = arith.constant 480 : i32
    %add3A_42 = arith.addi %mul3A_40, %add3A_41 : i32
    "tpu.region"() ({
      %run_scoped3A = tpu.sem_alloc : memref<!tpu.dma_semaphore, #tpu.memory_space<semaphore_mem>>
      %dma_start3A = arith.constant 0 : i32
      %dma_start3A_61 = tpu.memref_slice %arg11[%add3A_42, %dma_start3A] : memref<10240x128xf32, #tpu.memory_space<vmem_shared>> -> memref<80x128xf32, #tpu.memory_space<vmem_shared>>
      %dma_start3A_62 = arith.constant 0 : i32
      %dma_start3A_63 = tpu.memref_slice %arg11[%add3A_42, %dma_start3A_62] : memref<10240x128xf32, #tpu.memory_space<vmem_shared>> -> memref<80x128xf32, #tpu.memory_space<vmem_shared>>
      tpu.enqueue_dma source(%arg10 : memref<80x128xf32, #tpu.memory_space<vmem>>) target(%dma_start3A_63 : memref<80x128xf32, #tpu.memory_space<vmem_shared>>) target_semaphore(%run_scoped3A : memref<!tpu.dma_semaphore, #tpu.memory_space<semaphore_mem>>)
      %dma_wait3A = arith.constant 0 : i32
      %dma_wait3A_64 = tpu.memref_slice %arg11[%add3A_42, %dma_wait3A] : memref<10240x128xf32, #tpu.memory_space<vmem_shared>> -> memref<80x128xf32, #tpu.memory_space<vmem_shared>>
      %dma_wait3A_65 = arith.constant 0 : i32
      %dma_wait3A_66 = tpu.memref_slice %arg11[%add3A_42, %dma_wait3A_65] : memref<10240x128xf32, #tpu.memory_space<vmem_shared>> -> memref<80x128xf32, #tpu.memory_space<vmem_shared>>
      tpu.wait_dma2 semaphore(%run_scoped3A : memref<!tpu.dma_semaphore, #tpu.memory_space<semaphore_mem>>) src(%arg10 : memref<80x128xf32, #tpu.memory_space<vmem>>) dst(%dma_wait3A_66 : memref<80x128xf32, #tpu.memory_space<vmem_shared>>)
      tpu.yield
    }) : () -> ()
    %mul3A_43 = arith.constant 640 : i32
    %mul3A_44 = arith.muli %arg1, %mul3A_43 : i32
    %add3A_45 = arith.constant 560 : i32
    %add3A_46 = arith.addi %mul3A_44, %add3A_45 : i32
    "tpu.region"() ({
      %run_scoped3A = tpu.sem_alloc : memref<!tpu.dma_semaphore, #tpu.memory_space<semaphore_mem>>
      %dma_start3A = arith.constant 0 : i32
      %dma_start3A_61 = tpu.memref_slice %arg11[%add3A_46, %dma_start3A] : memref<10240x128xf32, #tpu.memory_space<vmem_shared>> -> memref<80x128xf32, #tpu.memory_space<vmem_shared>>
      %dma_start3A_62 = arith.constant 0 : i32
      %dma_start3A_63 = tpu.memref_slice %arg11[%add3A_46, %dma_start3A_62] : memref<10240x128xf32, #tpu.memory_space<vmem_shared>> -> memref<80x128xf32, #tpu.memory_space<vmem_shared>>
      tpu.enqueue_dma source(%arg10 : memref<80x128xf32, #tpu.memory_space<vmem>>) target(%dma_start3A_63 : memref<80x128xf32, #tpu.memory_space<vmem_shared>>) target_semaphore(%run_scoped3A : memref<!tpu.dma_semaphore, #tpu.memory_space<semaphore_mem>>)
      %dma_wait3A = arith.constant 0 : i32
      %dma_wait3A_64 = tpu.memref_slice %arg11[%add3A_46, %dma_wait3A] : memref<10240x128xf32, #tpu.memory_space<vmem_shared>> -> memref<80x128xf32, #tpu.memory_space<vmem_shared>>
      %dma_wait3A_65 = arith.constant 0 : i32
      %dma_wait3A_66 = tpu.memref_slice %arg11[%add3A_46, %dma_wait3A_65] : memref<10240x128xf32, #tpu.memory_space<vmem_shared>> -> memref<80x128xf32, #tpu.memory_space<vmem_shared>>
      tpu.wait_dma2 semaphore(%run_scoped3A : memref<!tpu.dma_semaphore, #tpu.memory_space<semaphore_mem>>) src(%arg10 : memref<80x128xf32, #tpu.memory_space<vmem>>) dst(%dma_wait3A_66 : memref<80x128xf32, #tpu.memory_space<vmem_shared>>)
      tpu.yield
    }) : () -> ()
    %barrier3A = arith.constant 0 : index
    tpu.barrier barrier_id(%barrier3A)
    %scan3A_47 = arith.constant 0 : i32
    %scan3A_48 = arith.constant 0 : i32
    %scan3A_49 = arith.constant 125 : i32
    %scan3A_50 = arith.addi %scan3A_48, %scan3A_49 : i32
    %scan3A_51 = arith.constant 1 : i32
    %scan3A_52 = scf.for %scan3A_61 = %scan3A_48 to %scan3A_50 step %scan3A_51 iter_args(%scan3A_62 = %scan3A_47) -> (i32)  : i32 {
      %get3A = arith.index_cast %scan3A_61 : i32 to index
      %get3A_63 = arith.constant 0 : index
      %get3A_64 = tpu.vector_load %arg6[%get3A, %get3A_63] {strides = array<i32>} : memref<125x80xi32, #tpu.memory_space<vmem>>, vector<16xi32>,
      %swap3A = arith.constant 0 : index
      %swap3A_65 = tpu.vector_load %arg8[%swap3A] {strides = array<i32>} : memref<80xi32, #tpu.memory_space<vmem>>, vector<16xi32>,
      tpu.vector_store %arg8[%swap3A], %get3A_64 {strides = array<i32>} : memref<80xi32, #tpu.memory_space<vmem>>, vector<16xi32>,
      %get3A_66 = arith.index_cast %scan3A_61 : i32 to index
      %get3A_67 = arith.constant 0 : index
      %get3A_68 = tpu.vector_load %arg7[%get3A_66, %get3A_67] {strides = array<i32>} : memref<125x80xi32, #tpu.memory_space<vmem>>, vector<16xi32>,
      %swap3A_69 = arith.constant 0 : index
      %swap3A_70 = tpu.vector_load %arg9[%swap3A_69] {strides = array<i32>} : memref<80xi32, #tpu.memory_space<vmem>>, vector<16xi32>,
      tpu.vector_store %arg9[%swap3A_69], %get3A_68 {strides = array<i32>} : memref<80xi32, #tpu.memory_space<vmem>>, vector<16xi32>,
      %get3A_71 = arith.index_cast %scan3A_61 : i32 to index
      %get3A_72 = arith.constant 16 : index
      %get3A_73 = tpu.vector_load %arg6[%get3A_71, %get3A_72] {strides = array<i32>} : memref<125x80xi32, #tpu.memory_space<vmem>>, vector<16xi32>,
      %swap3A_74 = arith.constant 16 : index
      %swap3A_75 = tpu.vector_load %arg8[%swap3A_74] {strides = array<i32>} : memref<80xi32, #tpu.memory_space<vmem>>, vector<16xi32>,
      tpu.vector_store %arg8[%swap3A_74], %get3A_73 {strides = array<i32>} : memref<80xi32, #tpu.memory_space<vmem>>, vector<16xi32>,
      %get3A_76 = arith.index_cast %scan3A_61 : i32 to index
      %get3A_77 = arith.constant 16 : index
      %get3A_78 = tpu.vector_load %arg7[%get3A_76, %get3A_77] {strides = array<i32>} : memref<125x80xi32, #tpu.memory_space<vmem>>, vector<16xi32>,
      %swap3A_79 = arith.constant 16 : index
      %swap3A_80 = tpu.vector_load %arg9[%swap3A_79] {strides = array<i32>} : memref<80xi32, #tpu.memory_space<vmem>>, vector<16xi32>,
      tpu.vector_store %arg9[%swap3A_79], %get3A_78 {strides = array<i32>} : memref<80xi32, #tpu.memory_space<vmem>>, vector<16xi32>,
      %get3A_81 = arith.index_cast %scan3A_61 : i32 to index
      %get3A_82 = arith.constant 32 : index
      %get3A_83 = tpu.vector_load %arg6[%get3A_81, %get3A_82] {strides = array<i32>} : memref<125x80xi32, #tpu.memory_space<vmem>>, vector<16xi32>,
      %swap3A_84 = arith.constant 32 : index
      %swap3A_85 = tpu.vector_load %arg8[%swap3A_84] {strides = array<i32>} : memref<80xi32, #tpu.memory_space<vmem>>, vector<16xi32>,
      tpu.vector_store %arg8[%swap3A_84], %get3A_83 {strides = array<i32>} : memref<80xi32, #tpu.memory_space<vmem>>, vector<16xi32>,
      %get3A_86 = arith.index_cast %scan3A_61 : i32 to index
      %get3A_87 = arith.constant 32 : index
      %get3A_88 = tpu.vector_load %arg7[%get3A_86, %get3A_87] {strides = array<i32>} : memref<125x80xi32, #tpu.memory_space<vmem>>, vector<16xi32>,
      %swap3A_89 = arith.constant 32 : index
      %swap3A_90 = tpu.vector_load %arg9[%swap3A_89] {strides = array<i32>} : memref<80xi32, #tpu.memory_space<vmem>>, vector<16xi32>,
      tpu.vector_store %arg9[%swap3A_89], %get3A_88 {strides = array<i32>} : memref<80xi32, #tpu.memory_space<vmem>>, vector<16xi32>,
      %get3A_91 = arith.index_cast %scan3A_61 : i32 to index
      %get3A_92 = arith.constant 48 : index
      %get3A_93 = tpu.vector_load %arg6[%get3A_91, %get3A_92] {strides = array<i32>} : memref<125x80xi32, #tpu.memory_space<vmem>>, vector<16xi32>,
      %swap3A_94 = arith.constant 48 : index
      %swap3A_95 = tpu.vector_load %arg8[%swap3A_94] {strides = array<i32>} : memref<80xi32, #tpu.memory_space<vmem>>, vector<16xi32>,
      tpu.vector_store %arg8[%swap3A_94], %get3A_93 {strides = array<i32>} : memref<80xi32, #tpu.memory_space<vmem>>, vector<16xi32>,
      %get3A_96 = arith.index_cast %scan3A_61 : i32 to index
      %get3A_97 = arith.constant 48 : index
      %get3A_98 = tpu.vector_load %arg7[%get3A_96, %get3A_97] {strides = array<i32>} : memref<125x80xi32, #tpu.memory_space<vmem>>, vector<16xi32>,
      %swap3A_99 = arith.constant 48 : index
      %swap3A_100 = tpu.vector_load %arg9[%swap3A_99] {strides = array<i32>} : memref<80xi32, #tpu.memory_space<vmem>>, vector<16xi32>,
      tpu.vector_store %arg9[%swap3A_99], %get3A_98 {strides = array<i32>} : memref<80xi32, #tpu.memory_space<vmem>>, vector<16xi32>,
      %get3A_101 = arith.index_cast %scan3A_61 : i32 to index
      %get3A_102 = arith.constant 64 : index
      %get3A_103 = tpu.vector_load %arg6[%get3A_101, %get3A_102] {strides = array<i32>} : memref<125x80xi32, #tpu.memory_space<vmem>>, vector<16xi32>,
      %swap3A_104 = arith.constant 64 : index
      %swap3A_105 = tpu.vector_load %arg8[%swap3A_104] {strides = array<i32>} : memref<80xi32, #tpu.memory_space<vmem>>, vector<16xi32>,
      tpu.vector_store %arg8[%swap3A_104], %get3A_103 {strides = array<i32>} : memref<80xi32, #tpu.memory_space<vmem>>, vector<16xi32>,
      %get3A_106 = arith.index_cast %scan3A_61 : i32 to index
      %get3A_107 = arith.constant 64 : index
      %get3A_108 = tpu.vector_load %arg7[%get3A_106, %get3A_107] {strides = array<i32>} : memref<125x80xi32, #tpu.memory_space<vmem>>, vector<16xi32>,
      %swap3A_109 = arith.constant 64 : index
      %swap3A_110 = tpu.vector_load %arg9[%swap3A_109] {strides = array<i32>} : memref<80xi32, #tpu.memory_space<vmem>>, vector<16xi32>,
      tpu.vector_store %arg9[%swap3A_109], %get3A_108 {strides = array<i32>} : memref<80xi32, #tpu.memory_space<vmem>>, vector<16xi32>,
      %dma_start3A = arith.constant 0 : i32
      %dma_start3A_111 = arith.constant 0 : i32
      %dma_start3A_112 = tpu.memref_slice %arg2[%dma_start3A, %dma_start3A_111] : memref<10000x128xf32, #tpu.memory_space<hbm>> -> memref<10000x128xf32, #tpu.memory_space<hbm>>
      tpu.enqueue_indirect_dma source(%dma_start3A_112 : memref<10000x128xf32, #tpu.memory_space<hbm>>) target(%arg10 : memref<80x128xf32, #tpu.memory_space<vmem>>) offsets(%arg8 : memref<80xi32, #tpu.memory_space<vmem>>) semaphore(%arg12 : memref<!tpu.dma_semaphore, #tpu.memory_space<semaphore_mem>>)
      %dma_wait3A = arith.constant 0 : i32
      %dma_wait3A_113 = arith.constant 0 : i32
      %dma_wait3A_114 = tpu.memref_slice %arg2[%dma_wait3A, %dma_wait3A_113] : memref<10000x128xf32, #tpu.memory_space<hbm>> -> memref<10000x128xf32, #tpu.memory_space<hbm>>
      tpu.wait_indirect_dma semaphore(%arg12 : memref<!tpu.dma_semaphore, #tpu.memory_space<semaphore_mem>>) src(%dma_wait3A_114 : memref<10000x128xf32, #tpu.memory_space<hbm>>) dst(%arg10 : memref<80x128xf32, #tpu.memory_space<vmem>>)
      "tpu.region"() ({
        %run_scoped3A = tpu.sem_alloc : memref<!tpu.dma_semaphore, #tpu.memory_space<semaphore_mem>>
        %dma_start3A_116 = arith.constant 0 : i32
        %dma_start3A_117 = arith.constant 0 : i32
        %dma_start3A_118 = tpu.memref_slice %arg11[%dma_start3A_116, %dma_start3A_117] : memref<10240x128xf32, #tpu.memory_space<vmem_shared>> -> memref<10240x128xf32, #tpu.memory_space<vmem_shared>>
        tpu.enqueue_indirect_dma source(%arg10 : memref<80x128xf32, #tpu.memory_space<vmem>>) target(%dma_start3A_118 : memref<10240x128xf32, #tpu.memory_space<vmem_shared>>) offsets(%arg9 : memref<80xi32, #tpu.memory_space<vmem>>) semaphore(%run_scoped3A : memref<!tpu.dma_semaphore, #tpu.memory_space<semaphore_mem>>) {add = true}
        %dma_wait3A_119 = arith.constant 0 : i32
        %dma_wait3A_120 = arith.constant 0 : i32
        %dma_wait3A_121 = tpu.memref_slice %arg11[%dma_wait3A_119, %dma_wait3A_120] : memref<10240x128xf32, #tpu.memory_space<vmem_shared>> -> memref<10240x128xf32, #tpu.memory_space<vmem_shared>>
        tpu.wait_indirect_dma semaphore(%run_scoped3A : memref<!tpu.dma_semaphore, #tpu.memory_space<semaphore_mem>>) src(%arg10 : memref<80x128xf32, #tpu.memory_space<vmem>>) dst(%dma_wait3A_121 : memref<10240x128xf32, #tpu.memory_space<vmem_shared>>)
        tpu.yield
      }) : () -> ()
      %scan3A_115 = arith.constant 0 : i32
      scf.yield %scan3A_115 : i32
    }
    %scan3A_53 = arith.constant 125 : i32
    %barrier3A_54 = arith.constant 0 : index
    tpu.barrier barrier_id(%barrier3A_54)
    %mul3A_55 = arith.constant 624 : i32
    %mul3A_56 = arith.muli %arg1, %mul3A_55 : i32
    %mul3A_57 = arith.constant 624 : i32
    %mul3A_58 = arith.muli %arg1, %mul3A_57 : i32
    "tpu.region"() ({
      %run_scoped3A = tpu.sem_alloc : memref<!tpu.dma_semaphore, #tpu.memory_space<semaphore_mem>>
      %dma_start3A = arith.constant 0 : i32
      %dma_start3A_61 = tpu.memref_slice %arg5[%arg0, %mul3A_58, %dma_start3A] : memref<2x10000x128xf32, #tpu.memory_space<hbm>> -> memref<1x624x128xf32, #tpu.memory_space<hbm>>
      %dma_start3A_62 = tpu.memref_squeeze %dma_start3A_61 : memref<1x624x128xf32, #tpu.memory_space<hbm>> -> memref<624x128xf32, #tpu.memory_space<hbm>>
      %dma_start3A_63 = arith.constant 0 : i32
      %dma_start3A_64 = tpu.memref_slice %arg11[%mul3A_56, %dma_start3A_63] : memref<10240x128xf32, #tpu.memory_space<vmem_shared>> -> memref<624x128xf32, #tpu.memory_space<vmem_shared>>
      tpu.enqueue_dma source(%dma_start3A_64 : memref<624x128xf32, #tpu.memory_space<vmem_shared>>) target(%dma_start3A_62 : memref<624x128xf32, #tpu.memory_space<hbm>>) target_semaphore(%run_scoped3A : memref<!tpu.dma_semaphore, #tpu.memory_space<semaphore_mem>>)
      %dma_wait3A = arith.constant 0 : i32
      %dma_wait3A_65 = tpu.memref_slice %arg5[%arg0, %mul3A_58, %dma_wait3A] : memref<2x10000x128xf32, #tpu.memory_space<hbm>> -> memref<1x624x128xf32, #tpu.memory_space<hbm>>
      %dma_wait3A_66 = tpu.memref_squeeze %dma_wait3A_65 : memref<1x624x128xf32, #tpu.memory_space<hbm>> -> memref<624x128xf32, #tpu.memory_space<hbm>>
      %dma_wait3A_67 = arith.constant 0 : i32
      %dma_wait3A_68 = tpu.memref_slice %arg11[%mul3A_56, %dma_wait3A_67] : memref<10240x128xf32, #tpu.memory_space<vmem_shared>> -> memref<624x128xf32, #tpu.memory_space<vmem_shared>>
      tpu.wait_dma2 semaphore(%run_scoped3A : memref<!tpu.dma_semaphore, #tpu.memory_space<semaphore_mem>>) src(%dma_wait3A_68 : memref<624x128xf32, #tpu.memory_space<vmem_shared>>) dst(%dma_wait3A_66 : memref<624x128xf32, #tpu.memory_space<hbm>>)
      tpu.yield
    }) : () -> ()
    %eq3A = arith.constant 15 : i32
    %eq3A_59 = arith.cmpi eq, %arg1, %eq3A : i32
    %convert_element_type3A = arith.extui %eq3A_59 : i1 to i32
    %cond3A = arith.constant 0 : i32
    %cond3A_60 = arith.cmpi ne, %convert_element_type3A, %cond3A : i32
    scf.if %cond3A_60 {
      "tpu.region"() ({
        %run_scoped3A = tpu.sem_alloc : memref<!tpu.dma_semaphore, #tpu.memory_space<semaphore_mem>>
        %dma_start3A = arith.constant 9984 : i32
        %dma_start3A_61 = arith.constant 0 : i32
        %dma_start3A_62 = tpu.memref_slice %arg5[%arg0, %dma_start3A, %dma_start3A_61] : memref<2x10000x128xf32, #tpu.memory_space<hbm>> -> memref<1x16x128xf32, #tpu.memory_space<hbm>>
        %dma_start3A_63 = tpu.memref_squeeze %dma_start3A_62 : memref<1x16x128xf32, #tpu.memory_space<hbm>> -> memref<16x128xf32, #tpu.memory_space<hbm>>
        %dma_start3A_64 = arith.constant 9984 : i32
        %dma_start3A_65 = arith.constant 0 : i32
        %dma_start3A_66 = tpu.memref_slice %arg11[%dma_start3A_64, %dma_start3A_65] : memref<10240x128xf32, #tpu.memory_space<vmem_shared>> -> memref<16x128xf32, #tpu.memory_space<vmem_shared>>
        tpu.enqueue_dma source(%dma_start3A_66 : memref<16x128xf32, #tpu.memory_space<vmem_shared>>) target(%dma_start3A_63 : memref<16x128xf32, #tpu.memory_space<hbm>>) target_semaphore(%run_scoped3A : memref<!tpu.dma_semaphore, #tpu.memory_space<semaphore_mem>>)
        %dma_wait3A = arith.constant 9984 : i32
        %dma_wait3A_67 = arith.constant 0 : i32
        %dma_wait3A_68 = tpu.memref_slice %arg5[%arg0, %dma_wait3A, %dma_wait3A_67] : memref<2x10000x128xf32, #tpu.memory_space<hbm>> -> memref<1x16x128xf32, #tpu.memory_space<hbm>>
        %dma_wait3A_69 = tpu.memref_squeeze %dma_wait3A_68 : memref<1x16x128xf32, #tpu.memory_space<hbm>> -> memref<16x128xf32, #tpu.memory_space<hbm>>
        %dma_wait3A_70 = arith.constant 9984 : i32
        %dma_wait3A_71 = arith.constant 0 : i32
        %dma_wait3A_72 = tpu.memref_slice %arg11[%dma_wait3A_70, %dma_wait3A_71] : memref<10240x128xf32, #tpu.memory_space<vmem_shared>> -> memref<16x128xf32, #tpu.memory_space<vmem_shared>>
        tpu.wait_dma2 semaphore(%run_scoped3A : memref<!tpu.dma_semaphore, #tpu.memory_space<semaphore_mem>>) src(%dma_wait3A_72 : memref<16x128xf32, #tpu.memory_space<vmem_shared>>) dst(%dma_wait3A_69 : memref<16x128xf32, #tpu.memory_space<hbm>>)
        tpu.yield
      }) : () -> ()
    } else {
    }
    return
  }
}

#map = affine_map<(d0, d1) -> (0, 0, 0)>
module attributes {stable_mosaic.version = 14 : i64} {
  func.func @_cnt_body(%arg0: i32, %arg1: i32, %arg2: memref<32x1x10000xi32, #tpu.memory_space<hbm>>, %arg3: memref<32x1x10000xf32, #tpu.memory_space<hbm>>, %arg4: memref<1x10000xi32, #tpu.memory_space<vmem>>, %arg5: memref<1x10000xf32, #tpu.memory_space<vmem>>) attributes {dimension_semantics = [#tpu.dimension_semantics<core_parallel>, #tpu.dimension_semantics<subcore_parallel>], iteration_bounds = array<i64: 2, 16>, scalar_prefetch = 0 : i64, scratch_operands = 2 : i64, tpu.core_type = #tpu.core_type<sc_vector_subcore>, window_params = [{transform_indices = #map}, {transform_indices = #map}]} {
    %mul3A = arith.constant 16 : i32
    %mul3A_0 = arith.muli %arg0, %mul3A : i32
    %add3A = arith.addi %mul3A_0, %arg1 : i32
    %broadcast_in_dim3A = arith.constant 0.000000e+00 : f32
    %broadcast_in_dim3A_1 = vector.broadcast %broadcast_in_dim3A : f32 to vector<16xf32>
    %scan3A = arith.constant 0 : i32
    %scan3A_2 = arith.constant 0 : i32
    %scan3A_3 = arith.constant 625 : i32
    %scan3A_4 = arith.addi %scan3A_2, %scan3A_3 : i32
    %scan3A_5 = arith.constant 1 : i32
    %scan3A_6 = scf.for %scan3A_17 = %scan3A_2 to %scan3A_4 step %scan3A_5 iter_args(%scan3A_18 = %scan3A) -> (i32)  : i32 {
      %mul3A_19 = arith.constant 16 : i32
      %mul3A_20 = arith.muli %scan3A_17, %mul3A_19 : i32
      %swap3A = arith.constant 0 : i32
      %swap3A_21 = arith.index_cast %swap3A : i32 to index
      %swap3A_22 = arith.index_cast %mul3A_20 : i32 to index
      %swap3A_23 = tpu.vector_load %arg5[%swap3A_21, %swap3A_22] {strides = array<i32>} : memref<1x10000xf32, #tpu.memory_space<vmem>>, vector<16xf32>,
      tpu.vector_store %arg5[%swap3A_21, %swap3A_22], %broadcast_in_dim3A_1 {strides = array<i32>} : memref<1x10000xf32, #tpu.memory_space<vmem>>, vector<16xf32>,
      %scan3A_24 = arith.constant 0 : i32
      scf.yield %scan3A_24 : i32
    }
    %scan3A_7 = arith.constant 625 : i32
    "tpu.region"() ({
      %run_scoped3A = tpu.sem_alloc : memref<!tpu.dma_semaphore, #tpu.memory_space<semaphore_mem>>
      %dma_start3A = arith.constant 0 : i32
      %dma_start3A_17 = arith.constant 0 : i32
      %dma_start3A_18 = tpu.memref_slice %arg2[%add3A, %dma_start3A, %dma_start3A_17] : memref<32x1x10000xi32, #tpu.memory_space<hbm>> -> memref<1x1x10000xi32, #tpu.memory_space<hbm>>
      %dma_start3A_19 = tpu.memref_squeeze %dma_start3A_18 : memref<1x1x10000xi32, #tpu.memory_space<hbm>> -> memref<1x10000xi32, #tpu.memory_space<hbm>>
      %dma_start3A_20 = arith.constant 0 : i32
      %dma_start3A_21 = arith.constant 0 : i32
      %dma_start3A_22 = tpu.memref_slice %arg2[%add3A, %dma_start3A_20, %dma_start3A_21] : memref<32x1x10000xi32, #tpu.memory_space<hbm>> -> memref<1x1x10000xi32, #tpu.memory_space<hbm>>
      %dma_start3A_23 = tpu.memref_squeeze %dma_start3A_22 : memref<1x1x10000xi32, #tpu.memory_space<hbm>> -> memref<1x10000xi32, #tpu.memory_space<hbm>>
      tpu.enqueue_dma source(%dma_start3A_23 : memref<1x10000xi32, #tpu.memory_space<hbm>>) target(%arg4 : memref<1x10000xi32, #tpu.memory_space<vmem>>) target_semaphore(%run_scoped3A : memref<!tpu.dma_semaphore, #tpu.memory_space<semaphore_mem>>)
      %dma_wait3A = arith.constant 0 : i32
      %dma_wait3A_24 = arith.constant 0 : i32
      %dma_wait3A_25 = tpu.memref_slice %arg2[%add3A, %dma_wait3A, %dma_wait3A_24] : memref<32x1x10000xi32, #tpu.memory_space<hbm>> -> memref<1x1x10000xi32, #tpu.memory_space<hbm>>
      %dma_wait3A_26 = tpu.memref_squeeze %dma_wait3A_25 : memref<1x1x10000xi32, #tpu.memory_space<hbm>> -> memref<1x10000xi32, #tpu.memory_space<hbm>>
      %dma_wait3A_27 = arith.constant 0 : i32
      %dma_wait3A_28 = arith.constant 0 : i32
      %dma_wait3A_29 = tpu.memref_slice %arg2[%add3A, %dma_wait3A_27, %dma_wait3A_28] : memref<32x1x10000xi32, #tpu.memory_space<hbm>> -> memref<1x1x10000xi32, #tpu.memory_space<hbm>>
      %dma_wait3A_30 = tpu.memref_squeeze %dma_wait3A_29 : memref<1x1x10000xi32, #tpu.memory_space<hbm>> -> memref<1x10000xi32, #tpu.memory_space<hbm>>
      tpu.wait_dma2 semaphore(%run_scoped3A : memref<!tpu.dma_semaphore, #tpu.memory_space<semaphore_mem>>) src(%dma_wait3A_30 : memref<1x10000xi32, #tpu.memory_space<hbm>>) dst(%arg4 : memref<1x10000xi32, #tpu.memory_space<vmem>>)
      tpu.yield
    }) : () -> ()
    %broadcast_in_dim3A_8 = arith.constant 1.000000e+00 : f32
    %broadcast_in_dim3A_9 = vector.broadcast %broadcast_in_dim3A_8 : f32 to vector<16xf32>
    %scan3A_10 = arith.constant 0 : i32
    %scan3A_11 = arith.constant 0 : i32
    %scan3A_12 = arith.constant 625 : i32
    %scan3A_13 = arith.addi %scan3A_11, %scan3A_12 : i32
    %scan3A_14 = arith.constant 1 : i32
    %scan3A_15 = scf.for %scan3A_17 = %scan3A_11 to %scan3A_13 step %scan3A_14 iter_args(%scan3A_18 = %scan3A_10) -> (i32)  : i32 {
      %mul3A_19 = arith.constant 16 : i32
      %mul3A_20 = arith.muli %scan3A_17, %mul3A_19 : i32
      %get3A = arith.constant 0 : i32
      %get3A_21 = arith.index_cast %get3A : i32 to index
      %get3A_22 = arith.index_cast %mul3A_20 : i32 to index
      %get3A_23 = tpu.vector_load %arg4[%get3A_21, %get3A_22] {strides = array<i32>} : memref<1x10000xi32, #tpu.memory_space<vmem>>, vector<16xi32>,
      %scatter3A = arith.constant 0 : i32
      %scatter3A_24 = arith.constant 0 : i32
      %scatter3A_25 = tpu.memref_slice %arg5[%scatter3A, %scatter3A_24] : memref<1x10000xf32, #tpu.memory_space<vmem>> -> memref<1x10000xf32, #tpu.memory_space<vmem>>
      %scatter3A_26 = tpu.memref_squeeze %scatter3A_25 : memref<1x10000xf32, #tpu.memory_space<vmem>> -> memref<10000xf32, #tpu.memory_space<vmem>>
      tpu.vector_store_idx %scatter3A_26[%get3A_23], %broadcast_in_dim3A_9 {add = true} : memref<10000xf32, #tpu.memory_space<vmem>>[vector<16xi32>], vector<16xf32>,
      %scan3A_27 = arith.constant 0 : i32
      scf.yield %scan3A_27 : i32
    }
    %scan3A_16 = arith.constant 625 : i32
    "tpu.region"() ({
      %run_scoped3A = tpu.sem_alloc : memref<!tpu.dma_semaphore, #tpu.memory_space<semaphore_mem>>
      %dma_start3A = arith.constant 0 : i32
      %dma_start3A_17 = arith.constant 0 : i32
      %dma_start3A_18 = tpu.memref_slice %arg3[%add3A, %dma_start3A, %dma_start3A_17] : memref<32x1x10000xf32, #tpu.memory_space<hbm>> -> memref<1x1x10000xf32, #tpu.memory_space<hbm>>
      %dma_start3A_19 = tpu.memref_squeeze %dma_start3A_18 : memref<1x1x10000xf32, #tpu.memory_space<hbm>> -> memref<1x10000xf32, #tpu.memory_space<hbm>>
      %dma_start3A_20 = arith.constant 0 : i32
      %dma_start3A_21 = arith.constant 0 : i32
      %dma_start3A_22 = tpu.memref_slice %arg3[%add3A, %dma_start3A_20, %dma_start3A_21] : memref<32x1x10000xf32, #tpu.memory_space<hbm>> -> memref<1x1x10000xf32, #tpu.memory_space<hbm>>
      %dma_start3A_23 = tpu.memref_squeeze %dma_start3A_22 : memref<1x1x10000xf32, #tpu.memory_space<hbm>> -> memref<1x10000xf32, #tpu.memory_space<hbm>>
      tpu.enqueue_dma source(%arg5 : memref<1x10000xf32, #tpu.memory_space<vmem>>) target(%dma_start3A_23 : memref<1x10000xf32, #tpu.memory_space<hbm>>) target_semaphore(%run_scoped3A : memref<!tpu.dma_semaphore, #tpu.memory_space<semaphore_mem>>)
      %dma_wait3A = arith.constant 0 : i32
      %dma_wait3A_24 = arith.constant 0 : i32
      %dma_wait3A_25 = tpu.memref_slice %arg3[%add3A, %dma_wait3A, %dma_wait3A_24] : memref<32x1x10000xf32, #tpu.memory_space<hbm>> -> memref<1x1x10000xf32, #tpu.memory_space<hbm>>
      %dma_wait3A_26 = tpu.memref_squeeze %dma_wait3A_25 : memref<1x1x10000xf32, #tpu.memory_space<hbm>> -> memref<1x10000xf32, #tpu.memory_space<hbm>>
      %dma_wait3A_27 = arith.constant 0 : i32
      %dma_wait3A_28 = arith.constant 0 : i32
      %dma_wait3A_29 = tpu.memref_slice %arg3[%add3A, %dma_wait3A_27, %dma_wait3A_28] : memref<32x1x10000xf32, #tpu.memory_space<hbm>> -> memref<1x1x10000xf32, #tpu.memory_space<hbm>>
      %dma_wait3A_30 = tpu.memref_squeeze %dma_wait3A_29 : memref<1x1x10000xf32, #tpu.memory_space<hbm>> -> memref<1x10000xf32, #tpu.memory_space<hbm>>
      tpu.wait_dma2 semaphore(%run_scoped3A : memref<!tpu.dma_semaphore, #tpu.memory_space<semaphore_mem>>) src(%arg5 : memref<1x10000xf32, #tpu.memory_space<vmem>>) dst(%dma_wait3A_30 : memref<1x10000xf32, #tpu.memory_space<hbm>>)
      tpu.yield
    }) : () -> ()
    return
  }
}

#map = affine_map<(d0, d1) -> (0, 0)>
#map1 = affine_map<(d0, d1) -> (0, 0, 0)>
module attributes {stable_mosaic.version = 14 : i64} {
  func.func @_agg_body(%arg0: i32, %arg1: i32, %arg2: memref<10000x128xf32, #tpu.memory_space<hbm>>, %arg3: memref<32x125x80xi32, #tpu.memory_space<hbm>>, %arg4: memref<32x125x80xi32, #tpu.memory_space<hbm>>, %arg5: memref<2x10000x128xf32, #tpu.memory_space<hbm>>, %arg6: memref<125x80xi32, #tpu.memory_space<vmem>>, %arg7: memref<125x80xi32, #tpu.memory_space<vmem>>, %arg8: memref<80xi32, #tpu.memory_space<vmem>>, %arg9: memref<80xi32, #tpu.memory_space<vmem>>, %arg10: memref<80x128xf32, #tpu.memory_space<vmem>>, %arg11: memref<10240x128xf32, #tpu.memory_space<vmem_shared>>, %arg12: memref<!tpu.dma_semaphore, #tpu.memory_space<semaphore_mem>>) attributes {dimension_semantics = [#tpu.dimension_semantics<core_parallel>, #tpu.dimension_semantics<subcore_parallel>], iteration_bounds = array<i64: 2, 16>, scalar_prefetch = 0 : i64, scratch_operands = 7 : i64, tpu.core_type = #tpu.core_type<sc_vector_subcore>, window_params = [{transform_indices = #map}, {transform_indices = #map1}, {transform_indices = #map1}, {transform_indices = #map1}]} {
    %mul3A = arith.constant 16 : i32
    %mul3A_0 = arith.muli %arg0, %mul3A : i32
    %add3A = arith.addi %mul3A_0, %arg1 : i32
    %scan3A = arith.constant 0 : i32
    %scan3A_1 = arith.constant 0 : i32
    %scan3A_2 = arith.constant 15 : i32
    %scan3A_3 = arith.addi %scan3A_1, %scan3A_2 : i32
    %scan3A_4 = arith.constant 1 : i32
    %scan3A_5 = scf.for %scan3A_61 = %scan3A_1 to %scan3A_3 step %scan3A_4 iter_args(%scan3A_62 = %scan3A) -> (i32)  : i32 {
      %mul3A_63 = arith.constant 8 : i32
      %mul3A_64 = arith.muli %scan3A_61, %mul3A_63 : i32
      %mul3A_65 = arith.constant 8 : i32
      %mul3A_66 = arith.muli %scan3A_61, %mul3A_65 : i32
      "tpu.region"() ({
        %run_scoped3A = tpu.sem_alloc : memref<!tpu.dma_semaphore, #tpu.memory_space<semaphore_mem>>
        %dma_start3A = arith.constant 0 : i32
        %dma_start3A_72 = tpu.memref_slice %arg6[%mul3A_66, %dma_start3A] : memref<125x80xi32, #tpu.memory_space<vmem>> -> memref<8x80xi32, #tpu.memory_space<vmem>>
        %dma_start3A_73 = arith.constant 0 : i32
        %dma_start3A_74 = tpu.memref_slice %arg3[%add3A, %mul3A_64, %dma_start3A_73] : memref<32x125x80xi32, #tpu.memory_space<hbm>> -> memref<1x8x80xi32, #tpu.memory_space<hbm>>
        %dma_start3A_75 = tpu.memref_squeeze %dma_start3A_74 : memref<1x8x80xi32, #tpu.memory_space<hbm>> -> memref<8x80xi32, #tpu.memory_space<hbm>>
        %dma_start3A_76 = arith.constant 0 : i32
        %dma_start3A_77 = tpu.memref_slice %arg6[%mul3A_66, %dma_start3A_76] : memref<125x80xi32, #tpu.memory_space<vmem>> -> memref<8x80xi32, #tpu.memory_space<vmem>>
        %dma_start3A_78 = arith.constant 0 : i32
        %dma_start3A_79 = tpu.memref_slice %arg3[%add3A, %mul3A_64, %dma_start3A_78] : memref<32x125x80xi32, #tpu.memory_space<hbm>> -> memref<1x8x80xi32, #tpu.memory_space<hbm>>
        %dma_start3A_80 = tpu.memref_squeeze %dma_start3A_79 : memref<1x8x80xi32, #tpu.memory_space<hbm>> -> memref<8x80xi32, #tpu.memory_space<hbm>>
        tpu.enqueue_dma source(%dma_start3A_80 : memref<8x80xi32, #tpu.memory_space<hbm>>) target(%dma_start3A_77 : memref<8x80xi32, #tpu.memory_space<vmem>>) target_semaphore(%run_scoped3A : memref<!tpu.dma_semaphore, #tpu.memory_space<semaphore_mem>>)
        %dma_wait3A = arith.constant 0 : i32
        %dma_wait3A_81 = tpu.memref_slice %arg6[%mul3A_66, %dma_wait3A] : memref<125x80xi32, #tpu.memory_space<vmem>> -> memref<8x80xi32, #tpu.memory_space<vmem>>
        %dma_wait3A_82 = arith.constant 0 : i32
        %dma_wait3A_83 = tpu.memref_slice %arg3[%add3A, %mul3A_64, %dma_wait3A_82] : memref<32x125x80xi32, #tpu.memory_space<hbm>> -> memref<1x8x80xi32, #tpu.memory_space<hbm>>
        %dma_wait3A_84 = tpu.memref_squeeze %dma_wait3A_83 : memref<1x8x80xi32, #tpu.memory_space<hbm>> -> memref<8x80xi32, #tpu.memory_space<hbm>>
        %dma_wait3A_85 = arith.constant 0 : i32
        %dma_wait3A_86 = tpu.memref_slice %arg6[%mul3A_66, %dma_wait3A_85] : memref<125x80xi32, #tpu.memory_space<vmem>> -> memref<8x80xi32, #tpu.memory_space<vmem>>
        %dma_wait3A_87 = arith.constant 0 : i32
        %dma_wait3A_88 = tpu.memref_slice %arg3[%add3A, %mul3A_64, %dma_wait3A_87] : memref<32x125x80xi32, #tpu.memory_space<hbm>> -> memref<1x8x80xi32, #tpu.memory_space<hbm>>
        %dma_wait3A_89 = tpu.memref_squeeze %dma_wait3A_88 : memref<1x8x80xi32, #tpu.memory_space<hbm>> -> memref<8x80xi32, #tpu.memory_space<hbm>>
        tpu.wait_dma2 semaphore(%run_scoped3A : memref<!tpu.dma_semaphore, #tpu.memory_space<semaphore_mem>>) src(%dma_wait3A_89 : memref<8x80xi32, #tpu.memory_space<hbm>>) dst(%dma_wait3A_86 : memref<8x80xi32, #tpu.memory_space<vmem>>)
        tpu.yield
      }) : () -> ()
      %mul3A_67 = arith.constant 8 : i32
      %mul3A_68 = arith.muli %scan3A_61, %mul3A_67 : i32
      %mul3A_69 = arith.constant 8 : i32
      %mul3A_70 = arith.muli %scan3A_61, %mul3A_69 : i32
      "tpu.region"() ({
        %run_scoped3A = tpu.sem_alloc : memref<!tpu.dma_semaphore, #tpu.memory_space<semaphore_mem>>
        %dma_start3A = arith.constant 0 : i32
        %dma_start3A_72 = tpu.memref_slice %arg7[%mul3A_70, %dma_start3A] : memref<125x80xi32, #tpu.memory_space<vmem>> -> memref<8x80xi32, #tpu.memory_space<vmem>>
        %dma_start3A_73 = arith.constant 0 : i32
        %dma_start3A_74 = tpu.memref_slice %arg4[%add3A, %mul3A_68, %dma_start3A_73] : memref<32x125x80xi32, #tpu.memory_space<hbm>> -> memref<1x8x80xi32, #tpu.memory_space<hbm>>
        %dma_start3A_75 = tpu.memref_squeeze %dma_start3A_74 : memref<1x8x80xi32, #tpu.memory_space<hbm>> -> memref<8x80xi32, #tpu.memory_space<hbm>>
        %dma_start3A_76 = arith.constant 0 : i32
        %dma_start3A_77 = tpu.memref_slice %arg7[%mul3A_70, %dma_start3A_76] : memref<125x80xi32, #tpu.memory_space<vmem>> -> memref<8x80xi32, #tpu.memory_space<vmem>>
        %dma_start3A_78 = arith.constant 0 : i32
        %dma_start3A_79 = tpu.memref_slice %arg4[%add3A, %mul3A_68, %dma_start3A_78] : memref<32x125x80xi32, #tpu.memory_space<hbm>> -> memref<1x8x80xi32, #tpu.memory_space<hbm>>
        %dma_start3A_80 = tpu.memref_squeeze %dma_start3A_79 : memref<1x8x80xi32, #tpu.memory_space<hbm>> -> memref<8x80xi32, #tpu.memory_space<hbm>>
        tpu.enqueue_dma source(%dma_start3A_80 : memref<8x80xi32, #tpu.memory_space<hbm>>) target(%dma_start3A_77 : memref<8x80xi32, #tpu.memory_space<vmem>>) target_semaphore(%run_scoped3A : memref<!tpu.dma_semaphore, #tpu.memory_space<semaphore_mem>>)
        %dma_wait3A = arith.constant 0 : i32
        %dma_wait3A_81 = tpu.memref_slice %arg7[%mul3A_70, %dma_wait3A] : memref<125x80xi32, #tpu.memory_space<vmem>> -> memref<8x80xi32, #tpu.memory_space<vmem>>
        %dma_wait3A_82 = arith.constant 0 : i32
        %dma_wait3A_83 = tpu.memref_slice %arg4[%add3A, %mul3A_68, %dma_wait3A_82] : memref<32x125x80xi32, #tpu.memory_space<hbm>> -> memref<1x8x80xi32, #tpu.memory_space<hbm>>
        %dma_wait3A_84 = tpu.memref_squeeze %dma_wait3A_83 : memref<1x8x80xi32, #tpu.memory_space<hbm>> -> memref<8x80xi32, #tpu.memory_space<hbm>>
        %dma_wait3A_85 = arith.constant 0 : i32
        %dma_wait3A_86 = tpu.memref_slice %arg7[%mul3A_70, %dma_wait3A_85] : memref<125x80xi32, #tpu.memory_space<vmem>> -> memref<8x80xi32, #tpu.memory_space<vmem>>
        %dma_wait3A_87 = arith.constant 0 : i32
        %dma_wait3A_88 = tpu.memref_slice %arg4[%add3A, %mul3A_68, %dma_wait3A_87] : memref<32x125x80xi32, #tpu.memory_space<hbm>> -> memref<1x8x80xi32, #tpu.memory_space<hbm>>
        %dma_wait3A_89 = tpu.memref_squeeze %dma_wait3A_88 : memref<1x8x80xi32, #tpu.memory_space<hbm>> -> memref<8x80xi32, #tpu.memory_space<hbm>>
        tpu.wait_dma2 semaphore(%run_scoped3A : memref<!tpu.dma_semaphore, #tpu.memory_space<semaphore_mem>>) src(%dma_wait3A_89 : memref<8x80xi32, #tpu.memory_space<hbm>>) dst(%dma_wait3A_86 : memref<8x80xi32, #tpu.memory_space<vmem>>)
        tpu.yield
      }) : () -> ()
      %scan3A_71 = arith.constant 0 : i32
      scf.yield %scan3A_71 : i32
    }
    %scan3A_6 = arith.constant 15 : i32
    "tpu.region"() ({
      %run_scoped3A = tpu.sem_alloc : memref<!tpu.dma_semaphore, #tpu.memory_space<semaphore_mem>>
      %dma_start3A = arith.constant 120 : i32
      %dma_start3A_61 = arith.constant 0 : i32
      %dma_start3A_62 = tpu.memref_slice %arg6[%dma_start3A, %dma_start3A_61] : memref<125x80xi32, #tpu.memory_space<vmem>> -> memref<5x80xi32, #tpu.memory_space<vmem>>
      %dma_start3A_63 = arith.constant 120 : i32
      %dma_start3A_64 = arith.constant 0 : i32
      %dma_start3A_65 = tpu.memref_slice %arg3[%add3A, %dma_start3A_63, %dma_start3A_64] : memref<32x125x80xi32, #tpu.memory_space<hbm>> -> memref<1x5x80xi32, #tpu.memory_space<hbm>>
      %dma_start3A_66 = tpu.memref_squeeze %dma_start3A_65 : memref<1x5x80xi32, #tpu.memory_space<hbm>> -> memref<5x80xi32, #tpu.memory_space<hbm>>
      %dma_start3A_67 = arith.constant 120 : i32
      %dma_start3A_68 = arith.constant 0 : i32
      %dma_start3A_69 = tpu.memref_slice %arg6[%dma_start3A_67, %dma_start3A_68] : memref<125x80xi32, #tpu.memory_space<vmem>> -> memref<5x80xi32, #tpu.memory_space<vmem>>
      %dma_start3A_70 = arith.constant 120 : i32
      %dma_start3A_71 = arith.constant 0 : i32
      %dma_start3A_72 = tpu.memref_slice %arg3[%add3A, %dma_start3A_70, %dma_start3A_71] : memref<32x125x80xi32, #tpu.memory_space<hbm>> -> memref<1x5x80xi32, #tpu.memory_space<hbm>>
      %dma_start3A_73 = tpu.memref_squeeze %dma_start3A_72 : memref<1x5x80xi32, #tpu.memory_space<hbm>> -> memref<5x80xi32, #tpu.memory_space<hbm>>
      tpu.enqueue_dma source(%dma_start3A_73 : memref<5x80xi32, #tpu.memory_space<hbm>>) target(%dma_start3A_69 : memref<5x80xi32, #tpu.memory_space<vmem>>) target_semaphore(%run_scoped3A : memref<!tpu.dma_semaphore, #tpu.memory_space<semaphore_mem>>)
      %dma_wait3A = arith.constant 120 : i32
      %dma_wait3A_74 = arith.constant 0 : i32
      %dma_wait3A_75 = tpu.memref_slice %arg6[%dma_wait3A, %dma_wait3A_74] : memref<125x80xi32, #tpu.memory_space<vmem>> -> memref<5x80xi32, #tpu.memory_space<vmem>>
      %dma_wait3A_76 = arith.constant 120 : i32
      %dma_wait3A_77 = arith.constant 0 : i32
      %dma_wait3A_78 = tpu.memref_slice %arg3[%add3A, %dma_wait3A_76, %dma_wait3A_77] : memref<32x125x80xi32, #tpu.memory_space<hbm>> -> memref<1x5x80xi32, #tpu.memory_space<hbm>>
      %dma_wait3A_79 = tpu.memref_squeeze %dma_wait3A_78 : memref<1x5x80xi32, #tpu.memory_space<hbm>> -> memref<5x80xi32, #tpu.memory_space<hbm>>
      %dma_wait3A_80 = arith.constant 120 : i32
      %dma_wait3A_81 = arith.constant 0 : i32
      %dma_wait3A_82 = tpu.memref_slice %arg6[%dma_wait3A_80, %dma_wait3A_81] : memref<125x80xi32, #tpu.memory_space<vmem>> -> memref<5x80xi32, #tpu.memory_space<vmem>>
      %dma_wait3A_83 = arith.constant 120 : i32
      %dma_wait3A_84 = arith.constant 0 : i32
      %dma_wait3A_85 = tpu.memref_slice %arg3[%add3A, %dma_wait3A_83, %dma_wait3A_84] : memref<32x125x80xi32, #tpu.memory_space<hbm>> -> memref<1x5x80xi32, #tpu.memory_space<hbm>>
      %dma_wait3A_86 = tpu.memref_squeeze %dma_wait3A_85 : memref<1x5x80xi32, #tpu.memory_space<hbm>> -> memref<5x80xi32, #tpu.memory_space<hbm>>
      tpu.wait_dma2 semaphore(%run_scoped3A : memref<!tpu.dma_semaphore, #tpu.memory_space<semaphore_mem>>) src(%dma_wait3A_86 : memref<5x80xi32, #tpu.memory_space<hbm>>) dst(%dma_wait3A_82 : memref<5x80xi32, #tpu.memory_space<vmem>>)
      tpu.yield
    }) : () -> ()
    "tpu.region"() ({
      %run_scoped3A = tpu.sem_alloc : memref<!tpu.dma_semaphore, #tpu.memory_space<semaphore_mem>>
      %dma_start3A = arith.constant 120 : i32
      %dma_start3A_61 = arith.constant 0 : i32
      %dma_start3A_62 = tpu.memref_slice %arg7[%dma_start3A, %dma_start3A_61] : memref<125x80xi32, #tpu.memory_space<vmem>> -> memref<5x80xi32, #tpu.memory_space<vmem>>
      %dma_start3A_63 = arith.constant 120 : i32
      %dma_start3A_64 = arith.constant 0 : i32
      %dma_start3A_65 = tpu.memref_slice %arg4[%add3A, %dma_start3A_63, %dma_start3A_64] : memref<32x125x80xi32, #tpu.memory_space<hbm>> -> memref<1x5x80xi32, #tpu.memory_space<hbm>>
      %dma_start3A_66 = tpu.memref_squeeze %dma_start3A_65 : memref<1x5x80xi32, #tpu.memory_space<hbm>> -> memref<5x80xi32, #tpu.memory_space<hbm>>
      %dma_start3A_67 = arith.constant 120 : i32
      %dma_start3A_68 = arith.constant 0 : i32
      %dma_start3A_69 = tpu.memref_slice %arg7[%dma_start3A_67, %dma_start3A_68] : memref<125x80xi32, #tpu.memory_space<vmem>> -> memref<5x80xi32, #tpu.memory_space<vmem>>
      %dma_start3A_70 = arith.constant 120 : i32
      %dma_start3A_71 = arith.constant 0 : i32
      %dma_start3A_72 = tpu.memref_slice %arg4[%add3A, %dma_start3A_70, %dma_start3A_71] : memref<32x125x80xi32, #tpu.memory_space<hbm>> -> memref<1x5x80xi32, #tpu.memory_space<hbm>>
      %dma_start3A_73 = tpu.memref_squeeze %dma_start3A_72 : memref<1x5x80xi32, #tpu.memory_space<hbm>> -> memref<5x80xi32, #tpu.memory_space<hbm>>
      tpu.enqueue_dma source(%dma_start3A_73 : memref<5x80xi32, #tpu.memory_space<hbm>>) target(%dma_start3A_69 : memref<5x80xi32, #tpu.memory_space<vmem>>) target_semaphore(%run_scoped3A : memref<!tpu.dma_semaphore, #tpu.memory_space<semaphore_mem>>)
      %dma_wait3A = arith.constant 120 : i32
      %dma_wait3A_74 = arith.constant 0 : i32
      %dma_wait3A_75 = tpu.memref_slice %arg7[%dma_wait3A, %dma_wait3A_74] : memref<125x80xi32, #tpu.memory_space<vmem>> -> memref<5x80xi32, #tpu.memory_space<vmem>>
      %dma_wait3A_76 = arith.constant 120 : i32
      %dma_wait3A_77 = arith.constant 0 : i32
      %dma_wait3A_78 = tpu.memref_slice %arg4[%add3A, %dma_wait3A_76, %dma_wait3A_77] : memref<32x125x80xi32, #tpu.memory_space<hbm>> -> memref<1x5x80xi32, #tpu.memory_space<hbm>>
      %dma_wait3A_79 = tpu.memref_squeeze %dma_wait3A_78 : memref<1x5x80xi32, #tpu.memory_space<hbm>> -> memref<5x80xi32, #tpu.memory_space<hbm>>
      %dma_wait3A_80 = arith.constant 120 : i32
      %dma_wait3A_81 = arith.constant 0 : i32
      %dma_wait3A_82 = tpu.memref_slice %arg7[%dma_wait3A_80, %dma_wait3A_81] : memref<125x80xi32, #tpu.memory_space<vmem>> -> memref<5x80xi32, #tpu.memory_space<vmem>>
      %dma_wait3A_83 = arith.constant 120 : i32
      %dma_wait3A_84 = arith.constant 0 : i32
      %dma_wait3A_85 = tpu.memref_slice %arg4[%add3A, %dma_wait3A_83, %dma_wait3A_84] : memref<32x125x80xi32, #tpu.memory_space<hbm>> -> memref<1x5x80xi32, #tpu.memory_space<hbm>>
      %dma_wait3A_86 = tpu.memref_squeeze %dma_wait3A_85 : memref<1x5x80xi32, #tpu.memory_space<hbm>> -> memref<5x80xi32, #tpu.memory_space<hbm>>
      tpu.wait_dma2 semaphore(%run_scoped3A : memref<!tpu.dma_semaphore, #tpu.memory_space<semaphore_mem>>) src(%dma_wait3A_86 : memref<5x80xi32, #tpu.memory_space<hbm>>) dst(%dma_wait3A_82 : memref<5x80xi32, #tpu.memory_space<vmem>>)
      tpu.yield
    }) : () -> ()
    %broadcast_in_dim3A = arith.constant 0.000000e+00 : f32
    %broadcast_in_dim3A_7 = vector.broadcast %broadcast_in_dim3A : f32 to vector<16xf32>
    %scan3A_8 = arith.constant 0 : i32
    %scan3A_9 = arith.constant 0 : i32
    %scan3A_10 = arith.constant 80 : i32
    %scan3A_11 = arith.addi %scan3A_9, %scan3A_10 : i32
    %scan3A_12 = arith.constant 1 : i32
    %scan3A_13 = scf.for %scan3A_61 = %scan3A_9 to %scan3A_11 step %scan3A_12 iter_args(%scan3A_62 = %scan3A_8) -> (i32)  : i32 {
      %swap3A = arith.index_cast %scan3A_61 : i32 to index
      %swap3A_63 = arith.constant 0 : index
      %swap3A_64 = tpu.vector_load %arg10[%swap3A, %swap3A_63] {strides = array<i32>} : memref<80x128xf32, #tpu.memory_space<vmem>>, vector<16xf32>,
      tpu.vector_store %arg10[%swap3A, %swap3A_63], %broadcast_in_dim3A_7 {strides = array<i32>} : memref<80x128xf32, #tpu.memory_space<vmem>>, vector<16xf32>,
      %swap3A_65 = arith.index_cast %scan3A_61 : i32 to index
      %swap3A_66 = arith.constant 16 : index
      %swap3A_67 = tpu.vector_load %arg10[%swap3A_65, %swap3A_66] {strides = array<i32>} : memref<80x128xf32, #tpu.memory_space<vmem>>, vector<16xf32>,
      tpu.vector_store %arg10[%swap3A_65, %swap3A_66], %broadcast_in_dim3A_7 {strides = array<i32>} : memref<80x128xf32, #tpu.memory_space<vmem>>, vector<16xf32>,
      %swap3A_68 = arith.index_cast %scan3A_61 : i32 to index
      %swap3A_69 = arith.constant 32 : index
      %swap3A_70 = tpu.vector_load %arg10[%swap3A_68, %swap3A_69] {strides = array<i32>} : memref<80x128xf32, #tpu.memory_space<vmem>>, vector<16xf32>,
      tpu.vector_store %arg10[%swap3A_68, %swap3A_69], %broadcast_in_dim3A_7 {strides = array<i32>} : memref<80x128xf32, #tpu.memory_space<vmem>>, vector<16xf32>,
      %swap3A_71 = arith.index_cast %scan3A_61 : i32 to index
      %swap3A_72 = arith.constant 48 : index
      %swap3A_73 = tpu.vector_load %arg10[%swap3A_71, %swap3A_72] {strides = array<i32>} : memref<80x128xf32, #tpu.memory_space<vmem>>, vector<16xf32>,
      tpu.vector_store %arg10[%swap3A_71, %swap3A_72], %broadcast_in_dim3A_7 {strides = array<i32>} : memref<80x128xf32, #tpu.memory_space<vmem>>, vector<16xf32>,
      %swap3A_74 = arith.index_cast %scan3A_61 : i32 to index
      %swap3A_75 = arith.constant 64 : index
      %swap3A_76 = tpu.vector_load %arg10[%swap3A_74, %swap3A_75] {strides = array<i32>} : memref<80x128xf32, #tpu.memory_space<vmem>>, vector<16xf32>,
      tpu.vector_store %arg10[%swap3A_74, %swap3A_75], %broadcast_in_dim3A_7 {strides = array<i32>} : memref<80x128xf32, #tpu.memory_space<vmem>>, vector<16xf32>,
      %swap3A_77 = arith.index_cast %scan3A_61 : i32 to index
      %swap3A_78 = arith.constant 80 : index
      %swap3A_79 = tpu.vector_load %arg10[%swap3A_77, %swap3A_78] {strides = array<i32>} : memref<80x128xf32, #tpu.memory_space<vmem>>, vector<16xf32>,
      tpu.vector_store %arg10[%swap3A_77, %swap3A_78], %broadcast_in_dim3A_7 {strides = array<i32>} : memref<80x128xf32, #tpu.memory_space<vmem>>, vector<16xf32>,
      %swap3A_80 = arith.index_cast %scan3A_61 : i32 to index
      %swap3A_81 = arith.constant 96 : index
      %swap3A_82 = tpu.vector_load %arg10[%swap3A_80, %swap3A_81] {strides = array<i32>} : memref<80x128xf32, #tpu.memory_space<vmem>>, vector<16xf32>,
      tpu.vector_store %arg10[%swap3A_80, %swap3A_81], %broadcast_in_dim3A_7 {strides = array<i32>} : memref<80x128xf32, #tpu.memory_space<vmem>>, vector<16xf32>,
      %swap3A_83 = arith.index_cast %scan3A_61 : i32 to index
      %swap3A_84 = arith.constant 112 : index
      %swap3A_85 = tpu.vector_load %arg10[%swap3A_83, %swap3A_84] {strides = array<i32>} : memref<80x128xf32, #tpu.memory_space<vmem>>, vector<16xf32>,
      tpu.vector_store %arg10[%swap3A_83, %swap3A_84], %broadcast_in_dim3A_7 {strides = array<i32>} : memref<80x128xf32, #tpu.memory_space<vmem>>, vector<16xf32>,
      %scan3A_86 = arith.constant 0 : i32
      scf.yield %scan3A_86 : i32
    }
    %scan3A_14 = arith.constant 80 : i32
    %mul3A_15 = arith.constant 640 : i32
    %mul3A_16 = arith.muli %arg1, %mul3A_15 : i32
    %add3A_17 = arith.constant 0 : i32
    %add3A_18 = arith.addi %mul3A_16, %add3A_17 : i32
    "tpu.region"() ({
      %run_scoped3A = tpu.sem_alloc : memref<!tpu.dma_semaphore, #tpu.memory_space<semaphore_mem>>
      %dma_start3A = arith.constant 0 : i32
      %dma_start3A_61 = tpu.memref_slice %arg11[%add3A_18, %dma_start3A] : memref<10240x128xf32, #tpu.memory_space<vmem_shared>> -> memref<80x128xf32, #tpu.memory_space<vmem_shared>>
      %dma_start3A_62 = arith.constant 0 : i32
      %dma_start3A_63 = tpu.memref_slice %arg11[%add3A_18, %dma_start3A_62] : memref<10240x128xf32, #tpu.memory_space<vmem_shared>> -> memref<80x128xf32, #tpu.memory_space<vmem_shared>>
      tpu.enqueue_dma source(%arg10 : memref<80x128xf32, #tpu.memory_space<vmem>>) target(%dma_start3A_63 : memref<80x128xf32, #tpu.memory_space<vmem_shared>>) target_semaphore(%run_scoped3A : memref<!tpu.dma_semaphore, #tpu.memory_space<semaphore_mem>>)
      %dma_wait3A = arith.constant 0 : i32
      %dma_wait3A_64 = tpu.memref_slice %arg11[%add3A_18, %dma_wait3A] : memref<10240x128xf32, #tpu.memory_space<vmem_shared>> -> memref<80x128xf32, #tpu.memory_space<vmem_shared>>
      %dma_wait3A_65 = arith.constant 0 : i32
      %dma_wait3A_66 = tpu.memref_slice %arg11[%add3A_18, %dma_wait3A_65] : memref<10240x128xf32, #tpu.memory_space<vmem_shared>> -> memref<80x128xf32, #tpu.memory_space<vmem_shared>>
      tpu.wait_dma2 semaphore(%run_scoped3A : memref<!tpu.dma_semaphore, #tpu.memory_space<semaphore_mem>>) src(%arg10 : memref<80x128xf32, #tpu.memory_space<vmem>>) dst(%dma_wait3A_66 : memref<80x128xf32, #tpu.memory_space<vmem_shared>>)
      tpu.yield
    }) : () -> ()
    %mul3A_19 = arith.constant 640 : i32
    %mul3A_20 = arith.muli %arg1, %mul3A_19 : i32
    %add3A_21 = arith.constant 80 : i32
    %add3A_22 = arith.addi %mul3A_20, %add3A_21 : i32
    "tpu.region"() ({
      %run_scoped3A = tpu.sem_alloc : memref<!tpu.dma_semaphore, #tpu.memory_space<semaphore_mem>>
      %dma_start3A = arith.constant 0 : i32
      %dma_start3A_61 = tpu.memref_slice %arg11[%add3A_22, %dma_start3A] : memref<10240x128xf32, #tpu.memory_space<vmem_shared>> -> memref<80x128xf32, #tpu.memory_space<vmem_shared>>
      %dma_start3A_62 = arith.constant 0 : i32
      %dma_start3A_63 = tpu.memref_slice %arg11[%add3A_22, %dma_start3A_62] : memref<10240x128xf32, #tpu.memory_space<vmem_shared>> -> memref<80x128xf32, #tpu.memory_space<vmem_shared>>
      tpu.enqueue_dma source(%arg10 : memref<80x128xf32, #tpu.memory_space<vmem>>) target(%dma_start3A_63 : memref<80x128xf32, #tpu.memory_space<vmem_shared>>) target_semaphore(%run_scoped3A : memref<!tpu.dma_semaphore, #tpu.memory_space<semaphore_mem>>)
      %dma_wait3A = arith.constant 0 : i32
      %dma_wait3A_64 = tpu.memref_slice %arg11[%add3A_22, %dma_wait3A] : memref<10240x128xf32, #tpu.memory_space<vmem_shared>> -> memref<80x128xf32, #tpu.memory_space<vmem_shared>>
      %dma_wait3A_65 = arith.constant 0 : i32
      %dma_wait3A_66 = tpu.memref_slice %arg11[%add3A_22, %dma_wait3A_65] : memref<10240x128xf32, #tpu.memory_space<vmem_shared>> -> memref<80x128xf32, #tpu.memory_space<vmem_shared>>
      tpu.wait_dma2 semaphore(%run_scoped3A : memref<!tpu.dma_semaphore, #tpu.memory_space<semaphore_mem>>) src(%arg10 : memref<80x128xf32, #tpu.memory_space<vmem>>) dst(%dma_wait3A_66 : memref<80x128xf32, #tpu.memory_space<vmem_shared>>)
      tpu.yield
    }) : () -> ()
    %mul3A_23 = arith.constant 640 : i32
    %mul3A_24 = arith.muli %arg1, %mul3A_23 : i32
    %add3A_25 = arith.constant 160 : i32
    %add3A_26 = arith.addi %mul3A_24, %add3A_25 : i32
    "tpu.region"() ({
      %run_scoped3A = tpu.sem_alloc : memref<!tpu.dma_semaphore, #tpu.memory_space<semaphore_mem>>
      %dma_start3A = arith.constant 0 : i32
      %dma_start3A_61 = tpu.memref_slice %arg11[%add3A_26, %dma_start3A] : memref<10240x128xf32, #tpu.memory_space<vmem_shared>> -> memref<80x128xf32, #tpu.memory_space<vmem_shared>>
      %dma_start3A_62 = arith.constant 0 : i32
      %dma_start3A_63 = tpu.memref_slice %arg11[%add3A_26, %dma_start3A_62] : memref<10240x128xf32, #tpu.memory_space<vmem_shared>> -> memref<80x128xf32, #tpu.memory_space<vmem_shared>>
      tpu.enqueue_dma source(%arg10 : memref<80x128xf32, #tpu.memory_space<vmem>>) target(%dma_start3A_63 : memref<80x128xf32, #tpu.memory_space<vmem_shared>>) target_semaphore(%run_scoped3A : memref<!tpu.dma_semaphore, #tpu.memory_space<semaphore_mem>>)
      %dma_wait3A = arith.constant 0 : i32
      %dma_wait3A_64 = tpu.memref_slice %arg11[%add3A_26, %dma_wait3A] : memref<10240x128xf32, #tpu.memory_space<vmem_shared>> -> memref<80x128xf32, #tpu.memory_space<vmem_shared>>
      %dma_wait3A_65 = arith.constant 0 : i32
      %dma_wait3A_66 = tpu.memref_slice %arg11[%add3A_26, %dma_wait3A_65] : memref<10240x128xf32, #tpu.memory_space<vmem_shared>> -> memref<80x128xf32, #tpu.memory_space<vmem_shared>>
      tpu.wait_dma2 semaphore(%run_scoped3A : memref<!tpu.dma_semaphore, #tpu.memory_space<semaphore_mem>>) src(%arg10 : memref<80x128xf32, #tpu.memory_space<vmem>>) dst(%dma_wait3A_66 : memref<80x128xf32, #tpu.memory_space<vmem_shared>>)
      tpu.yield
    }) : () -> ()
    %mul3A_27 = arith.constant 640 : i32
    %mul3A_28 = arith.muli %arg1, %mul3A_27 : i32
    %add3A_29 = arith.constant 240 : i32
    %add3A_30 = arith.addi %mul3A_28, %add3A_29 : i32
    "tpu.region"() ({
      %run_scoped3A = tpu.sem_alloc : memref<!tpu.dma_semaphore, #tpu.memory_space<semaphore_mem>>
      %dma_start3A = arith.constant 0 : i32
      %dma_start3A_61 = tpu.memref_slice %arg11[%add3A_30, %dma_start3A] : memref<10240x128xf32, #tpu.memory_space<vmem_shared>> -> memref<80x128xf32, #tpu.memory_space<vmem_shared>>
      %dma_start3A_62 = arith.constant 0 : i32
      %dma_start3A_63 = tpu.memref_slice %arg11[%add3A_30, %dma_start3A_62] : memref<10240x128xf32, #tpu.memory_space<vmem_shared>> -> memref<80x128xf32, #tpu.memory_space<vmem_shared>>
      tpu.enqueue_dma source(%arg10 : memref<80x128xf32, #tpu.memory_space<vmem>>) target(%dma_start3A_63 : memref<80x128xf32, #tpu.memory_space<vmem_shared>>) target_semaphore(%run_scoped3A : memref<!tpu.dma_semaphore, #tpu.memory_space<semaphore_mem>>)
      %dma_wait3A = arith.constant 0 : i32
      %dma_wait3A_64 = tpu.memref_slice %arg11[%add3A_30, %dma_wait3A] : memref<10240x128xf32, #tpu.memory_space<vmem_shared>> -> memref<80x128xf32, #tpu.memory_space<vmem_shared>>
      %dma_wait3A_65 = arith.constant 0 : i32
      %dma_wait3A_66 = tpu.memref_slice %arg11[%add3A_30, %dma_wait3A_65] : memref<10240x128xf32, #tpu.memory_space<vmem_shared>> -> memref<80x128xf32, #tpu.memory_space<vmem_shared>>
      tpu.wait_dma2 semaphore(%run_scoped3A : memref<!tpu.dma_semaphore, #tpu.memory_space<semaphore_mem>>) src(%arg10 : memref<80x128xf32, #tpu.memory_space<vmem>>) dst(%dma_wait3A_66 : memref<80x128xf32, #tpu.memory_space<vmem_shared>>)
      tpu.yield
    }) : () -> ()
    %mul3A_31 = arith.constant 640 : i32
    %mul3A_32 = arith.muli %arg1, %mul3A_31 : i32
    %add3A_33 = arith.constant 320 : i32
    %add3A_34 = arith.addi %mul3A_32, %add3A_33 : i32
    "tpu.region"() ({
      %run_scoped3A = tpu.sem_alloc : memref<!tpu.dma_semaphore, #tpu.memory_space<semaphore_mem>>
      %dma_start3A = arith.constant 0 : i32
      %dma_start3A_61 = tpu.memref_slice %arg11[%add3A_34, %dma_start3A] : memref<10240x128xf32, #tpu.memory_space<vmem_shared>> -> memref<80x128xf32, #tpu.memory_space<vmem_shared>>
      %dma_start3A_62 = arith.constant 0 : i32
      %dma_start3A_63 = tpu.memref_slice %arg11[%add3A_34, %dma_start3A_62] : memref<10240x128xf32, #tpu.memory_space<vmem_shared>> -> memref<80x128xf32, #tpu.memory_space<vmem_shared>>
      tpu.enqueue_dma source(%arg10 : memref<80x128xf32, #tpu.memory_space<vmem>>) target(%dma_start3A_63 : memref<80x128xf32, #tpu.memory_space<vmem_shared>>) target_semaphore(%run_scoped3A : memref<!tpu.dma_semaphore, #tpu.memory_space<semaphore_mem>>)
      %dma_wait3A = arith.constant 0 : i32
      %dma_wait3A_64 = tpu.memref_slice %arg11[%add3A_34, %dma_wait3A] : memref<10240x128xf32, #tpu.memory_space<vmem_shared>> -> memref<80x128xf32, #tpu.memory_space<vmem_shared>>
      %dma_wait3A_65 = arith.constant 0 : i32
      %dma_wait3A_66 = tpu.memref_slice %arg11[%add3A_34, %dma_wait3A_65] : memref<10240x128xf32, #tpu.memory_space<vmem_shared>> -> memref<80x128xf32, #tpu.memory_space<vmem_shared>>
      tpu.wait_dma2 semaphore(%run_scoped3A : memref<!tpu.dma_semaphore, #tpu.memory_space<semaphore_mem>>) src(%arg10 : memref<80x128xf32, #tpu.memory_space<vmem>>) dst(%dma_wait3A_66 : memref<80x128xf32, #tpu.memory_space<vmem_shared>>)
      tpu.yield
    }) : () -> ()
    %mul3A_35 = arith.constant 640 : i32
    %mul3A_36 = arith.muli %arg1, %mul3A_35 : i32
    %add3A_37 = arith.constant 400 : i32
    %add3A_38 = arith.addi %mul3A_36, %add3A_37 : i32
    "tpu.region"() ({
      %run_scoped3A = tpu.sem_alloc : memref<!tpu.dma_semaphore, #tpu.memory_space<semaphore_mem>>
      %dma_start3A = arith.constant 0 : i32
      %dma_start3A_61 = tpu.memref_slice %arg11[%add3A_38, %dma_start3A] : memref<10240x128xf32, #tpu.memory_space<vmem_shared>> -> memref<80x128xf32, #tpu.memory_space<vmem_shared>>
      %dma_start3A_62 = arith.constant 0 : i32
      %dma_start3A_63 = tpu.memref_slice %arg11[%add3A_38, %dma_start3A_62] : memref<10240x128xf32, #tpu.memory_space<vmem_shared>> -> memref<80x128xf32, #tpu.memory_space<vmem_shared>>
      tpu.enqueue_dma source(%arg10 : memref<80x128xf32, #tpu.memory_space<vmem>>) target(%dma_start3A_63 : memref<80x128xf32, #tpu.memory_space<vmem_shared>>) target_semaphore(%run_scoped3A : memref<!tpu.dma_semaphore, #tpu.memory_space<semaphore_mem>>)
      %dma_wait3A = arith.constant 0 : i32
      %dma_wait3A_64 = tpu.memref_slice %arg11[%add3A_38, %dma_wait3A] : memref<10240x128xf32, #tpu.memory_space<vmem_shared>> -> memref<80x128xf32, #tpu.memory_space<vmem_shared>>
      %dma_wait3A_65 = arith.constant 0 : i32
      %dma_wait3A_66 = tpu.memref_slice %arg11[%add3A_38, %dma_wait3A_65] : memref<10240x128xf32, #tpu.memory_space<vmem_shared>> -> memref<80x128xf32, #tpu.memory_space<vmem_shared>>
      tpu.wait_dma2 semaphore(%run_scoped3A : memref<!tpu.dma_semaphore, #tpu.memory_space<semaphore_mem>>) src(%arg10 : memref<80x128xf32, #tpu.memory_space<vmem>>) dst(%dma_wait3A_66 : memref<80x128xf32, #tpu.memory_space<vmem_shared>>)
      tpu.yield
    }) : () -> ()
    %mul3A_39 = arith.constant 640 : i32
    %mul3A_40 = arith.muli %arg1, %mul3A_39 : i32
    %add3A_41 = arith.constant 480 : i32
    %add3A_42 = arith.addi %mul3A_40, %add3A_41 : i32
    "tpu.region"() ({
      %run_scoped3A = tpu.sem_alloc : memref<!tpu.dma_semaphore, #tpu.memory_space<semaphore_mem>>
      %dma_start3A = arith.constant 0 : i32
      %dma_start3A_61 = tpu.memref_slice %arg11[%add3A_42, %dma_start3A] : memref<10240x128xf32, #tpu.memory_space<vmem_shared>> -> memref<80x128xf32, #tpu.memory_space<vmem_shared>>
      %dma_start3A_62 = arith.constant 0 : i32
      %dma_start3A_63 = tpu.memref_slice %arg11[%add3A_42, %dma_start3A_62] : memref<10240x128xf32, #tpu.memory_space<vmem_shared>> -> memref<80x128xf32, #tpu.memory_space<vmem_shared>>
      tpu.enqueue_dma source(%arg10 : memref<80x128xf32, #tpu.memory_space<vmem>>) target(%dma_start3A_63 : memref<80x128xf32, #tpu.memory_space<vmem_shared>>) target_semaphore(%run_scoped3A : memref<!tpu.dma_semaphore, #tpu.memory_space<semaphore_mem>>)
      %dma_wait3A = arith.constant 0 : i32
      %dma_wait3A_64 = tpu.memref_slice %arg11[%add3A_42, %dma_wait3A] : memref<10240x128xf32, #tpu.memory_space<vmem_shared>> -> memref<80x128xf32, #tpu.memory_space<vmem_shared>>
      %dma_wait3A_65 = arith.constant 0 : i32
      %dma_wait3A_66 = tpu.memref_slice %arg11[%add3A_42, %dma_wait3A_65] : memref<10240x128xf32, #tpu.memory_space<vmem_shared>> -> memref<80x128xf32, #tpu.memory_space<vmem_shared>>
      tpu.wait_dma2 semaphore(%run_scoped3A : memref<!tpu.dma_semaphore, #tpu.memory_space<semaphore_mem>>) src(%arg10 : memref<80x128xf32, #tpu.memory_space<vmem>>) dst(%dma_wait3A_66 : memref<80x128xf32, #tpu.memory_space<vmem_shared>>)
      tpu.yield
    }) : () -> ()
    %mul3A_43 = arith.constant 640 : i32
    %mul3A_44 = arith.muli %arg1, %mul3A_43 : i32
    %add3A_45 = arith.constant 560 : i32
    %add3A_46 = arith.addi %mul3A_44, %add3A_45 : i32
    "tpu.region"() ({
      %run_scoped3A = tpu.sem_alloc : memref<!tpu.dma_semaphore, #tpu.memory_space<semaphore_mem>>
      %dma_start3A = arith.constant 0 : i32
      %dma_start3A_61 = tpu.memref_slice %arg11[%add3A_46, %dma_start3A] : memref<10240x128xf32, #tpu.memory_space<vmem_shared>> -> memref<80x128xf32, #tpu.memory_space<vmem_shared>>
      %dma_start3A_62 = arith.constant 0 : i32
      %dma_start3A_63 = tpu.memref_slice %arg11[%add3A_46, %dma_start3A_62] : memref<10240x128xf32, #tpu.memory_space<vmem_shared>> -> memref<80x128xf32, #tpu.memory_space<vmem_shared>>
      tpu.enqueue_dma source(%arg10 : memref<80x128xf32, #tpu.memory_space<vmem>>) target(%dma_start3A_63 : memref<80x128xf32, #tpu.memory_space<vmem_shared>>) target_semaphore(%run_scoped3A : memref<!tpu.dma_semaphore, #tpu.memory_space<semaphore_mem>>)
      %dma_wait3A = arith.constant 0 : i32
      %dma_wait3A_64 = tpu.memref_slice %arg11[%add3A_46, %dma_wait3A] : memref<10240x128xf32, #tpu.memory_space<vmem_shared>> -> memref<80x128xf32, #tpu.memory_space<vmem_shared>>
      %dma_wait3A_65 = arith.constant 0 : i32
      %dma_wait3A_66 = tpu.memref_slice %arg11[%add3A_46, %dma_wait3A_65] : memref<10240x128xf32, #tpu.memory_space<vmem_shared>> -> memref<80x128xf32, #tpu.memory_space<vmem_shared>>
      tpu.wait_dma2 semaphore(%run_scoped3A : memref<!tpu.dma_semaphore, #tpu.memory_space<semaphore_mem>>) src(%arg10 : memref<80x128xf32, #tpu.memory_space<vmem>>) dst(%dma_wait3A_66 : memref<80x128xf32, #tpu.memory_space<vmem_shared>>)
      tpu.yield
    }) : () -> ()
    %barrier3A = arith.constant 0 : index
    tpu.barrier barrier_id(%barrier3A)
    %scan3A_47 = arith.constant 0 : i32
    %scan3A_48 = arith.constant 0 : i32
    %scan3A_49 = arith.constant 125 : i32
    %scan3A_50 = arith.addi %scan3A_48, %scan3A_49 : i32
    %scan3A_51 = arith.constant 1 : i32
    %scan3A_52 = scf.for %scan3A_61 = %scan3A_48 to %scan3A_50 step %scan3A_51 iter_args(%scan3A_62 = %scan3A_47) -> (i32)  : i32 {
      %get3A = arith.index_cast %scan3A_61 : i32 to index
      %get3A_63 = arith.constant 0 : index
      %get3A_64 = tpu.vector_load %arg6[%get3A, %get3A_63] {strides = array<i32>} : memref<125x80xi32, #tpu.memory_space<vmem>>, vector<16xi32>,
      %swap3A = arith.constant 0 : index
      %swap3A_65 = tpu.vector_load %arg8[%swap3A] {strides = array<i32>} : memref<80xi32, #tpu.memory_space<vmem>>, vector<16xi32>,
      tpu.vector_store %arg8[%swap3A], %get3A_64 {strides = array<i32>} : memref<80xi32, #tpu.memory_space<vmem>>, vector<16xi32>,
      %get3A_66 = arith.index_cast %scan3A_61 : i32 to index
      %get3A_67 = arith.constant 0 : index
      %get3A_68 = tpu.vector_load %arg7[%get3A_66, %get3A_67] {strides = array<i32>} : memref<125x80xi32, #tpu.memory_space<vmem>>, vector<16xi32>,
      %swap3A_69 = arith.constant 0 : index
      %swap3A_70 = tpu.vector_load %arg9[%swap3A_69] {strides = array<i32>} : memref<80xi32, #tpu.memory_space<vmem>>, vector<16xi32>,
      tpu.vector_store %arg9[%swap3A_69], %get3A_68 {strides = array<i32>} : memref<80xi32, #tpu.memory_space<vmem>>, vector<16xi32>,
      %get3A_71 = arith.index_cast %scan3A_61 : i32 to index
      %get3A_72 = arith.constant 16 : index
      %get3A_73 = tpu.vector_load %arg6[%get3A_71, %get3A_72] {strides = array<i32>} : memref<125x80xi32, #tpu.memory_space<vmem>>, vector<16xi32>,
      %swap3A_74 = arith.constant 16 : index
      %swap3A_75 = tpu.vector_load %arg8[%swap3A_74] {strides = array<i32>} : memref<80xi32, #tpu.memory_space<vmem>>, vector<16xi32>,
      tpu.vector_store %arg8[%swap3A_74], %get3A_73 {strides = array<i32>} : memref<80xi32, #tpu.memory_space<vmem>>, vector<16xi32>,
      %get3A_76 = arith.index_cast %scan3A_61 : i32 to index
      %get3A_77 = arith.constant 16 : index
      %get3A_78 = tpu.vector_load %arg7[%get3A_76, %get3A_77] {strides = array<i32>} : memref<125x80xi32, #tpu.memory_space<vmem>>, vector<16xi32>,
      %swap3A_79 = arith.constant 16 : index
      %swap3A_80 = tpu.vector_load %arg9[%swap3A_79] {strides = array<i32>} : memref<80xi32, #tpu.memory_space<vmem>>, vector<16xi32>,
      tpu.vector_store %arg9[%swap3A_79], %get3A_78 {strides = array<i32>} : memref<80xi32, #tpu.memory_space<vmem>>, vector<16xi32>,
      %get3A_81 = arith.index_cast %scan3A_61 : i32 to index
      %get3A_82 = arith.constant 32 : index
      %get3A_83 = tpu.vector_load %arg6[%get3A_81, %get3A_82] {strides = array<i32>} : memref<125x80xi32, #tpu.memory_space<vmem>>, vector<16xi32>,
      %swap3A_84 = arith.constant 32 : index
      %swap3A_85 = tpu.vector_load %arg8[%swap3A_84] {strides = array<i32>} : memref<80xi32, #tpu.memory_space<vmem>>, vector<16xi32>,
      tpu.vector_store %arg8[%swap3A_84], %get3A_83 {strides = array<i32>} : memref<80xi32, #tpu.memory_space<vmem>>, vector<16xi32>,
      %get3A_86 = arith.index_cast %scan3A_61 : i32 to index
      %get3A_87 = arith.constant 32 : index
      %get3A_88 = tpu.vector_load %arg7[%get3A_86, %get3A_87] {strides = array<i32>} : memref<125x80xi32, #tpu.memory_space<vmem>>, vector<16xi32>,
      %swap3A_89 = arith.constant 32 : index
      %swap3A_90 = tpu.vector_load %arg9[%swap3A_89] {strides = array<i32>} : memref<80xi32, #tpu.memory_space<vmem>>, vector<16xi32>,
      tpu.vector_store %arg9[%swap3A_89], %get3A_88 {strides = array<i32>} : memref<80xi32, #tpu.memory_space<vmem>>, vector<16xi32>,
      %get3A_91 = arith.index_cast %scan3A_61 : i32 to index
      %get3A_92 = arith.constant 48 : index
      %get3A_93 = tpu.vector_load %arg6[%get3A_91, %get3A_92] {strides = array<i32>} : memref<125x80xi32, #tpu.memory_space<vmem>>, vector<16xi32>,
      %swap3A_94 = arith.constant 48 : index
      %swap3A_95 = tpu.vector_load %arg8[%swap3A_94] {strides = array<i32>} : memref<80xi32, #tpu.memory_space<vmem>>, vector<16xi32>,
      tpu.vector_store %arg8[%swap3A_94], %get3A_93 {strides = array<i32>} : memref<80xi32, #tpu.memory_space<vmem>>, vector<16xi32>,
      %get3A_96 = arith.index_cast %scan3A_61 : i32 to index
      %get3A_97 = arith.constant 48 : index
      %get3A_98 = tpu.vector_load %arg7[%get3A_96, %get3A_97] {strides = array<i32>} : memref<125x80xi32, #tpu.memory_space<vmem>>, vector<16xi32>,
      %swap3A_99 = arith.constant 48 : index
      %swap3A_100 = tpu.vector_load %arg9[%swap3A_99] {strides = array<i32>} : memref<80xi32, #tpu.memory_space<vmem>>, vector<16xi32>,
      tpu.vector_store %arg9[%swap3A_99], %get3A_98 {strides = array<i32>} : memref<80xi32, #tpu.memory_space<vmem>>, vector<16xi32>,
      %get3A_101 = arith.index_cast %scan3A_61 : i32 to index
      %get3A_102 = arith.constant 64 : index
      %get3A_103 = tpu.vector_load %arg6[%get3A_101, %get3A_102] {strides = array<i32>} : memref<125x80xi32, #tpu.memory_space<vmem>>, vector<16xi32>,
      %swap3A_104 = arith.constant 64 : index
      %swap3A_105 = tpu.vector_load %arg8[%swap3A_104] {strides = array<i32>} : memref<80xi32, #tpu.memory_space<vmem>>, vector<16xi32>,
      tpu.vector_store %arg8[%swap3A_104], %get3A_103 {strides = array<i32>} : memref<80xi32, #tpu.memory_space<vmem>>, vector<16xi32>,
      %get3A_106 = arith.index_cast %scan3A_61 : i32 to index
      %get3A_107 = arith.constant 64 : index
      %get3A_108 = tpu.vector_load %arg7[%get3A_106, %get3A_107] {strides = array<i32>} : memref<125x80xi32, #tpu.memory_space<vmem>>, vector<16xi32>,
      %swap3A_109 = arith.constant 64 : index
      %swap3A_110 = tpu.vector_load %arg9[%swap3A_109] {strides = array<i32>} : memref<80xi32, #tpu.memory_space<vmem>>, vector<16xi32>,
      tpu.vector_store %arg9[%swap3A_109], %get3A_108 {strides = array<i32>} : memref<80xi32, #tpu.memory_space<vmem>>, vector<16xi32>,
      %dma_start3A = arith.constant 0 : i32
      %dma_start3A_111 = arith.constant 0 : i32
      %dma_start3A_112 = tpu.memref_slice %arg2[%dma_start3A, %dma_start3A_111] : memref<10000x128xf32, #tpu.memory_space<hbm>> -> memref<10000x128xf32, #tpu.memory_space<hbm>>
      tpu.enqueue_indirect_dma source(%dma_start3A_112 : memref<10000x128xf32, #tpu.memory_space<hbm>>) target(%arg10 : memref<80x128xf32, #tpu.memory_space<vmem>>) offsets(%arg8 : memref<80xi32, #tpu.memory_space<vmem>>) semaphore(%arg12 : memref<!tpu.dma_semaphore, #tpu.memory_space<semaphore_mem>>)
      %dma_wait3A = arith.constant 0 : i32
      %dma_wait3A_113 = arith.constant 0 : i32
      %dma_wait3A_114 = tpu.memref_slice %arg2[%dma_wait3A, %dma_wait3A_113] : memref<10000x128xf32, #tpu.memory_space<hbm>> -> memref<10000x128xf32, #tpu.memory_space<hbm>>
      tpu.wait_indirect_dma semaphore(%arg12 : memref<!tpu.dma_semaphore, #tpu.memory_space<semaphore_mem>>) src(%dma_wait3A_114 : memref<10000x128xf32, #tpu.memory_space<hbm>>) dst(%arg10 : memref<80x128xf32, #tpu.memory_space<vmem>>)
      "tpu.region"() ({
        %run_scoped3A = tpu.sem_alloc : memref<!tpu.dma_semaphore, #tpu.memory_space<semaphore_mem>>
        %dma_start3A_116 = arith.constant 0 : i32
        %dma_start3A_117 = arith.constant 0 : i32
        %dma_start3A_118 = tpu.memref_slice %arg11[%dma_start3A_116, %dma_start3A_117] : memref<10240x128xf32, #tpu.memory_space<vmem_shared>> -> memref<10240x128xf32, #tpu.memory_space<vmem_shared>>
        tpu.enqueue_indirect_dma source(%arg10 : memref<80x128xf32, #tpu.memory_space<vmem>>) target(%dma_start3A_118 : memref<10240x128xf32, #tpu.memory_space<vmem_shared>>) offsets(%arg9 : memref<80xi32, #tpu.memory_space<vmem>>) semaphore(%run_scoped3A : memref<!tpu.dma_semaphore, #tpu.memory_space<semaphore_mem>>) {add = true}
        %dma_wait3A_119 = arith.constant 0 : i32
        %dma_wait3A_120 = arith.constant 0 : i32
        %dma_wait3A_121 = tpu.memref_slice %arg11[%dma_wait3A_119, %dma_wait3A_120] : memref<10240x128xf32, #tpu.memory_space<vmem_shared>> -> memref<10240x128xf32, #tpu.memory_space<vmem_shared>>
        tpu.wait_indirect_dma semaphore(%run_scoped3A : memref<!tpu.dma_semaphore, #tpu.memory_space<semaphore_mem>>) src(%arg10 : memref<80x128xf32, #tpu.memory_space<vmem>>) dst(%dma_wait3A_121 : memref<10240x128xf32, #tpu.memory_space<vmem_shared>>)
        tpu.yield
      }) : () -> ()
      %scan3A_115 = arith.constant 0 : i32
      scf.yield %scan3A_115 : i32
    }
    %scan3A_53 = arith.constant 125 : i32
    %barrier3A_54 = arith.constant 0 : index
    tpu.barrier barrier_id(%barrier3A_54)
    %mul3A_55 = arith.constant 624 : i32
    %mul3A_56 = arith.muli %arg1, %mul3A_55 : i32
    %mul3A_57 = arith.constant 624 : i32
    %mul3A_58 = arith.muli %arg1, %mul3A_57 : i32
    "tpu.region"() ({
      %run_scoped3A = tpu.sem_alloc : memref<!tpu.dma_semaphore, #tpu.memory_space<semaphore_mem>>
      %dma_start3A = arith.constant 0 : i32
      %dma_start3A_61 = tpu.memref_slice %arg5[%arg0, %mul3A_58, %dma_start3A] : memref<2x10000x128xf32, #tpu.memory_space<hbm>> -> memref<1x624x128xf32, #tpu.memory_space<hbm>>
      %dma_start3A_62 = tpu.memref_squeeze %dma_start3A_61 : memref<1x624x128xf32, #tpu.memory_space<hbm>> -> memref<624x128xf32, #tpu.memory_space<hbm>>
      %dma_start3A_63 = arith.constant 0 : i32
      %dma_start3A_64 = tpu.memref_slice %arg11[%mul3A_56, %dma_start3A_63] : memref<10240x128xf32, #tpu.memory_space<vmem_shared>> -> memref<624x128xf32, #tpu.memory_space<vmem_shared>>
      tpu.enqueue_dma source(%dma_start3A_64 : memref<624x128xf32, #tpu.memory_space<vmem_shared>>) target(%dma_start3A_62 : memref<624x128xf32, #tpu.memory_space<hbm>>) target_semaphore(%run_scoped3A : memref<!tpu.dma_semaphore, #tpu.memory_space<semaphore_mem>>)
      %dma_wait3A = arith.constant 0 : i32
      %dma_wait3A_65 = tpu.memref_slice %arg5[%arg0, %mul3A_58, %dma_wait3A] : memref<2x10000x128xf32, #tpu.memory_space<hbm>> -> memref<1x624x128xf32, #tpu.memory_space<hbm>>
      %dma_wait3A_66 = tpu.memref_squeeze %dma_wait3A_65 : memref<1x624x128xf32, #tpu.memory_space<hbm>> -> memref<624x128xf32, #tpu.memory_space<hbm>>
      %dma_wait3A_67 = arith.constant 0 : i32
      %dma_wait3A_68 = tpu.memref_slice %arg11[%mul3A_56, %dma_wait3A_67] : memref<10240x128xf32, #tpu.memory_space<vmem_shared>> -> memref<624x128xf32, #tpu.memory_space<vmem_shared>>
      tpu.wait_dma2 semaphore(%run_scoped3A : memref<!tpu.dma_semaphore, #tpu.memory_space<semaphore_mem>>) src(%dma_wait3A_68 : memref<624x128xf32, #tpu.memory_space<vmem_shared>>) dst(%dma_wait3A_66 : memref<624x128xf32, #tpu.memory_space<hbm>>)
      tpu.yield
    }) : () -> ()
    %eq3A = arith.constant 15 : i32
    %eq3A_59 = arith.cmpi eq, %arg1, %eq3A : i32
    %convert_element_type3A = arith.extui %eq3A_59 : i1 to i32
    %cond3A = arith.constant 0 : i32
    %cond3A_60 = arith.cmpi ne, %convert_element_type3A, %cond3A : i32
    scf.if %cond3A_60 {
      "tpu.region"() ({
        %run_scoped3A = tpu.sem_alloc : memref<!tpu.dma_semaphore, #tpu.memory_space<semaphore_mem>>
        %dma_start3A = arith.constant 9984 : i32
        %dma_start3A_61 = arith.constant 0 : i32
        %dma_start3A_62 = tpu.memref_slice %arg5[%arg0, %dma_start3A, %dma_start3A_61] : memref<2x10000x128xf32, #tpu.memory_space<hbm>> -> memref<1x16x128xf32, #tpu.memory_space<hbm>>
        %dma_start3A_63 = tpu.memref_squeeze %dma_start3A_62 : memref<1x16x128xf32, #tpu.memory_space<hbm>> -> memref<16x128xf32, #tpu.memory_space<hbm>>
        %dma_start3A_64 = arith.constant 9984 : i32
        %dma_start3A_65 = arith.constant 0 : i32
        %dma_start3A_66 = tpu.memref_slice %arg11[%dma_start3A_64, %dma_start3A_65] : memref<10240x128xf32, #tpu.memory_space<vmem_shared>> -> memref<16x128xf32, #tpu.memory_space<vmem_shared>>
        tpu.enqueue_dma source(%dma_start3A_66 : memref<16x128xf32, #tpu.memory_space<vmem_shared>>) target(%dma_start3A_63 : memref<16x128xf32, #tpu.memory_space<hbm>>) target_semaphore(%run_scoped3A : memref<!tpu.dma_semaphore, #tpu.memory_space<semaphore_mem>>)
        %dma_wait3A = arith.constant 9984 : i32
        %dma_wait3A_67 = arith.constant 0 : i32
        %dma_wait3A_68 = tpu.memref_slice %arg5[%arg0, %dma_wait3A, %dma_wait3A_67] : memref<2x10000x128xf32, #tpu.memory_space<hbm>> -> memref<1x16x128xf32, #tpu.memory_space<hbm>>
        %dma_wait3A_69 = tpu.memref_squeeze %dma_wait3A_68 : memref<1x16x128xf32, #tpu.memory_space<hbm>> -> memref<16x128xf32, #tpu.memory_space<hbm>>
        %dma_wait3A_70 = arith.constant 9984 : i32
        %dma_wait3A_71 = arith.constant 0 : i32
        %dma_wait3A_72 = tpu.memref_slice %arg11[%dma_wait3A_70, %dma_wait3A_71] : memref<10240x128xf32, #tpu.memory_space<vmem_shared>> -> memref<16x128xf32, #tpu.memory_space<vmem_shared>>
        tpu.wait_dma2 semaphore(%run_scoped3A : memref<!tpu.dma_semaphore, #tpu.memory_space<semaphore_mem>>) src(%dma_wait3A_72 : memref<16x128xf32, #tpu.memory_space<vmem_shared>>) dst(%dma_wait3A_69 : memref<16x128xf32, #tpu.memory_space<hbm>>)
        tpu.yield
      }) : () -> ()
    } else {
    }
    return
  }
}

#map = affine_map<(d0, d1) -> (0, 0)>
#map1 = affine_map<(d0, d1) -> (0, 0, 0)>
module attributes {stable_mosaic.version = 14 : i64} {
  func.func @_agg_body(%arg0: i32, %arg1: i32, %arg2: memref<10000x128xf32, #tpu.memory_space<hbm>>, %arg3: memref<32x125x80xi32, #tpu.memory_space<hbm>>, %arg4: memref<32x125x80xi32, #tpu.memory_space<hbm>>, %arg5: memref<2x10000x128xf32, #tpu.memory_space<hbm>>, %arg6: memref<125x80xi32, #tpu.memory_space<vmem>>, %arg7: memref<125x80xi32, #tpu.memory_space<vmem>>, %arg8: memref<80xi32, #tpu.memory_space<vmem>>, %arg9: memref<80xi32, #tpu.memory_space<vmem>>, %arg10: memref<80x128xf32, #tpu.memory_space<vmem>>, %arg11: memref<10240x128xf32, #tpu.memory_space<vmem_shared>>, %arg12: memref<!tpu.dma_semaphore, #tpu.memory_space<semaphore_mem>>) attributes {dimension_semantics = [#tpu.dimension_semantics<core_parallel>, #tpu.dimension_semantics<subcore_parallel>], iteration_bounds = array<i64: 2, 16>, scalar_prefetch = 0 : i64, scratch_operands = 7 : i64, tpu.core_type = #tpu.core_type<sc_vector_subcore>, window_params = [{transform_indices = #map}, {transform_indices = #map1}, {transform_indices = #map1}, {transform_indices = #map1}]} {
    %mul3A = arith.constant 16 : i32
    %mul3A_0 = arith.muli %arg0, %mul3A : i32
    %add3A = arith.addi %mul3A_0, %arg1 : i32
    %scan3A = arith.constant 0 : i32
    %scan3A_1 = arith.constant 0 : i32
    %scan3A_2 = arith.constant 15 : i32
    %scan3A_3 = arith.addi %scan3A_1, %scan3A_2 : i32
    %scan3A_4 = arith.constant 1 : i32
    %scan3A_5 = scf.for %scan3A_61 = %scan3A_1 to %scan3A_3 step %scan3A_4 iter_args(%scan3A_62 = %scan3A) -> (i32)  : i32 {
      %mul3A_63 = arith.constant 8 : i32
      %mul3A_64 = arith.muli %scan3A_61, %mul3A_63 : i32
      %mul3A_65 = arith.constant 8 : i32
      %mul3A_66 = arith.muli %scan3A_61, %mul3A_65 : i32
      "tpu.region"() ({
        %run_scoped3A = tpu.sem_alloc : memref<!tpu.dma_semaphore, #tpu.memory_space<semaphore_mem>>
        %dma_start3A = arith.constant 0 : i32
        %dma_start3A_72 = tpu.memref_slice %arg6[%mul3A_66, %dma_start3A] : memref<125x80xi32, #tpu.memory_space<vmem>> -> memref<8x80xi32, #tpu.memory_space<vmem>>
        %dma_start3A_73 = arith.constant 0 : i32
        %dma_start3A_74 = tpu.memref_slice %arg3[%add3A, %mul3A_64, %dma_start3A_73] : memref<32x125x80xi32, #tpu.memory_space<hbm>> -> memref<1x8x80xi32, #tpu.memory_space<hbm>>
        %dma_start3A_75 = tpu.memref_squeeze %dma_start3A_74 : memref<1x8x80xi32, #tpu.memory_space<hbm>> -> memref<8x80xi32, #tpu.memory_space<hbm>>
        %dma_start3A_76 = arith.constant 0 : i32
        %dma_start3A_77 = tpu.memref_slice %arg6[%mul3A_66, %dma_start3A_76] : memref<125x80xi32, #tpu.memory_space<vmem>> -> memref<8x80xi32, #tpu.memory_space<vmem>>
        %dma_start3A_78 = arith.constant 0 : i32
        %dma_start3A_79 = tpu.memref_slice %arg3[%add3A, %mul3A_64, %dma_start3A_78] : memref<32x125x80xi32, #tpu.memory_space<hbm>> -> memref<1x8x80xi32, #tpu.memory_space<hbm>>
        %dma_start3A_80 = tpu.memref_squeeze %dma_start3A_79 : memref<1x8x80xi32, #tpu.memory_space<hbm>> -> memref<8x80xi32, #tpu.memory_space<hbm>>
        tpu.enqueue_dma source(%dma_start3A_80 : memref<8x80xi32, #tpu.memory_space<hbm>>) target(%dma_start3A_77 : memref<8x80xi32, #tpu.memory_space<vmem>>) target_semaphore(%run_scoped3A : memref<!tpu.dma_semaphore, #tpu.memory_space<semaphore_mem>>)
        %dma_wait3A = arith.constant 0 : i32
        %dma_wait3A_81 = tpu.memref_slice %arg6[%mul3A_66, %dma_wait3A] : memref<125x80xi32, #tpu.memory_space<vmem>> -> memref<8x80xi32, #tpu.memory_space<vmem>>
        %dma_wait3A_82 = arith.constant 0 : i32
        %dma_wait3A_83 = tpu.memref_slice %arg3[%add3A, %mul3A_64, %dma_wait3A_82] : memref<32x125x80xi32, #tpu.memory_space<hbm>> -> memref<1x8x80xi32, #tpu.memory_space<hbm>>
        %dma_wait3A_84 = tpu.memref_squeeze %dma_wait3A_83 : memref<1x8x80xi32, #tpu.memory_space<hbm>> -> memref<8x80xi32, #tpu.memory_space<hbm>>
        %dma_wait3A_85 = arith.constant 0 : i32
        %dma_wait3A_86 = tpu.memref_slice %arg6[%mul3A_66, %dma_wait3A_85] : memref<125x80xi32, #tpu.memory_space<vmem>> -> memref<8x80xi32, #tpu.memory_space<vmem>>
        %dma_wait3A_87 = arith.constant 0 : i32
        %dma_wait3A_88 = tpu.memref_slice %arg3[%add3A, %mul3A_64, %dma_wait3A_87] : memref<32x125x80xi32, #tpu.memory_space<hbm>> -> memref<1x8x80xi32, #tpu.memory_space<hbm>>
        %dma_wait3A_89 = tpu.memref_squeeze %dma_wait3A_88 : memref<1x8x80xi32, #tpu.memory_space<hbm>> -> memref<8x80xi32, #tpu.memory_space<hbm>>
        tpu.wait_dma2 semaphore(%run_scoped3A : memref<!tpu.dma_semaphore, #tpu.memory_space<semaphore_mem>>) src(%dma_wait3A_89 : memref<8x80xi32, #tpu.memory_space<hbm>>) dst(%dma_wait3A_86 : memref<8x80xi32, #tpu.memory_space<vmem>>)
        tpu.yield
      }) : () -> ()
      %mul3A_67 = arith.constant 8 : i32
      %mul3A_68 = arith.muli %scan3A_61, %mul3A_67 : i32
      %mul3A_69 = arith.constant 8 : i32
      %mul3A_70 = arith.muli %scan3A_61, %mul3A_69 : i32
      "tpu.region"() ({
        %run_scoped3A = tpu.sem_alloc : memref<!tpu.dma_semaphore, #tpu.memory_space<semaphore_mem>>
        %dma_start3A = arith.constant 0 : i32
        %dma_start3A_72 = tpu.memref_slice %arg7[%mul3A_70, %dma_start3A] : memref<125x80xi32, #tpu.memory_space<vmem>> -> memref<8x80xi32, #tpu.memory_space<vmem>>
        %dma_start3A_73 = arith.constant 0 : i32
        %dma_start3A_74 = tpu.memref_slice %arg4[%add3A, %mul3A_68, %dma_start3A_73] : memref<32x125x80xi32, #tpu.memory_space<hbm>> -> memref<1x8x80xi32, #tpu.memory_space<hbm>>
        %dma_start3A_75 = tpu.memref_squeeze %dma_start3A_74 : memref<1x8x80xi32, #tpu.memory_space<hbm>> -> memref<8x80xi32, #tpu.memory_space<hbm>>
        %dma_start3A_76 = arith.constant 0 : i32
        %dma_start3A_77 = tpu.memref_slice %arg7[%mul3A_70, %dma_start3A_76] : memref<125x80xi32, #tpu.memory_space<vmem>> -> memref<8x80xi32, #tpu.memory_space<vmem>>
        %dma_start3A_78 = arith.constant 0 : i32
        %dma_start3A_79 = tpu.memref_slice %arg4[%add3A, %mul3A_68, %dma_start3A_78] : memref<32x125x80xi32, #tpu.memory_space<hbm>> -> memref<1x8x80xi32, #tpu.memory_space<hbm>>
        %dma_start3A_80 = tpu.memref_squeeze %dma_start3A_79 : memref<1x8x80xi32, #tpu.memory_space<hbm>> -> memref<8x80xi32, #tpu.memory_space<hbm>>
        tpu.enqueue_dma source(%dma_start3A_80 : memref<8x80xi32, #tpu.memory_space<hbm>>) target(%dma_start3A_77 : memref<8x80xi32, #tpu.memory_space<vmem>>) target_semaphore(%run_scoped3A : memref<!tpu.dma_semaphore, #tpu.memory_space<semaphore_mem>>)
        %dma_wait3A = arith.constant 0 : i32
        %dma_wait3A_81 = tpu.memref_slice %arg7[%mul3A_70, %dma_wait3A] : memref<125x80xi32, #tpu.memory_space<vmem>> -> memref<8x80xi32, #tpu.memory_space<vmem>>
        %dma_wait3A_82 = arith.constant 0 : i32
        %dma_wait3A_83 = tpu.memref_slice %arg4[%add3A, %mul3A_68, %dma_wait3A_82] : memref<32x125x80xi32, #tpu.memory_space<hbm>> -> memref<1x8x80xi32, #tpu.memory_space<hbm>>
        %dma_wait3A_84 = tpu.memref_squeeze %dma_wait3A_83 : memref<1x8x80xi32, #tpu.memory_space<hbm>> -> memref<8x80xi32, #tpu.memory_space<hbm>>
        %dma_wait3A_85 = arith.constant 0 : i32
        %dma_wait3A_86 = tpu.memref_slice %arg7[%mul3A_70, %dma_wait3A_85] : memref<125x80xi32, #tpu.memory_space<vmem>> -> memref<8x80xi32, #tpu.memory_space<vmem>>
        %dma_wait3A_87 = arith.constant 0 : i32
        %dma_wait3A_88 = tpu.memref_slice %arg4[%add3A, %mul3A_68, %dma_wait3A_87] : memref<32x125x80xi32, #tpu.memory_space<hbm>> -> memref<1x8x80xi32, #tpu.memory_space<hbm>>
        %dma_wait3A_89 = tpu.memref_squeeze %dma_wait3A_88 : memref<1x8x80xi32, #tpu.memory_space<hbm>> -> memref<8x80xi32, #tpu.memory_space<hbm>>
        tpu.wait_dma2 semaphore(%run_scoped3A : memref<!tpu.dma_semaphore, #tpu.memory_space<semaphore_mem>>) src(%dma_wait3A_89 : memref<8x80xi32, #tpu.memory_space<hbm>>) dst(%dma_wait3A_86 : memref<8x80xi32, #tpu.memory_space<vmem>>)
        tpu.yield
      }) : () -> ()
      %scan3A_71 = arith.constant 0 : i32
      scf.yield %scan3A_71 : i32
    }
    %scan3A_6 = arith.constant 15 : i32
    "tpu.region"() ({
      %run_scoped3A = tpu.sem_alloc : memref<!tpu.dma_semaphore, #tpu.memory_space<semaphore_mem>>
      %dma_start3A = arith.constant 120 : i32
      %dma_start3A_61 = arith.constant 0 : i32
      %dma_start3A_62 = tpu.memref_slice %arg6[%dma_start3A, %dma_start3A_61] : memref<125x80xi32, #tpu.memory_space<vmem>> -> memref<5x80xi32, #tpu.memory_space<vmem>>
      %dma_start3A_63 = arith.constant 120 : i32
      %dma_start3A_64 = arith.constant 0 : i32
      %dma_start3A_65 = tpu.memref_slice %arg3[%add3A, %dma_start3A_63, %dma_start3A_64] : memref<32x125x80xi32, #tpu.memory_space<hbm>> -> memref<1x5x80xi32, #tpu.memory_space<hbm>>
      %dma_start3A_66 = tpu.memref_squeeze %dma_start3A_65 : memref<1x5x80xi32, #tpu.memory_space<hbm>> -> memref<5x80xi32, #tpu.memory_space<hbm>>
      %dma_start3A_67 = arith.constant 120 : i32
      %dma_start3A_68 = arith.constant 0 : i32
      %dma_start3A_69 = tpu.memref_slice %arg6[%dma_start3A_67, %dma_start3A_68] : memref<125x80xi32, #tpu.memory_space<vmem>> -> memref<5x80xi32, #tpu.memory_space<vmem>>
      %dma_start3A_70 = arith.constant 120 : i32
      %dma_start3A_71 = arith.constant 0 : i32
      %dma_start3A_72 = tpu.memref_slice %arg3[%add3A, %dma_start3A_70, %dma_start3A_71] : memref<32x125x80xi32, #tpu.memory_space<hbm>> -> memref<1x5x80xi32, #tpu.memory_space<hbm>>
      %dma_start3A_73 = tpu.memref_squeeze %dma_start3A_72 : memref<1x5x80xi32, #tpu.memory_space<hbm>> -> memref<5x80xi32, #tpu.memory_space<hbm>>
      tpu.enqueue_dma source(%dma_start3A_73 : memref<5x80xi32, #tpu.memory_space<hbm>>) target(%dma_start3A_69 : memref<5x80xi32, #tpu.memory_space<vmem>>) target_semaphore(%run_scoped3A : memref<!tpu.dma_semaphore, #tpu.memory_space<semaphore_mem>>)
      %dma_wait3A = arith.constant 120 : i32
      %dma_wait3A_74 = arith.constant 0 : i32
      %dma_wait3A_75 = tpu.memref_slice %arg6[%dma_wait3A, %dma_wait3A_74] : memref<125x80xi32, #tpu.memory_space<vmem>> -> memref<5x80xi32, #tpu.memory_space<vmem>>
      %dma_wait3A_76 = arith.constant 120 : i32
      %dma_wait3A_77 = arith.constant 0 : i32
      %dma_wait3A_78 = tpu.memref_slice %arg3[%add3A, %dma_wait3A_76, %dma_wait3A_77] : memref<32x125x80xi32, #tpu.memory_space<hbm>> -> memref<1x5x80xi32, #tpu.memory_space<hbm>>
      %dma_wait3A_79 = tpu.memref_squeeze %dma_wait3A_78 : memref<1x5x80xi32, #tpu.memory_space<hbm>> -> memref<5x80xi32, #tpu.memory_space<hbm>>
      %dma_wait3A_80 = arith.constant 120 : i32
      %dma_wait3A_81 = arith.constant 0 : i32
      %dma_wait3A_82 = tpu.memref_slice %arg6[%dma_wait3A_80, %dma_wait3A_81] : memref<125x80xi32, #tpu.memory_space<vmem>> -> memref<5x80xi32, #tpu.memory_space<vmem>>
      %dma_wait3A_83 = arith.constant 120 : i32
      %dma_wait3A_84 = arith.constant 0 : i32
      %dma_wait3A_85 = tpu.memref_slice %arg3[%add3A, %dma_wait3A_83, %dma_wait3A_84] : memref<32x125x80xi32, #tpu.memory_space<hbm>> -> memref<1x5x80xi32, #tpu.memory_space<hbm>>
      %dma_wait3A_86 = tpu.memref_squeeze %dma_wait3A_85 : memref<1x5x80xi32, #tpu.memory_space<hbm>> -> memref<5x80xi32, #tpu.memory_space<hbm>>
      tpu.wait_dma2 semaphore(%run_scoped3A : memref<!tpu.dma_semaphore, #tpu.memory_space<semaphore_mem>>) src(%dma_wait3A_86 : memref<5x80xi32, #tpu.memory_space<hbm>>) dst(%dma_wait3A_82 : memref<5x80xi32, #tpu.memory_space<vmem>>)
      tpu.yield
    }) : () -> ()
    "tpu.region"() ({
      %run_scoped3A = tpu.sem_alloc : memref<!tpu.dma_semaphore, #tpu.memory_space<semaphore_mem>>
      %dma_start3A = arith.constant 120 : i32
      %dma_start3A_61 = arith.constant 0 : i32
      %dma_start3A_62 = tpu.memref_slice %arg7[%dma_start3A, %dma_start3A_61] : memref<125x80xi32, #tpu.memory_space<vmem>> -> memref<5x80xi32, #tpu.memory_space<vmem>>
      %dma_start3A_63 = arith.constant 120 : i32
      %dma_start3A_64 = arith.constant 0 : i32
      %dma_start3A_65 = tpu.memref_slice %arg4[%add3A, %dma_start3A_63, %dma_start3A_64] : memref<32x125x80xi32, #tpu.memory_space<hbm>> -> memref<1x5x80xi32, #tpu.memory_space<hbm>>
      %dma_start3A_66 = tpu.memref_squeeze %dma_start3A_65 : memref<1x5x80xi32, #tpu.memory_space<hbm>> -> memref<5x80xi32, #tpu.memory_space<hbm>>
      %dma_start3A_67 = arith.constant 120 : i32
      %dma_start3A_68 = arith.constant 0 : i32
      %dma_start3A_69 = tpu.memref_slice %arg7[%dma_start3A_67, %dma_start3A_68] : memref<125x80xi32, #tpu.memory_space<vmem>> -> memref<5x80xi32, #tpu.memory_space<vmem>>
      %dma_start3A_70 = arith.constant 120 : i32
      %dma_start3A_71 = arith.constant 0 : i32
      %dma_start3A_72 = tpu.memref_slice %arg4[%add3A, %dma_start3A_70, %dma_start3A_71] : memref<32x125x80xi32, #tpu.memory_space<hbm>> -> memref<1x5x80xi32, #tpu.memory_space<hbm>>
      %dma_start3A_73 = tpu.memref_squeeze %dma_start3A_72 : memref<1x5x80xi32, #tpu.memory_space<hbm>> -> memref<5x80xi32, #tpu.memory_space<hbm>>
      tpu.enqueue_dma source(%dma_start3A_73 : memref<5x80xi32, #tpu.memory_space<hbm>>) target(%dma_start3A_69 : memref<5x80xi32, #tpu.memory_space<vmem>>) target_semaphore(%run_scoped3A : memref<!tpu.dma_semaphore, #tpu.memory_space<semaphore_mem>>)
      %dma_wait3A = arith.constant 120 : i32
      %dma_wait3A_74 = arith.constant 0 : i32
      %dma_wait3A_75 = tpu.memref_slice %arg7[%dma_wait3A, %dma_wait3A_74] : memref<125x80xi32, #tpu.memory_space<vmem>> -> memref<5x80xi32, #tpu.memory_space<vmem>>
      %dma_wait3A_76 = arith.constant 120 : i32
      %dma_wait3A_77 = arith.constant 0 : i32
      %dma_wait3A_78 = tpu.memref_slice %arg4[%add3A, %dma_wait3A_76, %dma_wait3A_77] : memref<32x125x80xi32, #tpu.memory_space<hbm>> -> memref<1x5x80xi32, #tpu.memory_space<hbm>>
      %dma_wait3A_79 = tpu.memref_squeeze %dma_wait3A_78 : memref<1x5x80xi32, #tpu.memory_space<hbm>> -> memref<5x80xi32, #tpu.memory_space<hbm>>
      %dma_wait3A_80 = arith.constant 120 : i32
      %dma_wait3A_81 = arith.constant 0 : i32
      %dma_wait3A_82 = tpu.memref_slice %arg7[%dma_wait3A_80, %dma_wait3A_81] : memref<125x80xi32, #tpu.memory_space<vmem>> -> memref<5x80xi32, #tpu.memory_space<vmem>>
      %dma_wait3A_83 = arith.constant 120 : i32
      %dma_wait3A_84 = arith.constant 0 : i32
      %dma_wait3A_85 = tpu.memref_slice %arg4[%add3A, %dma_wait3A_83, %dma_wait3A_84] : memref<32x125x80xi32, #tpu.memory_space<hbm>> -> memref<1x5x80xi32, #tpu.memory_space<hbm>>
      %dma_wait3A_86 = tpu.memref_squeeze %dma_wait3A_85 : memref<1x5x80xi32, #tpu.memory_space<hbm>> -> memref<5x80xi32, #tpu.memory_space<hbm>>
      tpu.wait_dma2 semaphore(%run_scoped3A : memref<!tpu.dma_semaphore, #tpu.memory_space<semaphore_mem>>) src(%dma_wait3A_86 : memref<5x80xi32, #tpu.memory_space<hbm>>) dst(%dma_wait3A_82 : memref<5x80xi32, #tpu.memory_space<vmem>>)
      tpu.yield
    }) : () -> ()
    %broadcast_in_dim3A = arith.constant 0.000000e+00 : f32
    %broadcast_in_dim3A_7 = vector.broadcast %broadcast_in_dim3A : f32 to vector<16xf32>
    %scan3A_8 = arith.constant 0 : i32
    %scan3A_9 = arith.constant 0 : i32
    %scan3A_10 = arith.constant 80 : i32
    %scan3A_11 = arith.addi %scan3A_9, %scan3A_10 : i32
    %scan3A_12 = arith.constant 1 : i32
    %scan3A_13 = scf.for %scan3A_61 = %scan3A_9 to %scan3A_11 step %scan3A_12 iter_args(%scan3A_62 = %scan3A_8) -> (i32)  : i32 {
      %swap3A = arith.index_cast %scan3A_61 : i32 to index
      %swap3A_63 = arith.constant 0 : index
      %swap3A_64 = tpu.vector_load %arg10[%swap3A, %swap3A_63] {strides = array<i32>} : memref<80x128xf32, #tpu.memory_space<vmem>>, vector<16xf32>,
      tpu.vector_store %arg10[%swap3A, %swap3A_63], %broadcast_in_dim3A_7 {strides = array<i32>} : memref<80x128xf32, #tpu.memory_space<vmem>>, vector<16xf32>,
      %swap3A_65 = arith.index_cast %scan3A_61 : i32 to index
      %swap3A_66 = arith.constant 16 : index
      %swap3A_67 = tpu.vector_load %arg10[%swap3A_65, %swap3A_66] {strides = array<i32>} : memref<80x128xf32, #tpu.memory_space<vmem>>, vector<16xf32>,
      tpu.vector_store %arg10[%swap3A_65, %swap3A_66], %broadcast_in_dim3A_7 {strides = array<i32>} : memref<80x128xf32, #tpu.memory_space<vmem>>, vector<16xf32>,
      %swap3A_68 = arith.index_cast %scan3A_61 : i32 to index
      %swap3A_69 = arith.constant 32 : index
      %swap3A_70 = tpu.vector_load %arg10[%swap3A_68, %swap3A_69] {strides = array<i32>} : memref<80x128xf32, #tpu.memory_space<vmem>>, vector<16xf32>,
      tpu.vector_store %arg10[%swap3A_68, %swap3A_69], %broadcast_in_dim3A_7 {strides = array<i32>} : memref<80x128xf32, #tpu.memory_space<vmem>>, vector<16xf32>,
      %swap3A_71 = arith.index_cast %scan3A_61 : i32 to index
      %swap3A_72 = arith.constant 48 : index
      %swap3A_73 = tpu.vector_load %arg10[%swap3A_71, %swap3A_72] {strides = array<i32>} : memref<80x128xf32, #tpu.memory_space<vmem>>, vector<16xf32>,
      tpu.vector_store %arg10[%swap3A_71, %swap3A_72], %broadcast_in_dim3A_7 {strides = array<i32>} : memref<80x128xf32, #tpu.memory_space<vmem>>, vector<16xf32>,
      %swap3A_74 = arith.index_cast %scan3A_61 : i32 to index
      %swap3A_75 = arith.constant 64 : index
      %swap3A_76 = tpu.vector_load %arg10[%swap3A_74, %swap3A_75] {strides = array<i32>} : memref<80x128xf32, #tpu.memory_space<vmem>>, vector<16xf32>,
      tpu.vector_store %arg10[%swap3A_74, %swap3A_75], %broadcast_in_dim3A_7 {strides = array<i32>} : memref<80x128xf32, #tpu.memory_space<vmem>>, vector<16xf32>,
      %swap3A_77 = arith.index_cast %scan3A_61 : i32 to index
      %swap3A_78 = arith.constant 80 : index
      %swap3A_79 = tpu.vector_load %arg10[%swap3A_77, %swap3A_78] {strides = array<i32>} : memref<80x128xf32, #tpu.memory_space<vmem>>, vector<16xf32>,
      tpu.vector_store %arg10[%swap3A_77, %swap3A_78], %broadcast_in_dim3A_7 {strides = array<i32>} : memref<80x128xf32, #tpu.memory_space<vmem>>, vector<16xf32>,
      %swap3A_80 = arith.index_cast %scan3A_61 : i32 to index
      %swap3A_81 = arith.constant 96 : index
      %swap3A_82 = tpu.vector_load %arg10[%swap3A_80, %swap3A_81] {strides = array<i32>} : memref<80x128xf32, #tpu.memory_space<vmem>>, vector<16xf32>,
      tpu.vector_store %arg10[%swap3A_80, %swap3A_81], %broadcast_in_dim3A_7 {strides = array<i32>} : memref<80x128xf32, #tpu.memory_space<vmem>>, vector<16xf32>,
      %swap3A_83 = arith.index_cast %scan3A_61 : i32 to index
      %swap3A_84 = arith.constant 112 : index
      %swap3A_85 = tpu.vector_load %arg10[%swap3A_83, %swap3A_84] {strides = array<i32>} : memref<80x128xf32, #tpu.memory_space<vmem>>, vector<16xf32>,
      tpu.vector_store %arg10[%swap3A_83, %swap3A_84], %broadcast_in_dim3A_7 {strides = array<i32>} : memref<80x128xf32, #tpu.memory_space<vmem>>, vector<16xf32>,
      %scan3A_86 = arith.constant 0 : i32
      scf.yield %scan3A_86 : i32
    }
    %scan3A_14 = arith.constant 80 : i32
    %mul3A_15 = arith.constant 640 : i32
    %mul3A_16 = arith.muli %arg1, %mul3A_15 : i32
    %add3A_17 = arith.constant 0 : i32
    %add3A_18 = arith.addi %mul3A_16, %add3A_17 : i32
    "tpu.region"() ({
      %run_scoped3A = tpu.sem_alloc : memref<!tpu.dma_semaphore, #tpu.memory_space<semaphore_mem>>
      %dma_start3A = arith.constant 0 : i32
      %dma_start3A_61 = tpu.memref_slice %arg11[%add3A_18, %dma_start3A] : memref<10240x128xf32, #tpu.memory_space<vmem_shared>> -> memref<80x128xf32, #tpu.memory_space<vmem_shared>>
      %dma_start3A_62 = arith.constant 0 : i32
      %dma_start3A_63 = tpu.memref_slice %arg11[%add3A_18, %dma_start3A_62] : memref<10240x128xf32, #tpu.memory_space<vmem_shared>> -> memref<80x128xf32, #tpu.memory_space<vmem_shared>>
      tpu.enqueue_dma source(%arg10 : memref<80x128xf32, #tpu.memory_space<vmem>>) target(%dma_start3A_63 : memref<80x128xf32, #tpu.memory_space<vmem_shared>>) target_semaphore(%run_scoped3A : memref<!tpu.dma_semaphore, #tpu.memory_space<semaphore_mem>>)
      %dma_wait3A = arith.constant 0 : i32
      %dma_wait3A_64 = tpu.memref_slice %arg11[%add3A_18, %dma_wait3A] : memref<10240x128xf32, #tpu.memory_space<vmem_shared>> -> memref<80x128xf32, #tpu.memory_space<vmem_shared>>
      %dma_wait3A_65 = arith.constant 0 : i32
      %dma_wait3A_66 = tpu.memref_slice %arg11[%add3A_18, %dma_wait3A_65] : memref<10240x128xf32, #tpu.memory_space<vmem_shared>> -> memref<80x128xf32, #tpu.memory_space<vmem_shared>>
      tpu.wait_dma2 semaphore(%run_scoped3A : memref<!tpu.dma_semaphore, #tpu.memory_space<semaphore_mem>>) src(%arg10 : memref<80x128xf32, #tpu.memory_space<vmem>>) dst(%dma_wait3A_66 : memref<80x128xf32, #tpu.memory_space<vmem_shared>>)
      tpu.yield
    }) : () -> ()
    %mul3A_19 = arith.constant 640 : i32
    %mul3A_20 = arith.muli %arg1, %mul3A_19 : i32
    %add3A_21 = arith.constant 80 : i32
    %add3A_22 = arith.addi %mul3A_20, %add3A_21 : i32
    "tpu.region"() ({
      %run_scoped3A = tpu.sem_alloc : memref<!tpu.dma_semaphore, #tpu.memory_space<semaphore_mem>>
      %dma_start3A = arith.constant 0 : i32
      %dma_start3A_61 = tpu.memref_slice %arg11[%add3A_22, %dma_start3A] : memref<10240x128xf32, #tpu.memory_space<vmem_shared>> -> memref<80x128xf32, #tpu.memory_space<vmem_shared>>
      %dma_start3A_62 = arith.constant 0 : i32
      %dma_start3A_63 = tpu.memref_slice %arg11[%add3A_22, %dma_start3A_62] : memref<10240x128xf32, #tpu.memory_space<vmem_shared>> -> memref<80x128xf32, #tpu.memory_space<vmem_shared>>
      tpu.enqueue_dma source(%arg10 : memref<80x128xf32, #tpu.memory_space<vmem>>) target(%dma_start3A_63 : memref<80x128xf32, #tpu.memory_space<vmem_shared>>) target_semaphore(%run_scoped3A : memref<!tpu.dma_semaphore, #tpu.memory_space<semaphore_mem>>)
      %dma_wait3A = arith.constant 0 : i32
      %dma_wait3A_64 = tpu.memref_slice %arg11[%add3A_22, %dma_wait3A] : memref<10240x128xf32, #tpu.memory_space<vmem_shared>> -> memref<80x128xf32, #tpu.memory_space<vmem_shared>>
      %dma_wait3A_65 = arith.constant 0 : i32
      %dma_wait3A_66 = tpu.memref_slice %arg11[%add3A_22, %dma_wait3A_65] : memref<10240x128xf32, #tpu.memory_space<vmem_shared>> -> memref<80x128xf32, #tpu.memory_space<vmem_shared>>
      tpu.wait_dma2 semaphore(%run_scoped3A : memref<!tpu.dma_semaphore, #tpu.memory_space<semaphore_mem>>) src(%arg10 : memref<80x128xf32, #tpu.memory_space<vmem>>) dst(%dma_wait3A_66 : memref<80x128xf32, #tpu.memory_space<vmem_shared>>)
      tpu.yield
    }) : () -> ()
    %mul3A_23 = arith.constant 640 : i32
    %mul3A_24 = arith.muli %arg1, %mul3A_23 : i32
    %add3A_25 = arith.constant 160 : i32
    %add3A_26 = arith.addi %mul3A_24, %add3A_25 : i32
    "tpu.region"() ({
      %run_scoped3A = tpu.sem_alloc : memref<!tpu.dma_semaphore, #tpu.memory_space<semaphore_mem>>
      %dma_start3A = arith.constant 0 : i32
      %dma_start3A_61 = tpu.memref_slice %arg11[%add3A_26, %dma_start3A] : memref<10240x128xf32, #tpu.memory_space<vmem_shared>> -> memref<80x128xf32, #tpu.memory_space<vmem_shared>>
      %dma_start3A_62 = arith.constant 0 : i32
      %dma_start3A_63 = tpu.memref_slice %arg11[%add3A_26, %dma_start3A_62] : memref<10240x128xf32, #tpu.memory_space<vmem_shared>> -> memref<80x128xf32, #tpu.memory_space<vmem_shared>>
      tpu.enqueue_dma source(%arg10 : memref<80x128xf32, #tpu.memory_space<vmem>>) target(%dma_start3A_63 : memref<80x128xf32, #tpu.memory_space<vmem_shared>>) target_semaphore(%run_scoped3A : memref<!tpu.dma_semaphore, #tpu.memory_space<semaphore_mem>>)
      %dma_wait3A = arith.constant 0 : i32
      %dma_wait3A_64 = tpu.memref_slice %arg11[%add3A_26, %dma_wait3A] : memref<10240x128xf32, #tpu.memory_space<vmem_shared>> -> memref<80x128xf32, #tpu.memory_space<vmem_shared>>
      %dma_wait3A_65 = arith.constant 0 : i32
      %dma_wait3A_66 = tpu.memref_slice %arg11[%add3A_26, %dma_wait3A_65] : memref<10240x128xf32, #tpu.memory_space<vmem_shared>> -> memref<80x128xf32, #tpu.memory_space<vmem_shared>>
      tpu.wait_dma2 semaphore(%run_scoped3A : memref<!tpu.dma_semaphore, #tpu.memory_space<semaphore_mem>>) src(%arg10 : memref<80x128xf32, #tpu.memory_space<vmem>>) dst(%dma_wait3A_66 : memref<80x128xf32, #tpu.memory_space<vmem_shared>>)
      tpu.yield
    }) : () -> ()
    %mul3A_27 = arith.constant 640 : i32
    %mul3A_28 = arith.muli %arg1, %mul3A_27 : i32
    %add3A_29 = arith.constant 240 : i32
    %add3A_30 = arith.addi %mul3A_28, %add3A_29 : i32
    "tpu.region"() ({
      %run_scoped3A = tpu.sem_alloc : memref<!tpu.dma_semaphore, #tpu.memory_space<semaphore_mem>>
      %dma_start3A = arith.constant 0 : i32
      %dma_start3A_61 = tpu.memref_slice %arg11[%add3A_30, %dma_start3A] : memref<10240x128xf32, #tpu.memory_space<vmem_shared>> -> memref<80x128xf32, #tpu.memory_space<vmem_shared>>
      %dma_start3A_62 = arith.constant 0 : i32
      %dma_start3A_63 = tpu.memref_slice %arg11[%add3A_30, %dma_start3A_62] : memref<10240x128xf32, #tpu.memory_space<vmem_shared>> -> memref<80x128xf32, #tpu.memory_space<vmem_shared>>
      tpu.enqueue_dma source(%arg10 : memref<80x128xf32, #tpu.memory_space<vmem>>) target(%dma_start3A_63 : memref<80x128xf32, #tpu.memory_space<vmem_shared>>) target_semaphore(%run_scoped3A : memref<!tpu.dma_semaphore, #tpu.memory_space<semaphore_mem>>)
      %dma_wait3A = arith.constant 0 : i32
      %dma_wait3A_64 = tpu.memref_slice %arg11[%add3A_30, %dma_wait3A] : memref<10240x128xf32, #tpu.memory_space<vmem_shared>> -> memref<80x128xf32, #tpu.memory_space<vmem_shared>>
      %dma_wait3A_65 = arith.constant 0 : i32
      %dma_wait3A_66 = tpu.memref_slice %arg11[%add3A_30, %dma_wait3A_65] : memref<10240x128xf32, #tpu.memory_space<vmem_shared>> -> memref<80x128xf32, #tpu.memory_space<vmem_shared>>
      tpu.wait_dma2 semaphore(%run_scoped3A : memref<!tpu.dma_semaphore, #tpu.memory_space<semaphore_mem>>) src(%arg10 : memref<80x128xf32, #tpu.memory_space<vmem>>) dst(%dma_wait3A_66 : memref<80x128xf32, #tpu.memory_space<vmem_shared>>)
      tpu.yield
    }) : () -> ()
    %mul3A_31 = arith.constant 640 : i32
    %mul3A_32 = arith.muli %arg1, %mul3A_31 : i32
    %add3A_33 = arith.constant 320 : i32
    %add3A_34 = arith.addi %mul3A_32, %add3A_33 : i32
    "tpu.region"() ({
      %run_scoped3A = tpu.sem_alloc : memref<!tpu.dma_semaphore, #tpu.memory_space<semaphore_mem>>
      %dma_start3A = arith.constant 0 : i32
      %dma_start3A_61 = tpu.memref_slice %arg11[%add3A_34, %dma_start3A] : memref<10240x128xf32, #tpu.memory_space<vmem_shared>> -> memref<80x128xf32, #tpu.memory_space<vmem_shared>>
      %dma_start3A_62 = arith.constant 0 : i32
      %dma_start3A_63 = tpu.memref_slice %arg11[%add3A_34, %dma_start3A_62] : memref<10240x128xf32, #tpu.memory_space<vmem_shared>> -> memref<80x128xf32, #tpu.memory_space<vmem_shared>>
      tpu.enqueue_dma source(%arg10 : memref<80x128xf32, #tpu.memory_space<vmem>>) target(%dma_start3A_63 : memref<80x128xf32, #tpu.memory_space<vmem_shared>>) target_semaphore(%run_scoped3A : memref<!tpu.dma_semaphore, #tpu.memory_space<semaphore_mem>>)
      %dma_wait3A = arith.constant 0 : i32
      %dma_wait3A_64 = tpu.memref_slice %arg11[%add3A_34, %dma_wait3A] : memref<10240x128xf32, #tpu.memory_space<vmem_shared>> -> memref<80x128xf32, #tpu.memory_space<vmem_shared>>
      %dma_wait3A_65 = arith.constant 0 : i32
      %dma_wait3A_66 = tpu.memref_slice %arg11[%add3A_34, %dma_wait3A_65] : memref<10240x128xf32, #tpu.memory_space<vmem_shared>> -> memref<80x128xf32, #tpu.memory_space<vmem_shared>>
      tpu.wait_dma2 semaphore(%run_scoped3A : memref<!tpu.dma_semaphore, #tpu.memory_space<semaphore_mem>>) src(%arg10 : memref<80x128xf32, #tpu.memory_space<vmem>>) dst(%dma_wait3A_66 : memref<80x128xf32, #tpu.memory_space<vmem_shared>>)
      tpu.yield
    }) : () -> ()
    %mul3A_35 = arith.constant 640 : i32
    %mul3A_36 = arith.muli %arg1, %mul3A_35 : i32
    %add3A_37 = arith.constant 400 : i32
    %add3A_38 = arith.addi %mul3A_36, %add3A_37 : i32
    "tpu.region"() ({
      %run_scoped3A = tpu.sem_alloc : memref<!tpu.dma_semaphore, #tpu.memory_space<semaphore_mem>>
      %dma_start3A = arith.constant 0 : i32
      %dma_start3A_61 = tpu.memref_slice %arg11[%add3A_38, %dma_start3A] : memref<10240x128xf32, #tpu.memory_space<vmem_shared>> -> memref<80x128xf32, #tpu.memory_space<vmem_shared>>
      %dma_start3A_62 = arith.constant 0 : i32
      %dma_start3A_63 = tpu.memref_slice %arg11[%add3A_38, %dma_start3A_62] : memref<10240x128xf32, #tpu.memory_space<vmem_shared>> -> memref<80x128xf32, #tpu.memory_space<vmem_shared>>
      tpu.enqueue_dma source(%arg10 : memref<80x128xf32, #tpu.memory_space<vmem>>) target(%dma_start3A_63 : memref<80x128xf32, #tpu.memory_space<vmem_shared>>) target_semaphore(%run_scoped3A : memref<!tpu.dma_semaphore, #tpu.memory_space<semaphore_mem>>)
      %dma_wait3A = arith.constant 0 : i32
      %dma_wait3A_64 = tpu.memref_slice %arg11[%add3A_38, %dma_wait3A] : memref<10240x128xf32, #tpu.memory_space<vmem_shared>> -> memref<80x128xf32, #tpu.memory_space<vmem_shared>>
      %dma_wait3A_65 = arith.constant 0 : i32
      %dma_wait3A_66 = tpu.memref_slice %arg11[%add3A_38, %dma_wait3A_65] : memref<10240x128xf32, #tpu.memory_space<vmem_shared>> -> memref<80x128xf32, #tpu.memory_space<vmem_shared>>
      tpu.wait_dma2 semaphore(%run_scoped3A : memref<!tpu.dma_semaphore, #tpu.memory_space<semaphore_mem>>) src(%arg10 : memref<80x128xf32, #tpu.memory_space<vmem>>) dst(%dma_wait3A_66 : memref<80x128xf32, #tpu.memory_space<vmem_shared>>)
      tpu.yield
    }) : () -> ()
    %mul3A_39 = arith.constant 640 : i32
    %mul3A_40 = arith.muli %arg1, %mul3A_39 : i32
    %add3A_41 = arith.constant 480 : i32
    %add3A_42 = arith.addi %mul3A_40, %add3A_41 : i32
    "tpu.region"() ({
      %run_scoped3A = tpu.sem_alloc : memref<!tpu.dma_semaphore, #tpu.memory_space<semaphore_mem>>
      %dma_start3A = arith.constant 0 : i32
      %dma_start3A_61 = tpu.memref_slice %arg11[%add3A_42, %dma_start3A] : memref<10240x128xf32, #tpu.memory_space<vmem_shared>> -> memref<80x128xf32, #tpu.memory_space<vmem_shared>>
      %dma_start3A_62 = arith.constant 0 : i32
      %dma_start3A_63 = tpu.memref_slice %arg11[%add3A_42, %dma_start3A_62] : memref<10240x128xf32, #tpu.memory_space<vmem_shared>> -> memref<80x128xf32, #tpu.memory_space<vmem_shared>>
      tpu.enqueue_dma source(%arg10 : memref<80x128xf32, #tpu.memory_space<vmem>>) target(%dma_start3A_63 : memref<80x128xf32, #tpu.memory_space<vmem_shared>>) target_semaphore(%run_scoped3A : memref<!tpu.dma_semaphore, #tpu.memory_space<semaphore_mem>>)
      %dma_wait3A = arith.constant 0 : i32
      %dma_wait3A_64 = tpu.memref_slice %arg11[%add3A_42, %dma_wait3A] : memref<10240x128xf32, #tpu.memory_space<vmem_shared>> -> memref<80x128xf32, #tpu.memory_space<vmem_shared>>
      %dma_wait3A_65 = arith.constant 0 : i32
      %dma_wait3A_66 = tpu.memref_slice %arg11[%add3A_42, %dma_wait3A_65] : memref<10240x128xf32, #tpu.memory_space<vmem_shared>> -> memref<80x128xf32, #tpu.memory_space<vmem_shared>>
      tpu.wait_dma2 semaphore(%run_scoped3A : memref<!tpu.dma_semaphore, #tpu.memory_space<semaphore_mem>>) src(%arg10 : memref<80x128xf32, #tpu.memory_space<vmem>>) dst(%dma_wait3A_66 : memref<80x128xf32, #tpu.memory_space<vmem_shared>>)
      tpu.yield
    }) : () -> ()
    %mul3A_43 = arith.constant 640 : i32
    %mul3A_44 = arith.muli %arg1, %mul3A_43 : i32
    %add3A_45 = arith.constant 560 : i32
    %add3A_46 = arith.addi %mul3A_44, %add3A_45 : i32
    "tpu.region"() ({
      %run_scoped3A = tpu.sem_alloc : memref<!tpu.dma_semaphore, #tpu.memory_space<semaphore_mem>>
      %dma_start3A = arith.constant 0 : i32
      %dma_start3A_61 = tpu.memref_slice %arg11[%add3A_46, %dma_start3A] : memref<10240x128xf32, #tpu.memory_space<vmem_shared>> -> memref<80x128xf32, #tpu.memory_space<vmem_shared>>
      %dma_start3A_62 = arith.constant 0 : i32
      %dma_start3A_63 = tpu.memref_slice %arg11[%add3A_46, %dma_start3A_62] : memref<10240x128xf32, #tpu.memory_space<vmem_shared>> -> memref<80x128xf32, #tpu.memory_space<vmem_shared>>
      tpu.enqueue_dma source(%arg10 : memref<80x128xf32, #tpu.memory_space<vmem>>) target(%dma_start3A_63 : memref<80x128xf32, #tpu.memory_space<vmem_shared>>) target_semaphore(%run_scoped3A : memref<!tpu.dma_semaphore, #tpu.memory_space<semaphore_mem>>)
      %dma_wait3A = arith.constant 0 : i32
      %dma_wait3A_64 = tpu.memref_slice %arg11[%add3A_46, %dma_wait3A] : memref<10240x128xf32, #tpu.memory_space<vmem_shared>> -> memref<80x128xf32, #tpu.memory_space<vmem_shared>>
      %dma_wait3A_65 = arith.constant 0 : i32
      %dma_wait3A_66 = tpu.memref_slice %arg11[%add3A_46, %dma_wait3A_65] : memref<10240x128xf32, #tpu.memory_space<vmem_shared>> -> memref<80x128xf32, #tpu.memory_space<vmem_shared>>
      tpu.wait_dma2 semaphore(%run_scoped3A : memref<!tpu.dma_semaphore, #tpu.memory_space<semaphore_mem>>) src(%arg10 : memref<80x128xf32, #tpu.memory_space<vmem>>) dst(%dma_wait3A_66 : memref<80x128xf32, #tpu.memory_space<vmem_shared>>)
      tpu.yield
    }) : () -> ()
    %barrier3A = arith.constant 0 : index
    tpu.barrier barrier_id(%barrier3A)
    %scan3A_47 = arith.constant 0 : i32
    %scan3A_48 = arith.constant 0 : i32
    %scan3A_49 = arith.constant 125 : i32
    %scan3A_50 = arith.addi %scan3A_48, %scan3A_49 : i32
    %scan3A_51 = arith.constant 1 : i32
    %scan3A_52 = scf.for %scan3A_61 = %scan3A_48 to %scan3A_50 step %scan3A_51 iter_args(%scan3A_62 = %scan3A_47) -> (i32)  : i32 {
      %get3A = arith.index_cast %scan3A_61 : i32 to index
      %get3A_63 = arith.constant 0 : index
      %get3A_64 = tpu.vector_load %arg6[%get3A, %get3A_63] {strides = array<i32>} : memref<125x80xi32, #tpu.memory_space<vmem>>, vector<16xi32>,
      %swap3A = arith.constant 0 : index
      %swap3A_65 = tpu.vector_load %arg8[%swap3A] {strides = array<i32>} : memref<80xi32, #tpu.memory_space<vmem>>, vector<16xi32>,
      tpu.vector_store %arg8[%swap3A], %get3A_64 {strides = array<i32>} : memref<80xi32, #tpu.memory_space<vmem>>, vector<16xi32>,
      %get3A_66 = arith.index_cast %scan3A_61 : i32 to index
      %get3A_67 = arith.constant 0 : index
      %get3A_68 = tpu.vector_load %arg7[%get3A_66, %get3A_67] {strides = array<i32>} : memref<125x80xi32, #tpu.memory_space<vmem>>, vector<16xi32>,
      %swap3A_69 = arith.constant 0 : index
      %swap3A_70 = tpu.vector_load %arg9[%swap3A_69] {strides = array<i32>} : memref<80xi32, #tpu.memory_space<vmem>>, vector<16xi32>,
      tpu.vector_store %arg9[%swap3A_69], %get3A_68 {strides = array<i32>} : memref<80xi32, #tpu.memory_space<vmem>>, vector<16xi32>,
      %get3A_71 = arith.index_cast %scan3A_61 : i32 to index
      %get3A_72 = arith.constant 16 : index
      %get3A_73 = tpu.vector_load %arg6[%get3A_71, %get3A_72] {strides = array<i32>} : memref<125x80xi32, #tpu.memory_space<vmem>>, vector<16xi32>,
      %swap3A_74 = arith.constant 16 : index
      %swap3A_75 = tpu.vector_load %arg8[%swap3A_74] {strides = array<i32>} : memref<80xi32, #tpu.memory_space<vmem>>, vector<16xi32>,
      tpu.vector_store %arg8[%swap3A_74], %get3A_73 {strides = array<i32>} : memref<80xi32, #tpu.memory_space<vmem>>, vector<16xi32>,
      %get3A_76 = arith.index_cast %scan3A_61 : i32 to index
      %get3A_77 = arith.constant 16 : index
      %get3A_78 = tpu.vector_load %arg7[%get3A_76, %get3A_77] {strides = array<i32>} : memref<125x80xi32, #tpu.memory_space<vmem>>, vector<16xi32>,
      %swap3A_79 = arith.constant 16 : index
      %swap3A_80 = tpu.vector_load %arg9[%swap3A_79] {strides = array<i32>} : memref<80xi32, #tpu.memory_space<vmem>>, vector<16xi32>,
      tpu.vector_store %arg9[%swap3A_79], %get3A_78 {strides = array<i32>} : memref<80xi32, #tpu.memory_space<vmem>>, vector<16xi32>,
      %get3A_81 = arith.index_cast %scan3A_61 : i32 to index
      %get3A_82 = arith.constant 32 : index
      %get3A_83 = tpu.vector_load %arg6[%get3A_81, %get3A_82] {strides = array<i32>} : memref<125x80xi32, #tpu.memory_space<vmem>>, vector<16xi32>,
      %swap3A_84 = arith.constant 32 : index
      %swap3A_85 = tpu.vector_load %arg8[%swap3A_84] {strides = array<i32>} : memref<80xi32, #tpu.memory_space<vmem>>, vector<16xi32>,
      tpu.vector_store %arg8[%swap3A_84], %get3A_83 {strides = array<i32>} : memref<80xi32, #tpu.memory_space<vmem>>, vector<16xi32>,
      %get3A_86 = arith.index_cast %scan3A_61 : i32 to index
      %get3A_87 = arith.constant 32 : index
      %get3A_88 = tpu.vector_load %arg7[%get3A_86, %get3A_87] {strides = array<i32>} : memref<125x80xi32, #tpu.memory_space<vmem>>, vector<16xi32>,
      %swap3A_89 = arith.constant 32 : index
      %swap3A_90 = tpu.vector_load %arg9[%swap3A_89] {strides = array<i32>} : memref<80xi32, #tpu.memory_space<vmem>>, vector<16xi32>,
      tpu.vector_store %arg9[%swap3A_89], %get3A_88 {strides = array<i32>} : memref<80xi32, #tpu.memory_space<vmem>>, vector<16xi32>,
      %get3A_91 = arith.index_cast %scan3A_61 : i32 to index
      %get3A_92 = arith.constant 48 : index
      %get3A_93 = tpu.vector_load %arg6[%get3A_91, %get3A_92] {strides = array<i32>} : memref<125x80xi32, #tpu.memory_space<vmem>>, vector<16xi32>,
      %swap3A_94 = arith.constant 48 : index
      %swap3A_95 = tpu.vector_load %arg8[%swap3A_94] {strides = array<i32>} : memref<80xi32, #tpu.memory_space<vmem>>, vector<16xi32>,
      tpu.vector_store %arg8[%swap3A_94], %get3A_93 {strides = array<i32>} : memref<80xi32, #tpu.memory_space<vmem>>, vector<16xi32>,
      %get3A_96 = arith.index_cast %scan3A_61 : i32 to index
      %get3A_97 = arith.constant 48 : index
      %get3A_98 = tpu.vector_load %arg7[%get3A_96, %get3A_97] {strides = array<i32>} : memref<125x80xi32, #tpu.memory_space<vmem>>, vector<16xi32>,
      %swap3A_99 = arith.constant 48 : index
      %swap3A_100 = tpu.vector_load %arg9[%swap3A_99] {strides = array<i32>} : memref<80xi32, #tpu.memory_space<vmem>>, vector<16xi32>,
      tpu.vector_store %arg9[%swap3A_99], %get3A_98 {strides = array<i32>} : memref<80xi32, #tpu.memory_space<vmem>>, vector<16xi32>,
      %get3A_101 = arith.index_cast %scan3A_61 : i32 to index
      %get3A_102 = arith.constant 64 : index
      %get3A_103 = tpu.vector_load %arg6[%get3A_101, %get3A_102] {strides = array<i32>} : memref<125x80xi32, #tpu.memory_space<vmem>>, vector<16xi32>,
      %swap3A_104 = arith.constant 64 : index
      %swap3A_105 = tpu.vector_load %arg8[%swap3A_104] {strides = array<i32>} : memref<80xi32, #tpu.memory_space<vmem>>, vector<16xi32>,
      tpu.vector_store %arg8[%swap3A_104], %get3A_103 {strides = array<i32>} : memref<80xi32, #tpu.memory_space<vmem>>, vector<16xi32>,
      %get3A_106 = arith.index_cast %scan3A_61 : i32 to index
      %get3A_107 = arith.constant 64 : index
      %get3A_108 = tpu.vector_load %arg7[%get3A_106, %get3A_107] {strides = array<i32>} : memref<125x80xi32, #tpu.memory_space<vmem>>, vector<16xi32>,
      %swap3A_109 = arith.constant 64 : index
      %swap3A_110 = tpu.vector_load %arg9[%swap3A_109] {strides = array<i32>} : memref<80xi32, #tpu.memory_space<vmem>>, vector<16xi32>,
      tpu.vector_store %arg9[%swap3A_109], %get3A_108 {strides = array<i32>} : memref<80xi32, #tpu.memory_space<vmem>>, vector<16xi32>,
      %dma_start3A = arith.constant 0 : i32
      %dma_start3A_111 = arith.constant 0 : i32
      %dma_start3A_112 = tpu.memref_slice %arg2[%dma_start3A, %dma_start3A_111] : memref<10000x128xf32, #tpu.memory_space<hbm>> -> memref<10000x128xf32, #tpu.memory_space<hbm>>
      tpu.enqueue_indirect_dma source(%dma_start3A_112 : memref<10000x128xf32, #tpu.memory_space<hbm>>) target(%arg10 : memref<80x128xf32, #tpu.memory_space<vmem>>) offsets(%arg8 : memref<80xi32, #tpu.memory_space<vmem>>) semaphore(%arg12 : memref<!tpu.dma_semaphore, #tpu.memory_space<semaphore_mem>>)
      %dma_wait3A = arith.constant 0 : i32
      %dma_wait3A_113 = arith.constant 0 : i32
      %dma_wait3A_114 = tpu.memref_slice %arg2[%dma_wait3A, %dma_wait3A_113] : memref<10000x128xf32, #tpu.memory_space<hbm>> -> memref<10000x128xf32, #tpu.memory_space<hbm>>
      tpu.wait_indirect_dma semaphore(%arg12 : memref<!tpu.dma_semaphore, #tpu.memory_space<semaphore_mem>>) src(%dma_wait3A_114 : memref<10000x128xf32, #tpu.memory_space<hbm>>) dst(%arg10 : memref<80x128xf32, #tpu.memory_space<vmem>>)
      "tpu.region"() ({
        %run_scoped3A = tpu.sem_alloc : memref<!tpu.dma_semaphore, #tpu.memory_space<semaphore_mem>>
        %dma_start3A_116 = arith.constant 0 : i32
        %dma_start3A_117 = arith.constant 0 : i32
        %dma_start3A_118 = tpu.memref_slice %arg11[%dma_start3A_116, %dma_start3A_117] : memref<10240x128xf32, #tpu.memory_space<vmem_shared>> -> memref<10240x128xf32, #tpu.memory_space<vmem_shared>>
        tpu.enqueue_indirect_dma source(%arg10 : memref<80x128xf32, #tpu.memory_space<vmem>>) target(%dma_start3A_118 : memref<10240x128xf32, #tpu.memory_space<vmem_shared>>) offsets(%arg9 : memref<80xi32, #tpu.memory_space<vmem>>) semaphore(%run_scoped3A : memref<!tpu.dma_semaphore, #tpu.memory_space<semaphore_mem>>) {add = true}
        %dma_wait3A_119 = arith.constant 0 : i32
        %dma_wait3A_120 = arith.constant 0 : i32
        %dma_wait3A_121 = tpu.memref_slice %arg11[%dma_wait3A_119, %dma_wait3A_120] : memref<10240x128xf32, #tpu.memory_space<vmem_shared>> -> memref<10240x128xf32, #tpu.memory_space<vmem_shared>>
        tpu.wait_indirect_dma semaphore(%run_scoped3A : memref<!tpu.dma_semaphore, #tpu.memory_space<semaphore_mem>>) src(%arg10 : memref<80x128xf32, #tpu.memory_space<vmem>>) dst(%dma_wait3A_121 : memref<10240x128xf32, #tpu.memory_space<vmem_shared>>)
        tpu.yield
      }) : () -> ()
      %scan3A_115 = arith.constant 0 : i32
      scf.yield %scan3A_115 : i32
    }
    %scan3A_53 = arith.constant 125 : i32
    %barrier3A_54 = arith.constant 0 : index
    tpu.barrier barrier_id(%barrier3A_54)
    %mul3A_55 = arith.constant 624 : i32
    %mul3A_56 = arith.muli %arg1, %mul3A_55 : i32
    %mul3A_57 = arith.constant 624 : i32
    %mul3A_58 = arith.muli %arg1, %mul3A_57 : i32
    "tpu.region"() ({
      %run_scoped3A = tpu.sem_alloc : memref<!tpu.dma_semaphore, #tpu.memory_space<semaphore_mem>>
      %dma_start3A = arith.constant 0 : i32
      %dma_start3A_61 = tpu.memref_slice %arg5[%arg0, %mul3A_58, %dma_start3A] : memref<2x10000x128xf32, #tpu.memory_space<hbm>> -> memref<1x624x128xf32, #tpu.memory_space<hbm>>
      %dma_start3A_62 = tpu.memref_squeeze %dma_start3A_61 : memref<1x624x128xf32, #tpu.memory_space<hbm>> -> memref<624x128xf32, #tpu.memory_space<hbm>>
      %dma_start3A_63 = arith.constant 0 : i32
      %dma_start3A_64 = tpu.memref_slice %arg11[%mul3A_56, %dma_start3A_63] : memref<10240x128xf32, #tpu.memory_space<vmem_shared>> -> memref<624x128xf32, #tpu.memory_space<vmem_shared>>
      tpu.enqueue_dma source(%dma_start3A_64 : memref<624x128xf32, #tpu.memory_space<vmem_shared>>) target(%dma_start3A_62 : memref<624x128xf32, #tpu.memory_space<hbm>>) target_semaphore(%run_scoped3A : memref<!tpu.dma_semaphore, #tpu.memory_space<semaphore_mem>>)
      %dma_wait3A = arith.constant 0 : i32
      %dma_wait3A_65 = tpu.memref_slice %arg5[%arg0, %mul3A_58, %dma_wait3A] : memref<2x10000x128xf32, #tpu.memory_space<hbm>> -> memref<1x624x128xf32, #tpu.memory_space<hbm>>
      %dma_wait3A_66 = tpu.memref_squeeze %dma_wait3A_65 : memref<1x624x128xf32, #tpu.memory_space<hbm>> -> memref<624x128xf32, #tpu.memory_space<hbm>>
      %dma_wait3A_67 = arith.constant 0 : i32
      %dma_wait3A_68 = tpu.memref_slice %arg11[%mul3A_56, %dma_wait3A_67] : memref<10240x128xf32, #tpu.memory_space<vmem_shared>> -> memref<624x128xf32, #tpu.memory_space<vmem_shared>>
      tpu.wait_dma2 semaphore(%run_scoped3A : memref<!tpu.dma_semaphore, #tpu.memory_space<semaphore_mem>>) src(%dma_wait3A_68 : memref<624x128xf32, #tpu.memory_space<vmem_shared>>) dst(%dma_wait3A_66 : memref<624x128xf32, #tpu.memory_space<hbm>>)
      tpu.yield
    }) : () -> ()
    %eq3A = arith.constant 15 : i32
    %eq3A_59 = arith.cmpi eq, %arg1, %eq3A : i32
    %convert_element_type3A = arith.extui %eq3A_59 : i1 to i32
    %cond3A = arith.constant 0 : i32
    %cond3A_60 = arith.cmpi ne, %convert_element_type3A, %cond3A : i32
    scf.if %cond3A_60 {
      "tpu.region"() ({
        %run_scoped3A = tpu.sem_alloc : memref<!tpu.dma_semaphore, #tpu.memory_space<semaphore_mem>>
        %dma_start3A = arith.constant 9984 : i32
        %dma_start3A_61 = arith.constant 0 : i32
        %dma_start3A_62 = tpu.memref_slice %arg5[%arg0, %dma_start3A, %dma_start3A_61] : memref<2x10000x128xf32, #tpu.memory_space<hbm>> -> memref<1x16x128xf32, #tpu.memory_space<hbm>>
        %dma_start3A_63 = tpu.memref_squeeze %dma_start3A_62 : memref<1x16x128xf32, #tpu.memory_space<hbm>> -> memref<16x128xf32, #tpu.memory_space<hbm>>
        %dma_start3A_64 = arith.constant 9984 : i32
        %dma_start3A_65 = arith.constant 0 : i32
        %dma_start3A_66 = tpu.memref_slice %arg11[%dma_start3A_64, %dma_start3A_65] : memref<10240x128xf32, #tpu.memory_space<vmem_shared>> -> memref<16x128xf32, #tpu.memory_space<vmem_shared>>
        tpu.enqueue_dma source(%dma_start3A_66 : memref<16x128xf32, #tpu.memory_space<vmem_shared>>) target(%dma_start3A_63 : memref<16x128xf32, #tpu.memory_space<hbm>>) target_semaphore(%run_scoped3A : memref<!tpu.dma_semaphore, #tpu.memory_space<semaphore_mem>>)
        %dma_wait3A = arith.constant 9984 : i32
        %dma_wait3A_67 = arith.constant 0 : i32
        %dma_wait3A_68 = tpu.memref_slice %arg5[%arg0, %dma_wait3A, %dma_wait3A_67] : memref<2x10000x128xf32, #tpu.memory_space<hbm>> -> memref<1x16x128xf32, #tpu.memory_space<hbm>>
        %dma_wait3A_69 = tpu.memref_squeeze %dma_wait3A_68 : memref<1x16x128xf32, #tpu.memory_space<hbm>> -> memref<16x128xf32, #tpu.memory_space<hbm>>
        %dma_wait3A_70 = arith.constant 9984 : i32
        %dma_wait3A_71 = arith.constant 0 : i32
        %dma_wait3A_72 = tpu.memref_slice %arg11[%dma_wait3A_70, %dma_wait3A_71] : memref<10240x128xf32, #tpu.memory_space<vmem_shared>> -> memref<16x128xf32, #tpu.memory_space<vmem_shared>>
        tpu.wait_dma2 semaphore(%run_scoped3A : memref<!tpu.dma_semaphore, #tpu.memory_space<semaphore_mem>>) src(%dma_wait3A_72 : memref<16x128xf32, #tpu.memory_space<vmem_shared>>) dst(%dma_wait3A_69 : memref<16x128xf32, #tpu.memory_space<hbm>>)
        tpu.yield
      }) : () -> ()
    } else {
    }
    return
  }
}

module attributes {stable_mosaic.version = 14 : i64} {
  func.func @_mlp_body(%arg0: i32, %arg1: memref<2000x128xf32, #tpu.memory_space<vmem>>, %arg2: memref<128x128xf32, #tpu.memory_space<vmem>>, %arg3: memref<1x128xf32, #tpu.memory_space<vmem>>, %arg4: memref<128x128xf32, #tpu.memory_space<vmem>>, %arg5: memref<1x128xf32, #tpu.memory_space<vmem>>, %arg6: memref<2000x128xf32, #tpu.memory_space<vmem>>) attributes {dimension_semantics = [#tpu.dimension_semantics<arbitrary>], iteration_bounds = array<i64: 5>, scalar_prefetch = 0 : i64, scratch_operands = 0 : i64, tpu.core_type = #tpu.core_type<tc>, window_params = [{transform_indices = @transform_0, window_bounds = array<i64: 2000, 128>}, {pipeline_mode = #tpu.pipeline_mode<synchronous>, transform_indices = @transform_1, window_bounds = array<i64: 128, 128>}, {pipeline_mode = #tpu.pipeline_mode<synchronous>, transform_indices = @transform_2, window_bounds = array<i64: 1, 128>}, {pipeline_mode = #tpu.pipeline_mode<synchronous>, transform_indices = @transform_3, window_bounds = array<i64: 128, 128>}, {pipeline_mode = #tpu.pipeline_mode<synchronous>, transform_indices = @transform_4, window_bounds = array<i64: 1, 128>}, {transform_indices = @transform_5, window_bounds = array<i64: 2000, 128>}]} {
    %get3A = arith.constant 0 : index
    %get3A_0 = arith.constant 0 : index
    %get3A_1 = vector.load %arg1[%get3A, %get3A_0] : memref<2000x128xf32, #tpu.memory_space<vmem>>, vector<2000x128xf32>
    %get3A_2 = arith.constant 0 : index
    %get3A_3 = arith.constant 0 : index
    %get3A_4 = vector.load %arg2[%get3A_2, %get3A_3] : memref<128x128xf32, #tpu.memory_space<vmem>>, vector<128x128xf32>
    %dot_general3A = arith.constant dense<0.000000e+00> : vector<2000x128xf32>
    %dot_general3A_5 = tpu.matmul %get3A_1, %get3A_4, %dot_general3A {dimension_numbers = #tpu.dot_dimension_numbers<[1], [0], [0], [1], [0, 0, 1, 1], [], []>, transpose_lhs_hint = false} : vector<2000x128xf32>, vector<128x128xf32>, vector<2000x128xf32> -> vector<2000x128xf32>
    %get3A_6 = arith.constant 0 : index
    %get3A_7 = arith.constant 0 : index
    %get3A_8 = vector.load %arg3[%get3A_6, %get3A_7] : memref<1x128xf32, #tpu.memory_space<vmem>>, vector<1x128xf32>
    %add3A = vector.broadcast %get3A_8 : vector<1x128xf32> to vector<2000x128xf32>
    %add3A_9 = arith.addf %dot_general3A_5, %add3A : vector<2000x128xf32>
    %max3A = arith.constant 0.000000e+00 : f32
    %max3A_10 = vector.broadcast %max3A : f32 to vector<2000x128xf32>
    %max3A_11 = arith.maximumf %add3A_9, %max3A_10 : vector<2000x128xf32>
    %get3A_12 = arith.constant 0 : index
    %get3A_13 = arith.constant 0 : index
    %get3A_14 = vector.load %arg4[%get3A_12, %get3A_13] : memref<128x128xf32, #tpu.memory_space<vmem>>, vector<128x128xf32>
    %dot_general3A_15 = arith.constant dense<0.000000e+00> : vector<2000x128xf32>
    %dot_general3A_16 = tpu.matmul %max3A_11, %get3A_14, %dot_general3A_15 {dimension_numbers = #tpu.dot_dimension_numbers<[1], [0], [0], [1], [0, 0, 1, 1], [], []>, transpose_lhs_hint = false} : vector<2000x128xf32>, vector<128x128xf32>, vector<2000x128xf32> -> vector<2000x128xf32>
    %get3A_17 = arith.constant 0 : index
    %get3A_18 = arith.constant 0 : index
    %get3A_19 = vector.load %arg5[%get3A_17, %get3A_18] : memref<1x128xf32, #tpu.memory_space<vmem>>, vector<1x128xf32>
    %add3A_20 = vector.broadcast %get3A_19 : vector<1x128xf32> to vector<2000x128xf32>
    %add3A_21 = arith.addf %dot_general3A_16, %add3A_20 : vector<2000x128xf32>
    %logistic3A = arith.negf %add3A_21 : vector<2000x128xf32>
    %logistic3A_22 = math.exp %logistic3A : vector<2000x128xf32>
    %logistic3A_23 = arith.constant 1.000000e+00 : f32
    %logistic3A_24 = vector.broadcast %logistic3A_23 : f32 to vector<2000x128xf32>
    %logistic3A_25 = arith.addf %logistic3A_24, %logistic3A_22 : vector<2000x128xf32>
    %logistic3A_26 = arith.divf %logistic3A_24, %logistic3A_25 : vector<2000x128xf32>
    %mul3A = arith.mulf %add3A_21, %logistic3A_26 : vector<2000x128xf32>
    %reduce_sum3A = arith.constant dense<0.000000e+00> : vector<2000xf32>
    %reduce_sum3A_27 = vector.multi_reduction <add>, %mul3A, %reduce_sum3A [1] : vector<2000x128xf32> to vector<2000xf32>
    %broadcast_in_dim3A = vector.shape_cast %reduce_sum3A_27 : vector<2000xf32> to vector<2000x1xf32>
    %div3A = arith.constant 1.280000e+02 : f32
    %div3A_28 = vector.broadcast %div3A : f32 to vector<2000x1xf32>
    %div3A_29 = arith.divf %broadcast_in_dim3A, %div3A_28 : vector<2000x1xf32>
    %sub3A = vector.broadcast %div3A_29 : vector<2000x1xf32> to vector<2000x128xf32>
    %sub3A_30 = arith.subf %mul3A, %sub3A : vector<2000x128xf32>
    %mul3A_31 = arith.mulf %sub3A_30, %sub3A_30 : vector<2000x128xf32>
    %reduce_sum3A_32 = arith.constant dense<0.000000e+00> : vector<2000xf32>
    %reduce_sum3A_33 = vector.multi_reduction <add>, %mul3A_31, %reduce_sum3A_32 [1] : vector<2000x128xf32> to vector<2000xf32>
    %broadcast_in_dim3A_34 = vector.shape_cast %reduce_sum3A_33 : vector<2000xf32> to vector<2000x1xf32>
    %div3A_35 = arith.constant 1.280000e+02 : f32
    %div3A_36 = vector.broadcast %div3A_35 : f32 to vector<2000x1xf32>
    %div3A_37 = arith.divf %broadcast_in_dim3A_34, %div3A_36 : vector<2000x1xf32>
    %add3A_38 = arith.constant 9.99999974E-6 : f32
    %add3A_39 = vector.broadcast %add3A_38 : f32 to vector<2000x1xf32>
    %add3A_40 = arith.addf %div3A_37, %add3A_39 : vector<2000x1xf32>
    %rsqrt3A = math.rsqrt %add3A_40 : vector<2000x1xf32>
    %mul3A_41 = vector.broadcast %rsqrt3A : vector<2000x1xf32> to vector<2000x128xf32>
    %mul3A_42 = arith.mulf %sub3A_30, %mul3A_41 : vector<2000x128xf32>
    %swap3A = arith.constant 0 : index
    %swap3A_43 = arith.constant 0 : index
    %swap3A_44 = vector.load %arg6[%swap3A, %swap3A_43] : memref<2000x128xf32, #tpu.memory_space<vmem>>, vector<2000x128xf32>
    tpu.vector_store %arg6[%swap3A, %swap3A_43], %mul3A_42 {strides = array<i32>} : memref<2000x128xf32, #tpu.memory_space<vmem>>, vector<2000x128xf32>,
    return
  }
  func.func @transform_0(%arg0: i32) -> (i32, i32) {
    %c0_i32 = arith.constant 0 : i32
    %c0_i32_0 = arith.constant 0 : i32
    return %arg0, %c0_i32 : i32, i32
  }
  func.func @transform_1(%arg0: i32) -> (i32, i32) {
    %c0_i32 = arith.constant 0 : i32
    %c0_i32_0 = arith.constant 0 : i32
    %c0_i32_1 = arith.constant 0 : i32
    return %c0_i32, %c0_i32_0 : i32, i32
  }
  func.func @transform_2(%arg0: i32) -> (i32, i32) {
    %c0_i32 = arith.constant 0 : i32
    %c0_i32_0 = arith.constant 0 : i32
    %c0_i32_1 = arith.constant 0 : i32
    return %c0_i32, %c0_i32_0 : i32, i32
  }
  func.func @transform_3(%arg0: i32) -> (i32, i32) {
    %c0_i32 = arith.constant 0 : i32
    %c0_i32_0 = arith.constant 0 : i32
    %c0_i32_1 = arith.constant 0 : i32
    return %c0_i32, %c0_i32_0 : i32, i32
  }
  func.func @transform_4(%arg0: i32) -> (i32, i32) {
    %c0_i32 = arith.constant 0 : i32
    %c0_i32_0 = arith.constant 0 : i32
    %c0_i32_1 = arith.constant 0 : i32
    return %c0_i32, %c0_i32_0 : i32, i32
  }
  func.func @transform_5(%arg0: i32) -> (i32, i32) {
    %c0_i32 = arith.constant 0 : i32
    %c0_i32_0 = arith.constant 0 : i32
    return %arg0, %c0_i32 : i32, i32
  }
}

module attributes {stable_mosaic.version = 14 : i64} {
  func.func @_combine_body(%arg0: i32, %arg1: memref<2x2000x128xf32, #tpu.memory_space<vmem>>, %arg2: memref<2000x32xf32, #tpu.memory_space<vmem>>, %arg3: memref<2000x128xf32, #tpu.memory_space<vmem>>, %arg4: memref<2000x128xf32, #tpu.memory_space<vmem>>) attributes {dimension_semantics = [#tpu.dimension_semantics<arbitrary>], iteration_bounds = array<i64: 5>, scalar_prefetch = 0 : i64, scratch_operands = 0 : i64, tpu.core_type = #tpu.core_type<tc>, window_params = [{transform_indices = @transform_0, window_bounds = array<i64: 2, 2000, 128>}, {transform_indices = @transform_1, window_bounds = array<i64: 2000, 32>}, {transform_indices = @transform_2, window_bounds = array<i64: 2000, 128>}, {transform_indices = @transform_3, window_bounds = array<i64: 2000, 128>}]} {
    %get3A = arith.constant 0 : index
    %get3A_0 = arith.constant 0 : index
    %get3A_1 = arith.constant 0 : index
    %get3A_2 = vector.load %arg1[%get3A, %get3A_0, %get3A_1] : memref<2x2000x128xf32, #tpu.memory_space<vmem>>, vector<1x2000x128xf32>
    %get3A_3 = vector.shape_cast %get3A_2 : vector<1x2000x128xf32> to vector<2000x128xf32>
    %get3A_4 = arith.constant 1 : index
    %get3A_5 = arith.constant 0 : index
    %get3A_6 = arith.constant 0 : index
    %get3A_7 = vector.load %arg1[%get3A_4, %get3A_5, %get3A_6] : memref<2x2000x128xf32, #tpu.memory_space<vmem>>, vector<1x2000x128xf32>
    %get3A_8 = vector.shape_cast %get3A_7 : vector<1x2000x128xf32> to vector<2000x128xf32>
    %add3A = arith.addf %get3A_3, %get3A_8 : vector<2000x128xf32>
    %get3A_9 = arith.constant 0 : index
    %get3A_10 = arith.constant 0 : index
    %get3A_11 = vector.load %arg2[%get3A_9, %get3A_10] : memref<2000x32xf32, #tpu.memory_space<vmem>>, vector<2000x32xf32>
    %reduce_sum3A = arith.constant dense<0.000000e+00> : vector<2000xf32>
    %reduce_sum3A_12 = vector.multi_reduction <add>, %get3A_11, %reduce_sum3A [1] : vector<2000x32xf32> to vector<2000xf32>
    %reshape3A = vector.shape_cast %reduce_sum3A_12 : vector<2000xf32> to vector<2000x1xf32>
    %max3A = arith.constant 1.000000e+00 : f32
    %max3A_13 = vector.broadcast %max3A : f32 to vector<2000x1xf32>
    %max3A_14 = arith.maximumf %reshape3A, %max3A_13 : vector<2000x1xf32>
    %div3A = vector.broadcast %max3A_14 : vector<2000x1xf32> to vector<2000x128xf32>
    %div3A_15 = arith.divf %add3A, %div3A : vector<2000x128xf32>
    %get3A_16 = arith.constant 0 : index
    %get3A_17 = arith.constant 0 : index
    %get3A_18 = vector.load %arg3[%get3A_16, %get3A_17] : memref<2000x128xf32, #tpu.memory_space<vmem>>, vector<2000x128xf32>
    %add3A_19 = arith.addf %div3A_15, %get3A_18 : vector<2000x128xf32>
    %swap3A = arith.constant 0 : index
    %swap3A_20 = arith.constant 0 : index
    %swap3A_21 = vector.load %arg4[%swap3A, %swap3A_20] : memref<2000x128xf32, #tpu.memory_space<vmem>>, vector<2000x128xf32>
    tpu.vector_store %arg4[%swap3A, %swap3A_20], %add3A_19 {strides = array<i32>} : memref<2000x128xf32, #tpu.memory_space<vmem>>, vector<2000x128xf32>,
    return
  }
  func.func @transform_0(%arg0: i32) -> (i32, i32, i32) {
    %c0_i32 = arith.constant 0 : i32
    %c0_i32_0 = arith.constant 0 : i32
    %c0_i32_1 = arith.constant 0 : i32
    return %c0_i32, %arg0, %c0_i32_0 : i32, i32, i32
  }
  func.func @transform_1(%arg0: i32) -> (i32, i32) {
    %c0_i32 = arith.constant 0 : i32
    %c0_i32_0 = arith.constant 0 : i32
    return %arg0, %c0_i32 : i32, i32
  }
  func.func @transform_2(%arg0: i32) -> (i32, i32) {
    %c0_i32 = arith.constant 0 : i32
    %c0_i32_0 = arith.constant 0 : i32
    return %arg0, %c0_i32 : i32, i32
  }
  func.func @transform_3(%arg0: i32) -> (i32, i32) {
    %c0_i32 = arith.constant 0 : i32
    %c0_i32_0 = arith.constant 0 : i32
    return %arg0, %c0_i32 : i32, i32
  }
}

module attributes {stable_mosaic.version = 14 : i64} {
  func.func @_combine_body(%arg0: i32, %arg1: memref<2x2000x128xf32, #tpu.memory_space<vmem>>, %arg2: memref<2000x32xf32, #tpu.memory_space<vmem>>, %arg3: memref<2000x128xf32, #tpu.memory_space<vmem>>, %arg4: memref<2000x128xf32, #tpu.memory_space<vmem>>) attributes {dimension_semantics = [#tpu.dimension_semantics<arbitrary>], iteration_bounds = array<i64: 5>, scalar_prefetch = 0 : i64, scratch_operands = 0 : i64, tpu.core_type = #tpu.core_type<tc>, window_params = [{transform_indices = @transform_0, window_bounds = array<i64: 2, 2000, 128>}, {transform_indices = @transform_1, window_bounds = array<i64: 2000, 32>}, {transform_indices = @transform_2, window_bounds = array<i64: 2000, 128>}, {transform_indices = @transform_3, window_bounds = array<i64: 2000, 128>}]} {
    %get3A = arith.constant 0 : index
    %get3A_0 = arith.constant 0 : index
    %get3A_1 = arith.constant 0 : index
    %get3A_2 = vector.load %arg1[%get3A, %get3A_0, %get3A_1] : memref<2x2000x128xf32, #tpu.memory_space<vmem>>, vector<1x2000x128xf32>
    %get3A_3 = vector.shape_cast %get3A_2 : vector<1x2000x128xf32> to vector<2000x128xf32>
    %get3A_4 = arith.constant 1 : index
    %get3A_5 = arith.constant 0 : index
    %get3A_6 = arith.constant 0 : index
    %get3A_7 = vector.load %arg1[%get3A_4, %get3A_5, %get3A_6] : memref<2x2000x128xf32, #tpu.memory_space<vmem>>, vector<1x2000x128xf32>
    %get3A_8 = vector.shape_cast %get3A_7 : vector<1x2000x128xf32> to vector<2000x128xf32>
    %add3A = arith.addf %get3A_3, %get3A_8 : vector<2000x128xf32>
    %get3A_9 = arith.constant 0 : index
    %get3A_10 = arith.constant 0 : index
    %get3A_11 = vector.load %arg2[%get3A_9, %get3A_10] : memref<2000x32xf32, #tpu.memory_space<vmem>>, vector<2000x32xf32>
    %reduce_sum3A = arith.constant dense<0.000000e+00> : vector<2000xf32>
    %reduce_sum3A_12 = vector.multi_reduction <add>, %get3A_11, %reduce_sum3A [1] : vector<2000x32xf32> to vector<2000xf32>
    %reshape3A = vector.shape_cast %reduce_sum3A_12 : vector<2000xf32> to vector<2000x1xf32>
    %max3A = arith.constant 1.000000e+00 : f32
    %max3A_13 = vector.broadcast %max3A : f32 to vector<2000x1xf32>
    %max3A_14 = arith.maximumf %reshape3A, %max3A_13 : vector<2000x1xf32>
    %div3A = vector.broadcast %max3A_14 : vector<2000x1xf32> to vector<2000x128xf32>
    %div3A_15 = arith.divf %add3A, %div3A : vector<2000x128xf32>
    %get3A_16 = arith.constant 0 : index
    %get3A_17 = arith.constant 0 : index
    %get3A_18 = vector.load %arg3[%get3A_16, %get3A_17] : memref<2000x128xf32, #tpu.memory_space<vmem>>, vector<2000x128xf32>
    %add3A_19 = arith.addf %div3A_15, %get3A_18 : vector<2000x128xf32>
    %swap3A = arith.constant 0 : index
    %swap3A_20 = arith.constant 0 : index
    %swap3A_21 = vector.load %arg4[%swap3A, %swap3A_20] : memref<2000x128xf32, #tpu.memory_space<vmem>>, vector<2000x128xf32>
    tpu.vector_store %arg4[%swap3A, %swap3A_20], %add3A_19 {strides = array<i32>} : memref<2000x128xf32, #tpu.memory_space<vmem>>, vector<2000x128xf32>,
    return
  }
  func.func @transform_0(%arg0: i32) -> (i32, i32, i32) {
    %c0_i32 = arith.constant 0 : i32
    %c0_i32_0 = arith.constant 0 : i32
    %c0_i32_1 = arith.constant 0 : i32
    return %c0_i32, %arg0, %c0_i32_0 : i32, i32, i32
  }
  func.func @transform_1(%arg0: i32) -> (i32, i32) {
    %c0_i32 = arith.constant 0 : i32
    %c0_i32_0 = arith.constant 0 : i32
    return %arg0, %c0_i32 : i32, i32
  }
  func.func @transform_2(%arg0: i32) -> (i32, i32) {
    %c0_i32 = arith.constant 0 : i32
    %c0_i32_0 = arith.constant 0 : i32
    return %arg0, %c0_i32 : i32, i32
  }
  func.func @transform_3(%arg0: i32) -> (i32, i32) {
    %c0_i32 = arith.constant 0 : i32
    %c0_i32_0 = arith.constant 0 : i32
    return %arg0, %c0_i32 : i32, i32
  }
}

</mosaic_0001>

<sc_bundles>
// kernel: kernel.12.cloned.1.call-start
scs
__scs_entry_jumppad:
0x0: {  	(pc) =	sbr.rel $0x88, $3  }
0x1: {  	(tag) =	ssettag $0x0;
	lr =	simm.s32 $0x1  }
0x2: {  	[smem:$0x3F93] =	sst lr;
	_ =	strace $0xD0000000  }
0x3: {  	_ = 	snop  }
0x4: {  	_ = 	snop  }
0x5: {  	_ = 	snop  }
0x6: {  	_ = 	snop  }
0x7: {  	_ = 	snop  }
__scs_overlays_trampoline_lowered:
0x8: {  	[smem:$0x3FA2] =	sst s0  }
0x9: {  	[smem:$0x3FA3] =	sst s1  }
0xa: {  	[smem:$0x3FA4] =	sst s2  }
0xb: {  	[smem:$0x3FA5] =	sst s3  }
0xc: {  	[smem:$0x3FA6] =	sst s4  }
0xd: {  	[smem:$0x3FA7] =	sst s5  }
0xe: {  	[smem:$0x3FA8] =	sst s6  }
0xf: {  	[smem:$0x3FA9] =	sst s7  }
0x10: {  	[smem:$0x3FAA] =	sst s8  }
0x11: {  	[smem:$0x3FAB] =	sst s9;
	s0 =	simm.s32 @!p0 $0x0  }
0x12: {  	s1 =	sld [smem:$0x3F91];
	s0 =	simm.s32 @p0 $0x1  }
0x13: {  	[smem:$0x3FAC] =	sst s0;
	s0 =	simm.s32 @!p1 $0x0  }
0x14: {  	s2 =	sld [smem:$0x3F90];
	s0 =	simm.s32 @p1 $0x1  }
0x15: {  	[smem:$0x3FAD] =	sst s0;
	s0 =	simm.s32 @!p2 $0x0  }
0x16: {  	s3 =	sld [smem:$0x3FDB];
	s0 =	simm.s32 @p2 $0x1  }
0x17: {  	s4 =	simm.s32 $0x1BF5;
	[smem:$0x3FAF] =	sst s0  }
0x18: {  	s0 =	sld [smem:$0x3F92];
	_ =	swait.ge [sflag:s4], $0x0  }
0x19: {  	s7 =	sld [smem:$0x3F93]  }
0x1a: {  	s8 =	sadd.s32 $0xFFFFE003, lr  }
0x1b: {  	s9 =	sadd.s32 $0xFFFFFEF7, lr;
	s5 =	simm.s32 $0xFFFFFFFF;
	p2 =	slt.u32 s8, $0xFFFFF086  }
0x1c: {  	p1 =	slt.u32 s9, $0xF7A;
	s5 =	simm.s32 @!p2 $0x0  }
0x1d: {  	s5 =	simm.s32 @p1 $0x1;
	p0 =	seq.s32 s7, s2  }
0x1e: {  	s7 =	smul.u32 @!p0 $0xF7A, s2;
	p2 =	seq.s32 @!p0 s5, $0x0  }
0x1f: {  	s9 =	smul.u32 $0xF7A, s1;
	s8 =	simm.s32 @!p0 $0x1BF5;
	p2 =	por !p2, p0  }
0x20: {  	[sflag:s8] =	ssyncset.s32 @!p0 $0xFFFFF086;
	s6 =	sadd.s32 @!p0 s3, s7;
	s7 =	simm.s32 @!p0 $0x108  }
0x21: {  	s3 =	sadd.s32 s3, s9;
	s6 =	sadd.s32 @!p0 $0x88, s6;
	s7 =	simm.s32 @p2 $0x1082  }
0x22: {  	[simem:s7], [sflag:s8] =	dma.local @!p0 [hbm:s6], $0xF7A  }
0x23: {  	s9 =	sor.u32 $0xD0000000, s2;
	s6 =	simm.s32 $0x108;
	_ =	swait.ge @!p0 [sflag:s8], $0x0  }
0x24: {  	s3 =	sadd.s32 $0x88, s3;
	s6 =	simm.s32 @!p1 $0x1082;
	[sflag:s4] =	ssyncset.s32 $0xFFFFF086  }
0x25: {  	[simem:s6], [sflag:s4] =	dma.local [hbm:s3], $0xF7A  }
0x26: {  	[smem:$0x3F93] =	sst s1;
	(tag) =	ssettag s2;
	_ =	strace s9  }
0x27: {  	s1 =	sld [smem:$0x3FA3]  }
0x28: {  	s2 =	sld [smem:$0x3FA4]  }
0x29: {  	s4 =	sld [smem:$0x3FA6]  }
0x2a: {  	p0 =	seq.s32 s5, $0x0;
	s5 =	sld [smem:$0x3FA7]  }
0x2b: {  	s6 =	sld [smem:$0x3FA8]  }
0x2c: {  	s7 =	sld [smem:$0x3FA9]  }
0x2d: {  	s3 =	simm.s32 $0x108;
	s8 =	sld [smem:$0x3FAA]  }
0x2e: {  	s3 =	simm.s32 @!p0 $0x1082;
	s9 =	sld [smem:$0x3FAB]  }
0x2f: {  	lr =	sadd.s32 s0, s3;
	s0 =	sld [smem:$0x3FA2]  }
0x30: {  	s3 =	sld [smem:$0x3FA5]  }
0x31: {  	[smem:$0x3FAE] =	sst s10  }
0x32: {  	s10 =	sld [smem:$0x3FAC];
	_ =	sdelay $0x3  }
0x33: {  	p0 =	seq.s32 s10, $0x1;
	s10 =	sld [smem:$0x3FAE];
	_ =	sdelay $0x3  }
0x34: {  	[smem:$0x3FAE] =	sst s10  }
0x35: {  	s10 =	sld [smem:$0x3FAD];
	_ =	sdelay $0x3  }
0x36: {  	p1 =	seq.s32 s10, $0x1;
	s10 =	sld [smem:$0x3FAE];
	_ =	sdelay $0x3  }
0x37: {  	[smem:$0x3FAE] =	sst s10  }
0x38: {  	s10 =	sld [smem:$0x3FAF]  }
0x39: {  	_ = 	snop;
	(pc) =	sbr.ind lr, $3  }
0x3a: {  	_ = 	snop  }
0x3b: {  	_ = 	snop  }
0x3c: {  	p2 =	seq.s32 s10, $0x1;
	s10 =	sld [smem:$0x3FAE]  }
0x3d: {  	_ =	shalt  }
0x3e: {  	_ =	shalt  }
0x3f: {  	_ =	shalt  }
0x40: {  	_ =	shalt  }
0x41: {  	_ =	shalt  }
0x42: {  	_ =	shalt  }
0x43: {  	_ =	shalt  }
0x44: {  	_ =	shalt  }
0x45: {  	_ =	shalt  }
0x46: {  	_ =	shalt  }
0x47: {  	_ =	shalt  }
0x48: {  	_ =	shalt  }
0x49: {  	_ =	shalt  }
0x4a: {  	_ =	shalt  }
0x4b: {  	_ =	shalt  }
0x4c: {  	_ =	shalt  }
0x4d: {  	_ =	shalt  }
0x4e: {  	_ =	shalt  }
0x4f: {  	_ =	shalt  }
0x50: {  	_ =	shalt  }
0x51: {  	_ =	shalt  }
0x52: {  	_ =	shalt  }
0x53: {  	_ =	shalt  }
0x54: {  	_ =	shalt  }
0x55: {  	_ =	shalt  }
0x56: {  	_ =	shalt  }
0x57: {  	_ =	shalt  }
0x58: {  	_ =	shalt  }
0x59: {  	_ =	shalt  }
0x5a: {  	_ =	shalt  }
0x5b: {  	_ =	shalt  }
0x5c: {  	_ =	shalt  }
0x5d: {  	_ =	shalt  }
0x5e: {  	_ =	shalt  }
0x5f: {  	_ =	shalt  }
0x60: {  	_ =	shalt  }
0x61: {  	_ =	shalt  }
0x62: {  	_ =	shalt  }
0x63: {  	_ =	shalt  }
0x64: {  	_ =	shalt  }
0x65: {  	_ =	shalt  }
0x66: {  	_ =	shalt  }
0x67: {  	_ =	shalt  }
0x68: {  	_ =	shalt  }
0x69: {  	_ =	shalt  }
0x6a: {  	_ =	shalt  }
0x6b: {  	_ =	shalt  }
0x6c: {  	_ =	shalt  }
0x6d: {  	_ =	shalt  }
0x6e: {  	_ =	shalt  }
0x6f: {  	_ =	shalt  }
0x70: {  	_ =	shalt  }
0x71: {  	_ =	shalt  }
0x72: {  	_ =	shalt  }
0x73: {  	_ =	shalt  }
0x74: {  	_ =	shalt  }
0x75: {  	_ =	shalt  }
0x76: {  	_ =	shalt  }
0x77: {  	_ =	shalt  }
0x78: {  	_ =	shalt  }
0x79: {  	_ =	shalt  }
0x7a: {  	_ =	shalt  }
0x7b: {  	_ =	shalt  }
0x7c: {  	_ =	shalt  }
0x7d: {  	_ =	shalt  }
0x7e: {  	_ =	shalt  }
0x7f: {  	_ =	shalt  }
0x80: {  	_ =	shalt  }
0x81: {  	_ =	shalt  }
0x82: {  	_ =	shalt  }
0x83: {  	_ =	shalt  }
0x84: {  	_ =	shalt  }
0x85: {  	_ =	shalt  }
0x86: {  	_ =	shalt  }
0x87: {  	_ =	shalt  }
.Lfunc_end0:
.L_simem_size_0:
called_computation_lowered:
.L_overlay_start_0:
0x88: {  	s2 =	sld [smem:$0x3FD9]  }
0x89: {  	s3 =	sld [smem:$0x3FFE];
	_ =	sdelay $0x1  }
0x8a: {  	s1 =	srdreg.scid  }
0x8b: {  	s0 =	sand.u32 $0x1, s1  }
0x8c: {  	s16 =	sshll.u32 s0, $0xA;
	s2 =	sadd.s32 s3, s2  }
0x8d: {  	s2 =	sadd.s32 s2, s16  }
0x8e: {  	[smem:$0x3FBA] =	sst s2  }
0x8f: {  	_ = 	snop  }
0x90: {  	(tm) =	ssettm $0x1  }
0x91: {  	s17 =	sld [smem:$0x3FFB];
	_ =	sdelay $0x3  }
0x92: {  	_ =	strace s17  }
0x93: {  	s2 =	sld [smem:$0x3FFC];
	_ =	sdelay $0x3  }
0x94: {  	_ =	strace s2  }
0x95: {  	s2 =	sld [smem:$0x3FFD];
	_ =	sdelay $0x3  }
0x96: {  	_ =	strace s2  }
0x97: {  	_ =	strace $0x8FFFFFFF  }
0x98: {  	s18 =	sld [smem:$0x3FDB];
	_ =	sdelay $0x1  }
0x99: {  	s19 =	simm.s32 $_scs_section_size  }
0x9a: {  	s4 =	simm.s32 $_size__tile_overlayer_lowered;
	s5 =	simm.s32 $_tile_overlayer_lowered  }
0x9b: {  	s22 =	simm.s32 $0x1BFF;
	s21 =	sshll.u32 s5, $0x1;
	s2 =	sadd.s32 s19, s18  }
0x9c: {  	s6 =	simm.s32 $0x0;
	s20 =	sshll.u32 s4, $0x1;
	s4 =	sadd.s32 s21, s2  }
0x9d: {  	[timem:s6], [sflag:s22] =	dma.local [hbm:s4], s20  }
0x9e: {  	_ =	swait.ge [sflag:s22], s20  }
0x9f: {  	s3 =	ssub.s32 $0x0, s20;
	[sflag:s22] =	ssyncset.done $0x0  }
0xa0: {  	[sflag:s22] =	ssyncadd.s32 s3;
	_ =	sdelay $0x1  }
0xa1: {  	s23 =	simm.s32 $0x1B8B  }
0xa2: {  	_ =	swait.ge [sflag:s23], $0x1  }
0xa3: {  	[sflag:s23] =	ssyncset.done $0x0  }
0xa4: {  	s25 =	simm.s32 $0x1B8E;
	s24 =	sld [smem:$0x3FFE];
	[sflag:s23] =	ssyncadd.s32 $0xFFFFFFFF  }
0xa5: {  	s26 =	simm.s32 $execute0_lowered;
	[smem:$0x3FD2] =	sst s25  }
0xa6: {  	s4 =	sshll.u32 s26, $0x1;
	_ =	strace $0x80000046;
	[dreg:$0x1] =	wrdreg $0xFFFFFFFF  }
0xa7: {  	s28 =	simm.s32 $_size_execute0_lowered;
	s2 =	sadd.s32 s2, s4;
	[dreg:$0x0] =	wrdreg $0x0  }
0xa8: {  	s4 =	sshll.u32 s28, $0x1;
	[dreg:$0x2] =	wrdreg s2  }
0xa9: {  	[dreg:$0x3] =	wrdreg s4  }
0xaa: {  	[dreg:$0x4] =	wrdreg $0xC0  }
0xab: {  	_ =	task [dreg:s6], $0x5FFFF  }
0xac: {  	[dreg:$0x1] =	wrdreg $0xFFFFFFFF  }
0xad: {  	[dreg:$0x0] =	wrdreg $0x60  }
0xae: {  	[dreg:$0x2] =	wrdreg s24  }
0xaf: {  	[dreg:$0x3] =	wrdreg $0x9  }
0xb0: {  	_ =	task.clear_ibuf [dreg:s6], $0x4FFFF;
	_ =	strace $0x90000046  }
0xb1: {  	s29 =	simm.s32 $0x9;
	_ =	strace $0x80000048  }
0xb2: {  	_ =	swait.ge [sflag:s29], $0x1  }
0xb3: {  	[sflag:s29] =	ssyncadd.s32 $0xFFFFFFFF  }
0xb4: {  	_ =	strace $0x90000048  }
0xb5: {  	_ =	sfence  }
0xb6: {  	s30 =	sld [smem:$0x0];
	_ =	sdelay $0x2  }
0xb7: {  	s31 =	sshll.u32 s1, $0xD;
	s1 =	sshrl.u32 s1, $0x2  }
0xb8: {  	s3 =	sand.u32 $0x4000, s31;
	s1 =	sadd.s32 s1, s30  }
0xb9: {  	s0 =	sor.u32 s3, s0;
	s1 =	sshll.u32 s1, $0x11  }
0xba: {  	s0 =	sor.u32 s1, s0  }
0xbb: {  	s0 =	sadd.s32 $0x8F2B, s0  }
0xbc: {  	[sflag:s0] =	ssyncadd.remote.s32 $0x1  }
0xbd: {  	_ =	sfence.sel $0xFFFF  }
0xbe: {  	[dreg:$0x0] =	wrdreg $0xFFFFFFFF;
	(pc) =	sbr.abs _section_cstart, $3  }
0xbf: {  	[dreg:$0x1] =	wrdreg $0xFFFFFFFF  }
0xc0: {  	_ =	task.clear_ibuf [dreg:s6], $0x2FFFF;
	_ =	strace $0x9FFFFFFF  }
0xc1: {  	(tm) =	ssettm $0x7FFFFFFF  }
tec
execute0_lowered:
.L_overlay_start_1:
0x0: {  	(tag) =	ssettag $0x1  }
0x1: {  	s0 =	srdreg.scid  }
0x2: {  	s4 =	rddreg [dreg:$0x0];
	s3 =	sand.u32 $0x1, s0  }
0x3: {  	s1 =	stileid.u32;
	s7 =	simm.s32 $0x2780;
	s2 =	sshll.u32 s3, $0x4  }
0x4: {  	s0 =	rddreg [dreg:$0x1];
	s3 =	ssub.s32 $0x2, s3;
	s5 =	sor.u32 s1, s2  }
0x5: {  	s2 =	simm.s32 $0x0;
	s6 =	sshrl.u32 s3, $0x1;
	s5 =	smul.u32 $0x4F0, s5  }
0x6: {  	s8 =	simm.s32 $0x0;
	[smem:$0x7FF] =	sst s2;
	s31 =	ssub.s32 s3, s6  }
0x7: {  	s6 =	simm.s32 $0x1;
	_ =	strace $0x80000047;
	s4 =	sadd.s32 s5, s4  }
0x8: {  	v0 =	vimm.f32 $0.0e+00;
	v1 =	vimm.f32 $1.000000000e+00;
	s5 =	smax.u32 s31, $0x1;
	s3 =	sadd.s32 $0x3000, s4;
	s4 =	sadd.s32 $0xCE00, s4  }
.LBB2_1:
0x9: {  	s9 =	simm.s32 $0x40;
	s10 =	simm.s32 $0x0  }
.LBB2_2:
0xa: {  	p0 =	sne.s32 s9, $0x9C00;
	[tilespmem:s10+$0x2780] =	vst v0;
	s10 =	smov.u32 s9;
	s9 =	sadd.s32 $0x40, s9  }
.Ltmp0:
0xb: {  	(pc) =	sbr.rel @p0 .LBB2_2-.Ltmp0, $2  }
0xc: {  	_ =	sdelay $0x2  }
0xd: {  	s10 =	sshra.s32 s10, $0x2  }
0xe: {  	[tilespmem:s10+$0x2780] =	vst v0;
	s9 =	simm.s32 $0x0  }
0xf: {  	[tilespmem:s9], [sflag:$0x1] =	stream.linear.gather [hbm4b:s3+s9], $0x2780, $0x38;
	[tilespmem:$0x4F00] =	vst v63  }
0x10: {  	_ =	swait.ge [sflag:s6], $0x2780  }
0x11: {  	[sflag:s6] =	ssyncset.done $0x0  }
0x12: {  	s10 =	simm.s32 $0x0;
	s9 =	simm.s32 $0x40;
	[sflag:s6] =	ssyncadd.s32 $0xFFFFD880  }
.LBB2_4:
0x13: {  	p0 =	sne.s32 s9, $0x9C00;
	v2 =	vld [tilespmem:s10+$0x0];
	_ =	sdelay $0x3  }
.Ltmp1:
0x14: {  	(pc) =	sbr.rel @p0 .LBB2_4-.Ltmp1, $2  }
0x15: {  	_ =	sdelay $0x2  }
0x16: {  	s10 =	sshra.s32 s9, $0x2;
	s9 =	sadd.s32 $0x40, s9;
	[tilespmem:v2+s7+$0x0] =	vst.idx.add.f32.msk $0xffff, v1  }
0x17: {  	v2 =	vld [tilespmem:s10+$0x0];
	_ =	sdelay $0x5  }
0x18: {  	s8 =	sadd.s32 $0x1, s8  }
0x19: {  	p0 =	sne.s32 s8, s5  }
.Ltmp2:
0x1a: {  	[tilespmem:v2+s7+$0x0] =	vst.idx.add.f32.msk $0xffff, v1;
	(pc) =	sbr.rel @p0 .LBB2_1-.Ltmp2, $4  }
0x1b: {  	[hbm4b:s4+s2] =	stream.linear.scatter [tilespmem:s7], [sflag:$0x1], $0x2780, $0x38;
	[tilespmem:$0x4F00] =	vst v63  }
0x1c: {  	_ =	swait.ge [sflag:s6], $0x2780  }
0x1d: {  	[sflag:s6] =	ssyncset.done $0x0  }
0x1e: {  	[sflag:s6] =	ssyncadd.s32 $0xFFFFD880  }
0x1f: {  	_ =	sfence.sel $0x180000  }
0x20: {  	[bflag:$0x0] =	sbarrier.arrive $0xFFFF  }
0x21: {  	p0 =	sne.s32 s1, $0x0;
	_ =	strace $0x90000047  }
0x22: {  	s0 =	sadd.s32 @!p0 $0x100000, s0;
	[bflag:$0x2] =	sbarrier.arrive $0xFFFF  }
0x23: {  	[sflag:s0] =	ssyncadd.tile.s32 @!p0 $0x1;
	_ =	shalt  }
.Lfunc_end2:
_tile_overlayer_lowered:
.L_overlay_start_2:
0x24: {  	(tag) =	ssettag $0x2  }
0x25: {  	s0 =	rddreg [dreg:$0x0];
	s2 =	stileid.u32  }
0x26: {  	s1 =	rddreg [dreg:$0x1];
	p0 =	sne.s32 s2, $0x0  }
0x27: {  	s3 =	rddreg [dreg:$0x2];
	[bflag:$0x3] =	sbarrier.arrive $0xFFFF;
	s2 =	simm.s32 @!p0 $0x1C01  }
0x28: {  	[timem:s3], [sflag:s2] =	dma.local @!p0 [hbm:s0], s1  }
0x29: {  	s0 =	simm.s32 @!p0 $0x1  }
0x2a: {  	_ =	swait.ge @!p0 [sflag:s0], s1  }
0x2b: {  	s1 =	ssub.s32 @!p0 $0x0, s1;
	[sflag:s0] =	ssyncset.done @!p0 $0x0  }
0x2c: {  	[sflag:s0] =	ssyncadd.s32 @!p0 s1  }
0x2d: {  	[bflag:$0x3] =	sbarrier.arrive $0xFFFF  }
0x2e: {  	_ =	shalt  }

// kernel: kernel.15.cloned.1.call-start
scs
__scs_entry_jumppad:
0x0: {  	(pc) =	sbr.rel $0x88, $3  }
0x1: {  	(tag) =	ssettag $0x0;
	lr =	simm.s32 $0x1  }
0x2: {  	[smem:$0x3F93] =	sst lr;
	_ =	strace $0xD0000000  }
0x3: {  	_ = 	snop  }
0x4: {  	_ = 	snop  }
0x5: {  	_ = 	snop  }
0x6: {  	_ = 	snop  }
0x7: {  	_ = 	snop  }
__scs_overlays_trampoline_lowered:
0x8: {  	[smem:$0x3FA2] =	sst s0  }
0x9: {  	[smem:$0x3FA3] =	sst s1  }
0xa: {  	[smem:$0x3FA4] =	sst s2  }
0xb: {  	[smem:$0x3FA5] =	sst s3  }
0xc: {  	[smem:$0x3FA6] =	sst s4  }
0xd: {  	[smem:$0x3FA7] =	sst s5  }
0xe: {  	[smem:$0x3FA8] =	sst s6  }
0xf: {  	[smem:$0x3FA9] =	sst s7  }
0x10: {  	[smem:$0x3FAA] =	sst s8  }
0x11: {  	[smem:$0x3FAB] =	sst s9;
	s0 =	simm.s32 @!p0 $0x0  }
0x12: {  	s1 =	sld [smem:$0x3F91];
	s0 =	simm.s32 @p0 $0x1  }
0x13: {  	[smem:$0x3FAC] =	sst s0;
	s0 =	simm.s32 @!p1 $0x0  }
0x14: {  	s2 =	sld [smem:$0x3F90];
	s0 =	simm.s32 @p1 $0x1  }
0x15: {  	[smem:$0x3FAD] =	sst s0;
	s0 =	simm.s32 @!p2 $0x0  }
0x16: {  	s3 =	sld [smem:$0x3FDB];
	s0 =	simm.s32 @p2 $0x1  }
0x17: {  	s4 =	simm.s32 $0x1BF5;
	[smem:$0x3FAF] =	sst s0  }
0x18: {  	s0 =	sld [smem:$0x3F92];
	_ =	swait.ge [sflag:s4], $0x0  }
0x19: {  	s7 =	sld [smem:$0x3F93]  }
0x1a: {  	s8 =	sadd.s32 $0xFFFFE003, lr  }
0x1b: {  	s9 =	sadd.s32 $0xFFFFFEF7, lr;
	s5 =	simm.s32 $0xFFFFFFFF;
	p2 =	slt.u32 s8, $0xFFFFF086  }
0x1c: {  	p1 =	slt.u32 s9, $0xF7A;
	s5 =	simm.s32 @!p2 $0x0  }
0x1d: {  	s5 =	simm.s32 @p1 $0x1;
	p0 =	seq.s32 s7, s2  }
0x1e: {  	s7 =	smul.u32 @!p0 $0xF7A, s2;
	p2 =	seq.s32 @!p0 s5, $0x0  }
0x1f: {  	s9 =	smul.u32 $0xF7A, s1;
	s8 =	simm.s32 @!p0 $0x1BF5;
	p2 =	por !p2, p0  }
0x20: {  	[sflag:s8] =	ssyncset.s32 @!p0 $0xFFFFF086;
	s6 =	sadd.s32 @!p0 s3, s7;
	s7 =	simm.s32 @!p0 $0x108  }
0x21: {  	s3 =	sadd.s32 s3, s9;
	s6 =	sadd.s32 @!p0 $0x88, s6;
	s7 =	simm.s32 @p2 $0x1082  }
0x22: {  	[simem:s7], [sflag:s8] =	dma.local @!p0 [hbm:s6], $0xF7A  }
0x23: {  	s9 =	sor.u32 $0xD0000000, s2;
	s6 =	simm.s32 $0x108;
	_ =	swait.ge @!p0 [sflag:s8], $0x0  }
0x24: {  	s3 =	sadd.s32 $0x88, s3;
	s6 =	simm.s32 @!p1 $0x1082;
	[sflag:s4] =	ssyncset.s32 $0xFFFFF086  }
0x25: {  	[simem:s6], [sflag:s4] =	dma.local [hbm:s3], $0xF7A  }
0x26: {  	[smem:$0x3F93] =	sst s1;
	(tag) =	ssettag s2;
	_ =	strace s9  }
0x27: {  	s1 =	sld [smem:$0x3FA3]  }
0x28: {  	s2 =	sld [smem:$0x3FA4]  }
0x29: {  	s4 =	sld [smem:$0x3FA6]  }
0x2a: {  	p0 =	seq.s32 s5, $0x0;
	s5 =	sld [smem:$0x3FA7]  }
0x2b: {  	s6 =	sld [smem:$0x3FA8]  }
0x2c: {  	s7 =	sld [smem:$0x3FA9]  }
0x2d: {  	s3 =	simm.s32 $0x108;
	s8 =	sld [smem:$0x3FAA]  }
0x2e: {  	s3 =	simm.s32 @!p0 $0x1082;
	s9 =	sld [smem:$0x3FAB]  }
0x2f: {  	lr =	sadd.s32 s0, s3;
	s0 =	sld [smem:$0x3FA2]  }
0x30: {  	s3 =	sld [smem:$0x3FA5]  }
0x31: {  	[smem:$0x3FAE] =	sst s10  }
0x32: {  	s10 =	sld [smem:$0x3FAC];
	_ =	sdelay $0x3  }
0x33: {  	p0 =	seq.s32 s10, $0x1;
	s10 =	sld [smem:$0x3FAE];
	_ =	sdelay $0x3  }
0x34: {  	[smem:$0x3FAE] =	sst s10  }
0x35: {  	s10 =	sld [smem:$0x3FAD];
	_ =	sdelay $0x3  }
0x36: {  	p1 =	seq.s32 s10, $0x1;
	s10 =	sld [smem:$0x3FAE];
	_ =	sdelay $0x3  }
0x37: {  	[smem:$0x3FAE] =	sst s10  }
0x38: {  	s10 =	sld [smem:$0x3FAF]  }
0x39: {  	_ = 	snop;
	(pc) =	sbr.ind lr, $3  }
0x3a: {  	_ = 	snop  }
0x3b: {  	_ = 	snop  }
0x3c: {  	p2 =	seq.s32 s10, $0x1;
	s10 =	sld [smem:$0x3FAE]  }
0x3d: {  	_ =	shalt  }
0x3e: {  	_ =	shalt  }
0x3f: {  	_ =	shalt  }
0x40: {  	_ =	shalt  }
0x41: {  	_ =	shalt  }
0x42: {  	_ =	shalt  }
0x43: {  	_ =	shalt  }
0x44: {  	_ =	shalt  }
0x45: {  	_ =	shalt  }
0x46: {  	_ =	shalt  }
0x47: {  	_ =	shalt  }
0x48: {  	_ =	shalt  }
0x49: {  	_ =	shalt  }
0x4a: {  	_ =	shalt  }
0x4b: {  	_ =	shalt  }
0x4c: {  	_ =	shalt  }
0x4d: {  	_ =	shalt  }
0x4e: {  	_ =	shalt  }
0x4f: {  	_ =	shalt  }
0x50: {  	_ =	shalt  }
0x51: {  	_ =	shalt  }
0x52: {  	_ =	shalt  }
0x53: {  	_ =	shalt  }
0x54: {  	_ =	shalt  }
0x55: {  	_ =	shalt  }
0x56: {  	_ =	shalt  }
0x57: {  	_ =	shalt  }
0x58: {  	_ =	shalt  }
0x59: {  	_ =	shalt  }
0x5a: {  	_ =	shalt  }
0x5b: {  	_ =	shalt  }
0x5c: {  	_ =	shalt  }
0x5d: {  	_ =	shalt  }
0x5e: {  	_ =	shalt  }
0x5f: {  	_ =	shalt  }
0x60: {  	_ =	shalt  }
0x61: {  	_ =	shalt  }
0x62: {  	_ =	shalt  }
0x63: {  	_ =	shalt  }
0x64: {  	_ =	shalt  }
0x65: {  	_ =	shalt  }
0x66: {  	_ =	shalt  }
0x67: {  	_ =	shalt  }
0x68: {  	_ =	shalt  }
0x69: {  	_ =	shalt  }
0x6a: {  	_ =	shalt  }
0x6b: {  	_ =	shalt  }
0x6c: {  	_ =	shalt  }
0x6d: {  	_ =	shalt  }
0x6e: {  	_ =	shalt  }
0x6f: {  	_ =	shalt  }
0x70: {  	_ =	shalt  }
0x71: {  	_ =	shalt  }
0x72: {  	_ =	shalt  }
0x73: {  	_ =	shalt  }
0x74: {  	_ =	shalt  }
0x75: {  	_ =	shalt  }
0x76: {  	_ =	shalt  }
0x77: {  	_ =	shalt  }
0x78: {  	_ =	shalt  }
0x79: {  	_ =	shalt  }
0x7a: {  	_ =	shalt  }
0x7b: {  	_ =	shalt  }
0x7c: {  	_ =	shalt  }
0x7d: {  	_ =	shalt  }
0x7e: {  	_ =	shalt  }
0x7f: {  	_ =	shalt  }
0x80: {  	_ =	shalt  }
0x81: {  	_ =	shalt  }
0x82: {  	_ =	shalt  }
0x83: {  	_ =	shalt  }
0x84: {  	_ =	shalt  }
0x85: {  	_ =	shalt  }
0x86: {  	_ =	shalt  }
0x87: {  	_ =	shalt  }
.Lfunc_end0:
.L_simem_size_0:
called_computation.1_lowered:
.L_overlay_start_0:
0x88: {  	s2 =	sld [smem:$0x3FD9]  }
0x89: {  	s3 =	sld [smem:$0x3FFE];
	_ =	sdelay $0x1  }
0x8a: {  	s1 =	srdreg.scid  }
0x8b: {  	s0 =	sand.u32 $0x1, s1  }
0x8c: {  	s17 =	sshll.u32 s0, $0xA;
	s2 =	sadd.s32 s3, s2  }
0x8d: {  	s2 =	sadd.s32 s2, s17  }
0x8e: {  	[smem:$0x3FBA] =	sst s2  }
0x8f: {  	_ = 	snop  }
0x90: {  	s18 =	sld [smem:$0x3FD0];
	(tm) =	ssettm $0x1  }
0x91: {  	s19 =	sld [smem:$0x3FFB];
	_ =	sdelay $0x3  }
0x92: {  	_ =	strace s19  }
0x93: {  	s2 =	sld [smem:$0x3FFC];
	_ =	sdelay $0x3  }
0x94: {  	_ =	strace s2  }
0x95: {  	s2 =	sld [smem:$0x3FFD];
	_ =	sdelay $0x3  }
0x96: {  	_ =	strace s2  }
0x97: {  	_ =	strace $0x8FFFFFFF  }
0x98: {  	s20 =	sld [smem:$0x3FDB];
	_ =	sdelay $0x1  }
0x99: {  	s4 =	simm.s32 $_scs_section_size  }
0x9a: {  	s5 =	simm.s32 $_size__tile_overlayer_lowered;
	s6 =	simm.s32 $_tile_overlayer_lowered  }
0x9b: {  	s7 =	simm.s32 $0x1BFF;
	s21 =	sshll.u32 s6, $0x1;
	s4 =	sadd.s32 s4, s20  }
0x9c: {  	s22 =	simm.s32 $0x0;
	s5 =	sshll.u32 s5, $0x1;
	s6 =	sadd.s32 s21, s4  }
0x9d: {  	[timem:s22], [sflag:s7] =	dma.local [hbm:s6], s5  }
0x9e: {  	_ =	swait.ge [sflag:s7], s5  }
0x9f: {  	s5 =	ssub.s32 $0x0, s5;
	[sflag:s7] =	ssyncset.done $0x0  }
0xa0: {  	[sflag:s7] =	ssyncadd.s32 s5;
	_ =	sdelay $0x1  }
0xa1: {  	s23 =	simm.s32 $0x1B8B  }
0xa2: {  	_ =	swait.ge [sflag:s23], $0x1  }
0xa3: {  	[sflag:s23] =	ssyncset.done $0x0  }
0xa4: {  	[sflag:s23] =	ssyncadd.s32 $0xFFFFFFFF  }
0xa5: {  	s5 =	sld [smem:$0x0]  }
0xa6: {  	s6 =	sand.u32 $0xFFFFFFFE, s1  }
0xa7: {  	p0 =	sne.s32 s1, s6  }
0xa8: {  	s6 =	sshll.u32 @p0 s6, $0xE  }
0xa9: {  	s6 =	sadd.s32 @p0 $0x11B8D, s6;
	s7 =	sshll.u32 @p0 s5, $0x11  }
0xaa: {  	s6 =	sor.u32 @p0 s7, s6  }
0xab: {  	[sflag:s6] =	ssyncadd.remote.s32 @p0 $0x1;
	_ =	sdelay $0x1  }
0xac: {  	s6 =	simm.s32 @p0 $0x1B8D  }
0xad: {  	_ =	swait.eq @p0 [sflag:s6], $0x1  }
0xae: {  	[sflag:s6] =	ssyncadd.s32 @p0 $0xFFFFFFFF  }
0xaf: {  	s7 =	sshll.u32 @!p0 s1, $0xE  }
0xb0: {  	s7 =	sor.u32 @!p0 $0x4000, s7;
	s6 =	simm.s32 @!p0 $0x1B8D  }
0xb1: {  	s5 =	sshll.u32 @!p0 s5, $0x11;
	s7 =	sadd.s32 @!p0 $0x11B8D, s7;
	_ =	swait.eq @!p0 [sflag:s6], $0x1  }
0xb2: {  	s5 =	sor.u32 @!p0 s5, s7;
	[sflag:s6] =	ssyncadd.s32 @!p0 $0xFFFFFFFF  }
0xb3: {  	s25 =	simm.s32 $0x1B8E;
	s24 =	sld [smem:$0x3FFE];
	[sflag:s5] =	ssyncadd.remote.s32 @!p0 $0x1  }
0xb4: {  	s26 =	simm.s32 $execute0_lowered;
	[smem:$0x3FD2] =	sst s25  }
0xb5: {  	s6 =	sshll.u32 s26, $0x1;
	_ =	strace $0x80000049;
	[dreg:$0x1] =	wrdreg $0xFFFFFFFF  }
0xb6: {  	s28 =	simm.s32 $_size_execute0_lowered;
	s4 =	sadd.s32 s4, s6;
	[dreg:$0x0] =	wrdreg $0x0  }
0xb7: {  	s6 =	sshll.u32 s28, $0x1;
	[dreg:$0x2] =	wrdreg s4  }
0xb8: {  	[dreg:$0x3] =	wrdreg s6  }
0xb9: {  	[dreg:$0x4] =	wrdreg $0xC0  }
0xba: {  	_ =	task [dreg:s22], $0x5FFFF  }
0xbb: {  	[dreg:$0x1] =	wrdreg $0xFFFFFFFF  }
0xbc: {  	[dreg:$0x0] =	wrdreg $0x60  }
0xbd: {  	[dreg:$0x2] =	wrdreg s18  }
0xbe: {  	[dreg:$0x3] =	wrdreg s24  }
0xbf: {  	[dreg:$0x4] =	wrdreg $0xA9000  }
0xc0: {  	[dreg:$0x5] =	wrdreg $0xA  }
0xc1: {  	_ =	task.clear_ibuf [dreg:s22], $0x6FFFF;
	_ =	strace $0x90000049  }
0xc2: {  	s29 =	simm.s32 $0xA;
	_ =	strace $0x8000004B  }
0xc3: {  	_ =	swait.ge [sflag:s29], $0x1  }
0xc4: {  	[sflag:s29] =	ssyncadd.s32 $0xFFFFFFFF  }
0xc5: {  	_ =	strace $0x9000004B  }
0xc6: {  	_ =	sfence  }
0xc7: {  	s30 =	sld [smem:$0x0];
	_ =	sdelay $0x2  }
0xc8: {  	s31 =	sshll.u32 s1, $0xD;
	s1 =	sshrl.u32 s1, $0x2  }
0xc9: {  	s4 =	sand.u32 $0x4000, s31;
	s1 =	sadd.s32 s1, s30  }
0xca: {  	s0 =	sor.u32 s4, s0;
	s1 =	sshll.u32 s1, $0x11  }
0xcb: {  	s0 =	sor.u32 s1, s0  }
0xcc: {  	s0 =	sadd.s32 $0x8F2B, s0  }
0xcd: {  	[sflag:s0] =	ssyncadd.remote.s32 $0x1  }
0xce: {  	_ =	sfence.sel $0xFFFF  }
0xcf: {  	[dreg:$0x0] =	wrdreg $0xFFFFFFFF;
	(pc) =	sbr.abs _section_cstart, $3  }
0xd0: {  	[dreg:$0x1] =	wrdreg $0xFFFFFFFF  }
0xd1: {  	_ =	task.clear_ibuf [dreg:s22], $0x2FFFF;
	_ =	strace $0x9FFFFFFF  }
0xd2: {  	(tm) =	ssettm $0x7FFFFFFF  }
0xd3: {  	_ =	shalt  }
tec
execute0_lowered:
.L_overlay_start_1:
0x0: {  	(tag) =	ssettag $0x1  }
0x1: {  	s1 =	rddreg [dreg:$0x0]  }
0x2: {  	s0 =	rddreg [dreg:$0x1]  }
0x3: {  	s2 =	rddreg [dreg:$0x2];
	s3 =	simm.s32 $0x0  }
0x4: {  	s4 =	srdreg.scid;
	s22 =	stileid.u32;
	s28 =	simm.s32 $0x8000  }
0x5: {  	s29 =	simm.s32 $0x1;
	s30 =	simm.s32 $0x8080;
	s31 =	simm.s32 $0x0  }
0x6: {  	[smem:$0x7FF] =	sst s3;
	s17 =	sadd.s32 $0x26C00, s0;
	s4 =	sand.u32 $0x1, s4  }
0x7: {  	s18 =	sadd.s32 $0x16C00, s0;
	s20 =	sshll.u32 s22, $0xB;
	s6 =	smul.u32 $0x50000, s22  }
0x8: {  	s0 =	sadd.s32 $0x36C00, s0;
	p0 =	sne.s32 s22, $0xF;
	_ =	strace $0x8000004A  }
0x9: {  	s5 =	ssub.s32 $0x2, s4;
	s19 =	sshll.u32 s4, $0xF;
	s4 =	smul.u32 $0x138800, s4  }
0xa: {  	s7 =	sshrl.u32 s5, $0x1;
	s8 =	sor.u32 s20, s19;
	s16 =	sshrl.u32 s6, $0x2  }
0xb: {  	s21 =	ssub.s32 s5, s7;
	s15 =	sor.u32 $0x780, s8;
	s7 =	sadd.s32 s16, s2  }
0xc: {  	s16 =	smul.u32 $0x4E000, s22;
	s23 =	sadd.s32 s17, s15;
	s24 =	sadd.s32 s18, s15  }
0xd: {  	s25 =	sadd.s32 $0x2800, s7;
	s9 =	sadd.s32 $0x5000, s7;
	s10 =	sadd.s32 $0x7800, s7  }
0xe: {  	s11 =	sadd.s32 $0xA000, s7;
	s15 =	smul.u32 $0x13800, s22;
	s12 =	sadd.s32 $0xC800, s7  }
0xf: {  	s13 =	sadd.s32 $0xF000, s7;
	s14 =	sadd.s32 $0x11800, s7;
	[dreg:$0x4] =	wrdreg s23  }
0x10: {  	s18 =	sadd.s32 s19, s18;
	s19 =	sadd.s32 s19, s17;
	[dreg:$0x5] =	wrdreg s24  }
0x11: {  	s17 =	smax.u32 s21, $0x1;
	[dreg:$0x6] =	wrdreg s25;
	s16 =	sshrl.u32 s16, $0x2  }
0x12: {  	s18 =	sadd.s32 s20, s18;
	s19 =	sadd.s32 s20, s19;
	s20 =	simm.s32 $0x2  }
0x13: {  	s23 =	simm.s32 $0x8100;
	s15 =	sadd.s32 s15, s4;
	s4 =	sshrl.u32 s4, $0x3  }
0x14: {  	s26 =	sadd.s32 s16, s2;
	s15 =	sshrl.u32 s15, $0x3;
	s4 =	sadd.s32 s0, s4  }
0x15: {  	s24 =	sshrl.u32 s26, $0x3;
	s16 =	sadd.s32 $0x27000, s4;
	s4 =	sadd.s32 $0x138000, s2  }
0x16: {  	v0 =	vimm.f32 $0.0e+00;
	s26 =	simm.s32 $0x50;
	s15 =	sadd.s32 s0, s15;
	s25 =	sshrl.u32 @!p0 s4, $0x3  }
.LBB2_1:
0x17: {  	s0 =	sadd.s32 $0x0, s19  }
0x18: {  	[tilespmem:s3], [sflag:$0x2] =	stream.linear.gather [hbm4b:s0+s3], $0x400, $0x38;
	[tilespmem:$0x1E900] =	vst v63  }
0x19: {  	_ =	swait.ge [sflag:s20], $0x400  }
0x1a: {  	[sflag:s20] =	ssyncset.done $0x0  }
0x1b: {  	s22 =	simm.s32 $0x4000;
	s4 =	sadd.s32 $0x0, s18;
	[sflag:s20] =	ssyncadd.s32 $0xFFFFFC00  }
0x1c: {  	[tilespmem:s22], [sflag:$0x2] =	stream.linear.gather [hbm4b:s4+s3], $0x400, $0x38;
	[tilespmem:$0x1E900] =	vst v63  }
0x1d: {  	s21 =	simm.s32 $0x4400;
	s0 =	simm.s32 $0x80;
	_ =	swait.ge [sflag:s20], $0x400  }
0x1e: {  	s4 =	simm.s32 $0x100;
	s22 =	simm.s32 $0x400;
	[sflag:s20] =	ssyncset.done $0x0  }
.LBB2_2:
0x1f: {  	s5 =	sadd.s32 s0, s19  }
0x20: {  	[sflag:s20] =	ssyncadd.s32 $0xFFFFFC00;
	s6 =	smov.u32 s4;
	s8 =	sadd.s32 $0x80, s4  }
0x21: {  	[tilespmem:s22], [sflag:$0x2] =	stream.linear.gather [hbm4b:s5+s3], $0x400, $0x38;
	[tilespmem:$0x1E900] =	vst v63  }
0x22: {  	p1 =	sne.s32 s4, $0x700;
	_ =	swait.ge [sflag:s20], $0x400  }
.Ltmp0:
0x23: {  	[sflag:s20] =	ssyncset.done $0x0;
	(pc) =	sbr.rel @p1 .LBB2_2-.Ltmp0, $4  }
0x24: {  	s4 =	sadd.s32 s0, s18;
	s0 =	smov.u32 s6;
	[sflag:s20] =	ssyncadd.s32 $0xFFFFFC00  }
0x25: {  	[tilespmem:s21], [sflag:$0x2] =	stream.linear.gather [hbm4b:s4+s3], $0x400, $0x38;
	[tilespmem:$0x1E900] =	vst v63  }
0x26: {  	s22 =	sadd.s32 $0x400, s22;
	_ =	swait.ge [sflag:s20], $0x400  }
0x27: {  	s21 =	sadd.s32 $0x400, s21;
	s4 =	smov.u32 s8;
	[sflag:s20] =	ssyncset.done $0x0  }
0x28: {  	s4 =	sadd.s32 s0, s19;
	[sflag:s20] =	ssyncadd.s32 $0xFFFFFC00  }
0x29: {  	[tilespmem:s22], [sflag:$0x2] =	stream.linear.gather [hbm4b:s4+s3], $0x400, $0x38;
	[tilespmem:$0x1E900] =	vst v63  }
0x2a: {  	_ =	swait.ge [sflag:s20], $0x400  }
0x2b: {  	[sflag:s20] =	ssyncset.done $0x0  }
0x2c: {  	s5 =	sadd.s32 s0, s18;
	[sflag:s20] =	ssyncadd.s32 $0xFFFFFC00  }
0x2d: {  	[tilespmem:s21], [sflag:$0x2] =	stream.linear.gather [hbm4b:s5+s3], $0x400, $0x38;
	[tilespmem:$0x1E900] =	vst v63  }
0x2e: {  	_ =	swait.ge [sflag:s20], $0x400  }
0x2f: {  	s6 =	simm.s32 $0x0;
	[sflag:s20] =	ssyncset.done $0x0  }
0x30: {  	s5 =	simm.s32 $0x3C00;
	s8 =	rddreg [dreg:$0x4];
	[sflag:s20] =	ssyncadd.s32 $0xFFFFFC00  }
0x31: {  	[tilespmem:s5], [sflag:$0x2] =	stream.linear.gather [hbm4b:s8+s6], $0x280, $0x38;
	[tilespmem:$0x1E900] =	vst v63  }
0x32: {  	_ =	swait.ge [sflag:s20], $0x280  }
0x33: {  	[sflag:s20] =	ssyncset.done $0x0  }
0x34: {  	s22 =	simm.s32 $0x7C00;
	s21 =	rddreg [dreg:$0x5];
	[sflag:s20] =	ssyncadd.s32 $0xFFFFFD80  }
0x35: {  	[tilespmem:s22], [sflag:$0x2] =	stream.linear.gather [hbm4b:s21+s6], $0x280, $0x38;
	[tilespmem:$0x1E900] =	vst v63  }
0x36: {  	_ =	swait.ge [sflag:s20], $0x280  }
0x37: {  	[sflag:s20] =	ssyncset.done $0x0  }
0x38: {  	s0 =	simm.s32 $0x0;
	s21 =	simm.s32 $0x200;
	[sflag:s20] =	ssyncadd.s32 $0xFFFFFD80  }
.LBB2_4:
0x39: {  	p1 =	sne.s32 s21, $0x9E00;
	[tilespmem:s0+$0x8170] =	vst v0  }
0x3a: {  	[tilespmem:s0+$0x8100] =	vst v0  }
0x3b: {  	[tilespmem:s0+$0x8110] =	vst v0  }
.Ltmp1:
0x3c: {  	[tilespmem:s0+$0x8120] =	vst v0;
	(pc) =	sbr.rel @p1 .LBB2_4-.Ltmp1, $4  }
0x3d: {  	[tilespmem:s0+$0x8130] =	vst v0  }
0x3e: {  	[tilespmem:s0+$0x8140] =	vst v0  }
0x3f: {  	[tilespmem:s0+$0x8150] =	vst v0  }
0x40: {  	[tilespmem:s0+$0x8160] =	vst v0;
	s0 =	sshra.s32 s21, $0x2;
	s21 =	sadd.s32 $0x200, s21  }
0x41: {  	[tilespmem:s0+$0x8170] =	vst v0  }
0x42: {  	[tilespmem:s0+$0x8100] =	vst v0  }
0x43: {  	[tilespmem:s0+$0x8110] =	vst v0  }
0x44: {  	[tilespmem:s0+$0x8120] =	vst v0  }
0x45: {  	[tilespmem:s0+$0x8130] =	vst v0  }
0x46: {  	[tilespmem:s0+$0x8140] =	vst v0  }
0x47: {  	[tilespmem:s0+$0x8150] =	vst v0  }
0x48: {  	[tilespmem:s0+$0x8160] =	vst v0  }
0x49: {  	[spmem:s7] =	stream.linear.scatter [tilespmem:s23], [sflag:$0x2], $0x2800, $0x38;
	[tilespmem:$0x1E900] =	vst v63  }
0x4a: {  	_ =	swait.ge [sflag:s20], $0x2800  }
0x4b: {  	[sflag:s20] =	ssyncset.done $0x0  }
0x4c: {  	s21 =	rddreg [dreg:$0x6];
	[sflag:s20] =	ssyncadd.s32 $0xFFFFD800  }
0x4d: {  	[spmem:s21] =	stream.linear.scatter [tilespmem:s23], [sflag:$0x2], $0x2800, $0x38;
	[tilespmem:$0x1E900] =	vst v63  }
0x4e: {  	_ =	swait.ge [sflag:s20], $0x2800  }
0x4f: {  	[sflag:s20] =	ssyncset.done $0x0  }
0x50: {  	[sflag:s20] =	ssyncadd.s32 $0xFFFFD800  }
0x51: {  	[spmem:s9] =	stream.linear.scatter [tilespmem:s23], [sflag:$0x2], $0x2800, $0x38;
	[tilespmem:$0x1E900] =	vst v63  }
0x52: {  	_ =	swait.ge [sflag:s20], $0x2800  }
0x53: {  	[sflag:s20] =	ssyncset.done $0x0  }
0x54: {  	[sflag:s20] =	ssyncadd.s32 $0xFFFFD800  }
0x55: {  	[spmem:s10] =	stream.linear.scatter [tilespmem:s23], [sflag:$0x2], $0x2800, $0x38;
	[tilespmem:$0x1E900] =	vst v63  }
0x56: {  	_ =	swait.ge [sflag:s20], $0x2800  }
0x57: {  	[sflag:s20] =	ssyncset.done $0x0  }
0x58: {  	[sflag:s20] =	ssyncadd.s32 $0xFFFFD800  }
0x59: {  	[spmem:s11] =	stream.linear.scatter [tilespmem:s23], [sflag:$0x2], $0x2800, $0x38;
	[tilespmem:$0x1E900] =	vst v63  }
0x5a: {  	_ =	swait.ge [sflag:s20], $0x2800  }
0x5b: {  	[sflag:s20] =	ssyncset.done $0x0  }
0x5c: {  	[sflag:s20] =	ssyncadd.s32 $0xFFFFD800  }
0x5d: {  	[spmem:s12] =	stream.linear.scatter [tilespmem:s23], [sflag:$0x2], $0x2800, $0x38;
	[tilespmem:$0x1E900] =	vst v63  }
0x5e: {  	_ =	swait.ge [sflag:s20], $0x2800  }
0x5f: {  	[sflag:s20] =	ssyncset.done $0x0  }
0x60: {  	[sflag:s20] =	ssyncadd.s32 $0xFFFFD800  }
0x61: {  	[spmem:s13] =	stream.linear.scatter [tilespmem:s23], [sflag:$0x2], $0x2800, $0x38;
	[tilespmem:$0x1E900] =	vst v63  }
0x62: {  	_ =	swait.ge [sflag:s20], $0x2800  }
0x63: {  	[sflag:s20] =	ssyncset.done $0x0  }
0x64: {  	[sflag:s20] =	ssyncadd.s32 $0xFFFFD800  }
0x65: {  	[spmem:s14] =	stream.linear.scatter [tilespmem:s23], [sflag:$0x2], $0x2800, $0x38;
	[tilespmem:$0x1E900] =	vst v63  }
0x66: {  	_ =	swait.ge [sflag:s20], $0x2800  }
0x67: {  	[sflag:s20] =	ssyncset.done $0x0  }
0x68: {  	[sflag:s20] =	ssyncadd.s32 $0xFFFFD800  }
0x69: {  	s22 =	simm.s32 $0x0;
	[bflag:$0x0] =	sbarrier.arrive $0xFFFF  }
0x6a: {  	v1 =	vld [tilespmem:s22+$0x0];
	_ =	sdelay $0x4  }
0x6b: {  	[tilespmem:$0x8000] =	vst v1  }
0x6c: {  	v1 =	vld [tilespmem:s22+$0x4000];
	_ =	sdelay $0x4  }
0x6d: {  	[tilespmem:$0x8080] =	vst v1  }
0x6e: {  	v1 =	vld [tilespmem:s22+$0x10];
	_ =	sdelay $0x4  }
0x6f: {  	[tilespmem:$0x8010] =	vst v1  }
0x70: {  	v1 =	vld [tilespmem:s22+$0x4010];
	_ =	sdelay $0x4  }
0x71: {  	[tilespmem:$0x8090] =	vst v1  }
0x72: {  	v1 =	vld [tilespmem:s22+$0x20];
	_ =	sdelay $0x4  }
0x73: {  	[tilespmem:$0x8020] =	vst v1  }
0x74: {  	v1 =	vld [tilespmem:s22+$0x4020];
	_ =	sdelay $0x4  }
0x75: {  	[tilespmem:$0x80A0] =	vst v1  }
0x76: {  	v1 =	vld [tilespmem:s22+$0x30];
	_ =	sdelay $0x4  }
0x77: {  	[tilespmem:$0x8030] =	vst v1  }
0x78: {  	v1 =	vld [tilespmem:s22+$0x4030];
	_ =	sdelay $0x4  }
0x79: {  	[tilespmem:$0x80B0] =	vst v1  }
0x7a: {  	v1 =	vld [tilespmem:s22+$0x40];
	_ =	sdelay $0x4  }
0x7b: {  	[tilespmem:$0x8040] =	vst v1  }
0x7c: {  	v1 =	vld [tilespmem:s22+$0x4040];
	_ =	sdelay $0x4  }
0x7d: {  	[tilespmem:$0x80C0] =	vst v1  }
0x7e: {  	[tilespmem:s23], [sflag:$0x1] =	stream.indirect.gather [hbm4b:s1+s26], $0x80, s28, s26, $0xb8;
	[tilespmem:$0x1E900] =	vst v63  }
0x7f: {  	_ =	swait.ge [sflag:s29], $0x2800  }
0x80: {  	[sflag:s29] =	ssyncset.done $0x0  }
0x81: {  	[sflag:s29] =	ssyncadd.s32 $0xFFFFD800  }
0x82: {  	[spmem:s2] =	stream.indirect.scatter.add.f32 [tilespmem:s23], [sflag:$0x2], $0x80, s30, s26, $0xb8;
	[tilespmem:$0x1E900] =	vst v63  }
0x83: {  	_ =	swait.ge [sflag:s20], $0x2800  }
0x84: {  	s0 =	simm.s32 $0x200;
	s4 =	simm.s32 $0x400;
	[sflag:s20] =	ssyncset.done $0x0  }
.LBB2_6:
0x85: {  	s22 =	sshra.s32 s0, $0x2  }
0x86: {  	[sflag:s20] =	ssyncadd.s32 $0xFFFFD800;
	s0 =	smov.u32 s4;
	s21 =	sadd.s32 $0x200, s4  }
0x87: {  	p1 =	sne.s32 s4, $0xF800;
	v1 =	vld [tilespmem:s22+$0x0];
	_ =	sdelay $0x4  }
0x88: {  	[tilespmem:$0x8000] =	vst v1  }
0x89: {  	v1 =	vld [tilespmem:s22+$0x4000];
	_ =	sdelay $0x4  }
0x8a: {  	[tilespmem:$0x8080] =	vst v1  }
0x8b: {  	v1 =	vld [tilespmem:s22+$0x10];
	_ =	sdelay $0x4  }
0x8c: {  	[tilespmem:$0x8010] =	vst v1  }
0x8d: {  	v1 =	vld [tilespmem:s22+$0x4010];
	_ =	sdelay $0x4  }
0x8e: {  	[tilespmem:$0x8090] =	vst v1  }
0x8f: {  	v1 =	vld [tilespmem:s22+$0x20];
	_ =	sdelay $0x4  }
0x90: {  	[tilespmem:$0x8020] =	vst v1  }
0x91: {  	v1 =	vld [tilespmem:s22+$0x4020];
	_ =	sdelay $0x4  }
0x92: {  	[tilespmem:$0x80A0] =	vst v1  }
0x93: {  	v1 =	vld [tilespmem:s22+$0x30];
	_ =	sdelay $0x4  }
0x94: {  	[tilespmem:$0x8030] =	vst v1  }
0x95: {  	v1 =	vld [tilespmem:s22+$0x4030];
	_ =	sdelay $0x4  }
0x96: {  	[tilespmem:$0x80B0] =	vst v1  }
0x97: {  	v1 =	vld [tilespmem:s22+$0x40];
	_ =	sdelay $0x4  }
0x98: {  	[tilespmem:$0x8040] =	vst v1  }
0x99: {  	v1 =	vld [tilespmem:s22+$0x4040];
	_ =	sdelay $0x4  }
0x9a: {  	[tilespmem:$0x80C0] =	vst v1  }
0x9b: {  	[tilespmem:s23], [sflag:$0x1] =	stream.indirect.gather [hbm4b:s1+s26], $0x80, s28, s26, $0xb8;
	[tilespmem:$0x1E900] =	vst v63  }
0x9c: {  	_ =	swait.ge [sflag:s29], $0x2800  }
.Ltmp2:
0x9d: {  	[sflag:s29] =	ssyncset.done $0x0;
	(pc) =	sbr.rel @p1 .LBB2_6-.Ltmp2, $4  }
0x9e: {  	[sflag:s29] =	ssyncadd.s32 $0xFFFFD800  }
0x9f: {  	[spmem:s2] =	stream.indirect.scatter.add.f32 [tilespmem:s23], [sflag:$0x2], $0x80, s30, s26, $0xb8;
	[tilespmem:$0x1E900] =	vst v63  }
0xa0: {  	_ =	swait.ge [sflag:s20], $0x2800  }
0xa1: {  	s4 =	smov.u32 s21;
	[sflag:s20] =	ssyncset.done $0x0  }
0xa2: {  	s0 =	sshra.s32 s0, $0x2;
	[sflag:s20] =	ssyncadd.s32 $0xFFFFD800  }
0xa3: {  	v1 =	vld [tilespmem:s0+$0x0];
	_ =	sdelay $0x4  }
0xa4: {  	[tilespmem:$0x8000] =	vst v1  }
0xa5: {  	v1 =	vld [tilespmem:s0+$0x4000];
	_ =	sdelay $0x4  }
0xa6: {  	[tilespmem:$0x8080] =	vst v1  }
0xa7: {  	v1 =	vld [tilespmem:s0+$0x10];
	_ =	sdelay $0x4  }
0xa8: {  	[tilespmem:$0x8010] =	vst v1  }
0xa9: {  	v1 =	vld [tilespmem:s0+$0x4010];
	_ =	sdelay $0x4  }
0xaa: {  	[tilespmem:$0x8090] =	vst v1  }
0xab: {  	v1 =	vld [tilespmem:s0+$0x20];
	_ =	sdelay $0x4  }
0xac: {  	[tilespmem:$0x8020] =	vst v1  }
0xad: {  	v1 =	vld [tilespmem:s0+$0x4020];
	_ =	sdelay $0x4  }
0xae: {  	[tilespmem:$0x80A0] =	vst v1  }
0xaf: {  	v1 =	vld [tilespmem:s0+$0x30];
	_ =	sdelay $0x4  }
0xb0: {  	[tilespmem:$0x8030] =	vst v1  }
0xb1: {  	v1 =	vld [tilespmem:s0+$0x4030];
	_ =	sdelay $0x4  }
0xb2: {  	[tilespmem:$0x80B0] =	vst v1  }
0xb3: {  	v1 =	vld [tilespmem:s0+$0x40];
	_ =	sdelay $0x4  }
0xb4: {  	[tilespmem:$0x8040] =	vst v1  }
0xb5: {  	v1 =	vld [tilespmem:s0+$0x4040];
	_ =	sdelay $0x4  }
0xb6: {  	[tilespmem:$0x80C0] =	vst v1  }
0xb7: {  	[tilespmem:s23], [sflag:$0x1] =	stream.indirect.gather [hbm4b:s1+s26], $0x80, s28, s26, $0xb8;
	[tilespmem:$0x1E900] =	vst v63  }
0xb8: {  	_ =	swait.ge [sflag:s29], $0x2800  }
0xb9: {  	[sflag:s29] =	ssyncset.done $0x0  }
0xba: {  	[sflag:s29] =	ssyncadd.s32 $0xFFFFD800  }
0xbb: {  	[spmem:s2] =	stream.indirect.scatter.add.f32 [tilespmem:s23], [sflag:$0x2], $0x80, s30, s26, $0xb8;
	[tilespmem:$0x1E900] =	vst v63  }
0xbc: {  	_ =	swait.ge [sflag:s20], $0x2800  }
0xbd: {  	s22 =	stileid.u32;
	[sflag:s20] =	ssyncset.done $0x0  }
0xbe: {  	s0 =	sshll.u32 s22, $0x6;
	[sflag:s20] =	ssyncadd.s32 $0xFFFFD800  }
0xbf: {  	s0 =	sor.u32 $0x1C02, s0;
	[bflag:$0x0] =	sbarrier.arrive $0xFFFF  }
0xc0: {  	[hbm:s15], [sflag:s0] =	dma.local [spmem:s24], $0x2700  }
0xc1: {  	_ =	swait.ge [sflag:s20], $0x2700  }
0xc2: {  	s31 =	sadd.s32 $0x1, s31;
	[sflag:s20] =	ssyncset.done $0x0  }
0xc3: {  	p1 =	sne.s32 s31, s17;
	[sflag:s20] =	ssyncadd.s32 $0xFFFFD900  }
0xc4: {  	[hbm:s16], [sflag:s0] =	dma.local @!p0 [spmem:s25], $0x100  }
.Ltmp3:
0xc5: {  	_ = 	snop;
	(pc) =	sbr.rel @p1 .LBB2_1-.Ltmp3, $4  }
0xc6: {  	s0 =	simm.s32 @!p0 $0x2  }
0xc7: {  	_ =	swait.ge @!p0 [sflag:s0], $0x100  }
0xc8: {  	[sflag:s0] =	ssyncset.done @!p0 $0x0  }
0xc9: {  	[sflag:s0] =	ssyncadd.s32 @!p0 $0xFFFFFF00  }
0xca: {  	_ =	sfence.sel $0x180000  }
0xcb: {  	[bflag:$0x0] =	sbarrier.arrive $0xFFFF  }
0xcc: {  	_ =	strace $0x9000004A  }
0xcd: {  	s0 =	stileid.u32;
	[bflag:$0x2] =	sbarrier.arrive $0xFFFF  }
0xce: {  	p0 =	sne.s32 s0, $0x0;
	s0 =	rddreg [dreg:$0x3]  }
0xcf: {  	s0 =	sadd.s32 @!p0 $0x100000, s0  }
0xd0: {  	[sflag:s0] =	ssyncadd.tile.s32 @!p0 $0x1;
	_ =	shalt  }
.Lfunc_end2:
_tile_overlayer_lowered:
.L_overlay_start_2:
0xd1: {  	(tag) =	ssettag $0x2  }
0xd2: {  	s0 =	rddreg [dreg:$0x0];
	s2 =	stileid.u32  }
0xd3: {  	s1 =	rddreg [dreg:$0x1];
	p0 =	sne.s32 s2, $0x0  }
0xd4: {  	s3 =	rddreg [dreg:$0x2];
	[bflag:$0x3] =	sbarrier.arrive $0xFFFF;
	s2 =	simm.s32 @!p0 $0x1C02  }
0xd5: {  	[timem:s3], [sflag:s2] =	dma.local @!p0 [hbm:s0], s1  }
0xd6: {  	s0 =	simm.s32 @!p0 $0x2  }
0xd7: {  	_ =	swait.ge @!p0 [sflag:s0], s1  }
0xd8: {  	s1 =	ssub.s32 @!p0 $0x0, s1;
	[sflag:s0] =	ssyncset.done @!p0 $0x0  }
0xd9: {  	[sflag:s0] =	ssyncadd.s32 @!p0 s1  }
0xda: {  	[bflag:$0x3] =	sbarrier.arrive $0xFFFF  }
0xdb: {  	_ =	shalt  }

// kernel: kernel.18.cloned.1.call-start
scs
__scs_entry_jumppad:
0x0: {  	(pc) =	sbr.rel $0x88, $3  }
0x1: {  	(tag) =	ssettag $0x0;
	lr =	simm.s32 $0x1  }
0x2: {  	[smem:$0x3F93] =	sst lr;
	_ =	strace $0xD0000000  }
0x3: {  	_ = 	snop  }
0x4: {  	_ = 	snop  }
0x5: {  	_ = 	snop  }
0x6: {  	_ = 	snop  }
0x7: {  	_ = 	snop  }
__scs_overlays_trampoline_lowered:
0x8: {  	[smem:$0x3FA2] =	sst s0  }
0x9: {  	[smem:$0x3FA3] =	sst s1  }
0xa: {  	[smem:$0x3FA4] =	sst s2  }
0xb: {  	[smem:$0x3FA5] =	sst s3  }
0xc: {  	[smem:$0x3FA6] =	sst s4  }
0xd: {  	[smem:$0x3FA7] =	sst s5  }
0xe: {  	[smem:$0x3FA8] =	sst s6  }
0xf: {  	[smem:$0x3FA9] =	sst s7  }
0x10: {  	[smem:$0x3FAA] =	sst s8  }
0x11: {  	[smem:$0x3FAB] =	sst s9;
	s0 =	simm.s32 @!p0 $0x0  }
0x12: {  	s1 =	sld [smem:$0x3F91];
	s0 =	simm.s32 @p0 $0x1  }
0x13: {  	[smem:$0x3FAC] =	sst s0;
	s0 =	simm.s32 @!p1 $0x0  }
0x14: {  	s2 =	sld [smem:$0x3F90];
	s0 =	simm.s32 @p1 $0x1  }
0x15: {  	[smem:$0x3FAD] =	sst s0;
	s0 =	simm.s32 @!p2 $0x0  }
0x16: {  	s3 =	sld [smem:$0x3FDB];
	s0 =	simm.s32 @p2 $0x1  }
0x17: {  	s4 =	simm.s32 $0x1BF5;
	[smem:$0x3FAF] =	sst s0  }
0x18: {  	s0 =	sld [smem:$0x3F92];
	_ =	swait.ge [sflag:s4], $0x0  }
0x19: {  	s7 =	sld [smem:$0x3F93]  }
0x1a: {  	s8 =	sadd.s32 $0xFFFFE003, lr  }
0x1b: {  	s9 =	sadd.s32 $0xFFFFFEF7, lr;
	s5 =	simm.s32 $0xFFFFFFFF;
	p2 =	slt.u32 s8, $0xFFFFF086  }
0x1c: {  	p1 =	slt.u32 s9, $0xF7A;
	s5 =	simm.s32 @!p2 $0x0  }
0x1d: {  	s5 =	simm.s32 @p1 $0x1;
	p0 =	seq.s32 s7, s2  }
0x1e: {  	s7 =	smul.u32 @!p0 $0xF7A, s2;
	p2 =	seq.s32 @!p0 s5, $0x0  }
0x1f: {  	s9 =	smul.u32 $0xF7A, s1;
	s8 =	simm.s32 @!p0 $0x1BF5;
	p2 =	por !p2, p0  }
0x20: {  	[sflag:s8] =	ssyncset.s32 @!p0 $0xFFFFF086;
	s6 =	sadd.s32 @!p0 s3, s7;
	s7 =	simm.s32 @!p0 $0x108  }
0x21: {  	s3 =	sadd.s32 s3, s9;
	s6 =	sadd.s32 @!p0 $0x88, s6;
	s7 =	simm.s32 @p2 $0x1082  }
0x22: {  	[simem:s7], [sflag:s8] =	dma.local @!p0 [hbm:s6], $0xF7A  }
0x23: {  	s9 =	sor.u32 $0xD0000000, s2;
	s6 =	simm.s32 $0x108;
	_ =	swait.ge @!p0 [sflag:s8], $0x0  }
0x24: {  	s3 =	sadd.s32 $0x88, s3;
	s6 =	simm.s32 @!p1 $0x1082;
	[sflag:s4] =	ssyncset.s32 $0xFFFFF086  }
0x25: {  	[simem:s6], [sflag:s4] =	dma.local [hbm:s3], $0xF7A  }
0x26: {  	[smem:$0x3F93] =	sst s1;
	(tag) =	ssettag s2;
	_ =	strace s9  }
0x27: {  	s1 =	sld [smem:$0x3FA3]  }
0x28: {  	s2 =	sld [smem:$0x3FA4]  }
0x29: {  	s4 =	sld [smem:$0x3FA6]  }
0x2a: {  	p0 =	seq.s32 s5, $0x0;
	s5 =	sld [smem:$0x3FA7]  }
0x2b: {  	s6 =	sld [smem:$0x3FA8]  }
0x2c: {  	s7 =	sld [smem:$0x3FA9]  }
0x2d: {  	s3 =	simm.s32 $0x108;
	s8 =	sld [smem:$0x3FAA]  }
0x2e: {  	s3 =	simm.s32 @!p0 $0x1082;
	s9 =	sld [smem:$0x3FAB]  }
0x2f: {  	lr =	sadd.s32 s0, s3;
	s0 =	sld [smem:$0x3FA2]  }
0x30: {  	s3 =	sld [smem:$0x3FA5]  }
0x31: {  	[smem:$0x3FAE] =	sst s10  }
0x32: {  	s10 =	sld [smem:$0x3FAC];
	_ =	sdelay $0x3  }
0x33: {  	p0 =	seq.s32 s10, $0x1;
	s10 =	sld [smem:$0x3FAE];
	_ =	sdelay $0x3  }
0x34: {  	[smem:$0x3FAE] =	sst s10  }
0x35: {  	s10 =	sld [smem:$0x3FAD];
	_ =	sdelay $0x3  }
0x36: {  	p1 =	seq.s32 s10, $0x1;
	s10 =	sld [smem:$0x3FAE];
	_ =	sdelay $0x3  }
0x37: {  	[smem:$0x3FAE] =	sst s10  }
0x38: {  	s10 =	sld [smem:$0x3FAF]  }
0x39: {  	_ = 	snop;
	(pc) =	sbr.ind lr, $3  }
0x3a: {  	_ = 	snop  }
0x3b: {  	_ = 	snop  }
0x3c: {  	p2 =	seq.s32 s10, $0x1;
	s10 =	sld [smem:$0x3FAE]  }
0x3d: {  	_ =	shalt  }
0x3e: {  	_ =	shalt  }
0x3f: {  	_ =	shalt  }
0x40: {  	_ =	shalt  }
0x41: {  	_ =	shalt  }
0x42: {  	_ =	shalt  }
0x43: {  	_ =	shalt  }
0x44: {  	_ =	shalt  }
0x45: {  	_ =	shalt  }
0x46: {  	_ =	shalt  }
0x47: {  	_ =	shalt  }
0x48: {  	_ =	shalt  }
0x49: {  	_ =	shalt  }
0x4a: {  	_ =	shalt  }
0x4b: {  	_ =	shalt  }
0x4c: {  	_ =	shalt  }
0x4d: {  	_ =	shalt  }
0x4e: {  	_ =	shalt  }
0x4f: {  	_ =	shalt  }
0x50: {  	_ =	shalt  }
0x51: {  	_ =	shalt  }
0x52: {  	_ =	shalt  }
0x53: {  	_ =	shalt  }
0x54: {  	_ =	shalt  }
0x55: {  	_ =	shalt  }
0x56: {  	_ =	shalt  }
0x57: {  	_ =	shalt  }
0x58: {  	_ =	shalt  }
0x59: {  	_ =	shalt  }
0x5a: {  	_ =	shalt  }
0x5b: {  	_ =	shalt  }
0x5c: {  	_ =	shalt  }
0x5d: {  	_ =	shalt  }
0x5e: {  	_ =	shalt  }
0x5f: {  	_ =	shalt  }
0x60: {  	_ =	shalt  }
0x61: {  	_ =	shalt  }
0x62: {  	_ =	shalt  }
0x63: {  	_ =	shalt  }
0x64: {  	_ =	shalt  }
0x65: {  	_ =	shalt  }
0x66: {  	_ =	shalt  }
0x67: {  	_ =	shalt  }
0x68: {  	_ =	shalt  }
0x69: {  	_ =	shalt  }
0x6a: {  	_ =	shalt  }
0x6b: {  	_ =	shalt  }
0x6c: {  	_ =	shalt  }
0x6d: {  	_ =	shalt  }
0x6e: {  	_ =	shalt  }
0x6f: {  	_ =	shalt  }
0x70: {  	_ =	shalt  }
0x71: {  	_ =	shalt  }
0x72: {  	_ =	shalt  }
0x73: {  	_ =	shalt  }
0x74: {  	_ =	shalt  }
0x75: {  	_ =	shalt  }
0x76: {  	_ =	shalt  }
0x77: {  	_ =	shalt  }
0x78: {  	_ =	shalt  }
0x79: {  	_ =	shalt  }
0x7a: {  	_ =	shalt  }
0x7b: {  	_ =	shalt  }
0x7c: {  	_ =	shalt  }
0x7d: {  	_ =	shalt  }
0x7e: {  	_ =	shalt  }
0x7f: {  	_ =	shalt  }
0x80: {  	_ =	shalt  }
0x81: {  	_ =	shalt  }
0x82: {  	_ =	shalt  }
0x83: {  	_ =	shalt  }
0x84: {  	_ =	shalt  }
0x85: {  	_ =	shalt  }
0x86: {  	_ =	shalt  }
0x87: {  	_ =	shalt  }
.Lfunc_end0:
.L_simem_size_0:
called_computation.2_lowered:
.L_overlay_start_0:
0x88: {  	s2 =	sld [smem:$0x3FD9]  }
0x89: {  	s3 =	sld [smem:$0x3FFE];
	_ =	sdelay $0x1  }
0x8a: {  	s1 =	srdreg.scid  }
0x8b: {  	s0 =	sand.u32 $0x1, s1  }
0x8c: {  	s17 =	sshll.u32 s0, $0xA;
	s2 =	sadd.s32 s3, s2  }
0x8d: {  	s2 =	sadd.s32 s2, s17  }
0x8e: {  	[smem:$0x3FBA] =	sst s2  }
0x8f: {  	_ = 	snop  }
0x90: {  	s2 =	sld [smem:$0x3FD0];
	(tm) =	ssettm $0x1  }
0x91: {  	s18 =	sld [smem:$0x3FFB];
	_ =	sdelay $0x3  }
0x92: {  	_ =	strace s18  }
0x93: {  	s3 =	sld [smem:$0x3FFC];
	_ =	sdelay $0x3  }
0x94: {  	_ =	strace s3  }
0x95: {  	s3 =	sld [smem:$0x3FFD];
	_ =	sdelay $0x3  }
0x96: {  	_ =	strace s3  }
0x97: {  	_ =	strace $0x8FFFFFFF  }
0x98: {  	s19 =	sld [smem:$0x3FDB];
	_ =	sdelay $0x1  }
0x99: {  	s4 =	simm.s32 $_scs_section_size  }
0x9a: {  	s5 =	simm.s32 $_size__tile_overlayer_lowered;
	s6 =	simm.s32 $_tile_overlayer_lowered  }
0x9b: {  	s22 =	simm.s32 $0x1BFF;
	s21 =	sshll.u32 s6, $0x1;
	s3 =	sadd.s32 s4, s19  }
0x9c: {  	s7 =	simm.s32 $0x0;
	s20 =	sshll.u32 s5, $0x1;
	s5 =	sadd.s32 s21, s3  }
0x9d: {  	[timem:s7], [sflag:s22] =	dma.local [hbm:s5], s20  }
0x9e: {  	_ =	swait.ge [sflag:s22], s20  }
0x9f: {  	s4 =	ssub.s32 $0x0, s20;
	[sflag:s22] =	ssyncset.done $0x0  }
0xa0: {  	[sflag:s22] =	ssyncadd.s32 s4;
	_ =	sdelay $0x1  }
0xa1: {  	s23 =	simm.s32 $0x1B8B  }
0xa2: {  	_ =	swait.ge [sflag:s23], $0x1  }
0xa3: {  	[sflag:s23] =	ssyncset.done $0x0  }
0xa4: {  	s25 =	simm.s32 $0x1B8E;
	s24 =	sld [smem:$0x3FFE];
	[sflag:s23] =	ssyncadd.s32 $0xFFFFFFFF  }
0xa5: {  	s26 =	simm.s32 $execute0_lowered;
	[smem:$0x3FD2] =	sst s25  }
0xa6: {  	s5 =	sshll.u32 s26, $0x1;
	_ =	strace $0x8000004C;
	[dreg:$0x1] =	wrdreg $0xFFFFFFFF  }
0xa7: {  	s28 =	simm.s32 $_size_execute0_lowered;
	s3 =	sadd.s32 s3, s5;
	[dreg:$0x0] =	wrdreg $0x0  }
0xa8: {  	s5 =	sshll.u32 s28, $0x1;
	[dreg:$0x2] =	wrdreg s3  }
0xa9: {  	[dreg:$0x3] =	wrdreg s5  }
0xaa: {  	[dreg:$0x4] =	wrdreg $0xC0  }
0xab: {  	_ =	task [dreg:s7], $0x5FFFF  }
0xac: {  	[dreg:$0x1] =	wrdreg $0xFFFFFFFF  }
0xad: {  	[dreg:$0x0] =	wrdreg $0x60  }
0xae: {  	[dreg:$0x2] =	wrdreg s2  }
0xaf: {  	[dreg:$0x3] =	wrdreg s24  }
0xb0: {  	[dreg:$0x4] =	wrdreg $0xA9000  }
0xb1: {  	[dreg:$0x5] =	wrdreg $0x9  }
0xb2: {  	_ =	task.clear_ibuf [dreg:s7], $0x6FFFF;
	_ =	strace $0x9000004C  }
0xb3: {  	s29 =	simm.s32 $0x9;
	_ =	strace $0x8000004E  }
0xb4: {  	_ =	swait.ge [sflag:s29], $0x1  }
0xb5: {  	[sflag:s29] =	ssyncadd.s32 $0xFFFFFFFF  }
0xb6: {  	_ =	strace $0x9000004E  }
0xb7: {  	_ =	sfence  }
0xb8: {  	s30 =	sld [smem:$0x0];
	_ =	sdelay $0x2  }
0xb9: {  	s31 =	sshll.u32 s1, $0xD;
	s1 =	sshrl.u32 s1, $0x2  }
0xba: {  	s3 =	sand.u32 $0x4000, s31;
	s1 =	sadd.s32 s1, s30  }
0xbb: {  	s0 =	sor.u32 s3, s0;
	s1 =	sshll.u32 s1, $0x11  }
0xbc: {  	s0 =	sor.u32 s1, s0  }
0xbd: {  	s0 =	sadd.s32 $0x8F2B, s0  }
0xbe: {  	[sflag:s0] =	ssyncadd.remote.s32 $0x1  }
0xbf: {  	_ =	sfence.sel $0xFFFF  }
0xc0: {  	[dreg:$0x0] =	wrdreg $0xFFFFFFFF;
	(pc) =	sbr.abs _section_cstart, $3  }
0xc1: {  	[dreg:$0x1] =	wrdreg $0xFFFFFFFF  }
0xc2: {  	_ =	task.clear_ibuf [dreg:s7], $0x2FFFF;
	_ =	strace $0x9FFFFFFF  }
0xc3: {  	(tm) =	ssettm $0x7FFFFFFF  }
tec
execute0_lowered:
.L_overlay_start_1:
0x0: {  	(tag) =	ssettag $0x1  }
0x1: {  	s1 =	rddreg [dreg:$0x0]  }
0x2: {  	s0 =	rddreg [dreg:$0x1]  }
0x3: {  	s2 =	rddreg [dreg:$0x2];
	s3 =	simm.s32 $0x0  }
0x4: {  	s4 =	srdreg.scid;
	s22 =	stileid.u32;
	s28 =	simm.s32 $0x8000  }
0x5: {  	s29 =	simm.s32 $0x1;
	s30 =	simm.s32 $0x8080;
	s31 =	simm.s32 $0x0  }
0x6: {  	[smem:$0x7FF] =	sst s3;
	s17 =	sadd.s32 $0x26C00, s0;
	s4 =	sand.u32 $0x1, s4  }
0x7: {  	s18 =	sadd.s32 $0x16C00, s0;
	s20 =	sshll.u32 s22, $0xB;
	s6 =	smul.u32 $0x50000, s22  }
0x8: {  	s0 =	sadd.s32 $0x36C00, s0;
	p0 =	sne.s32 s22, $0xF;
	_ =	strace $0x8000004D  }
0x9: {  	s5 =	ssub.s32 $0x2, s4;
	s19 =	sshll.u32 s4, $0xF;
	s4 =	smul.u32 $0x138800, s4  }
0xa: {  	s7 =	sshrl.u32 s5, $0x1;
	s8 =	sor.u32 s20, s19;
	s16 =	sshrl.u32 s6, $0x2  }
0xb: {  	s21 =	ssub.s32 s5, s7;
	s15 =	sor.u32 $0x780, s8;
	s7 =	sadd.s32 s16, s2  }
0xc: {  	s16 =	smul.u32 $0x4E000, s22;
	s23 =	sadd.s32 s17, s15;
	s24 =	sadd.s32 s18, s15  }
0xd: {  	s25 =	sadd.s32 $0x2800, s7;
	s9 =	sadd.s32 $0x5000, s7;
	s10 =	sadd.s32 $0x7800, s7  }
0xe: {  	s11 =	sadd.s32 $0xA000, s7;
	s15 =	smul.u32 $0x13800, s22;
	s12 =	sadd.s32 $0xC800, s7  }
0xf: {  	s13 =	sadd.s32 $0xF000, s7;
	s14 =	sadd.s32 $0x11800, s7;
	[dreg:$0x4] =	wrdreg s23  }
0x10: {  	s18 =	sadd.s32 s19, s18;
	s19 =	sadd.s32 s19, s17;
	[dreg:$0x5] =	wrdreg s24  }
0x11: {  	s17 =	smax.u32 s21, $0x1;
	[dreg:$0x6] =	wrdreg s25;
	s16 =	sshrl.u32 s16, $0x2  }
0x12: {  	s18 =	sadd.s32 s20, s18;
	s19 =	sadd.s32 s20, s19;
	s20 =	simm.s32 $0x2  }
0x13: {  	s23 =	simm.s32 $0x8100;
	s15 =	sadd.s32 s15, s4;
	s4 =	sshrl.u32 s4, $0x3  }
0x14: {  	s26 =	sadd.s32 s16, s2;
	s15 =	sshrl.u32 s15, $0x3;
	s4 =	sadd.s32 s0, s4  }
0x15: {  	s24 =	sshrl.u32 s26, $0x3;
	s16 =	sadd.s32 $0x27000, s4;
	s4 =	sadd.s32 $0x138000, s2  }
0x16: {  	v0 =	vimm.f32 $0.0e+00;
	s26 =	simm.s32 $0x50;
	s15 =	sadd.s32 s0, s15;
	s25 =	sshrl.u32 @!p0 s4, $0x3  }
.LBB2_1:
0x17: {  	s0 =	sadd.s32 $0x0, s19  }
0x18: {  	[tilespmem:s3], [sflag:$0x2] =	stream.linear.gather [hbm4b:s0+s3], $0x400, $0x38;
	[tilespmem:$0x1E900] =	vst v63  }
0x19: {  	_ =	swait.ge [sflag:s20], $0x400  }
0x1a: {  	[sflag:s20] =	ssyncset.done $0x0  }
0x1b: {  	s22 =	simm.s32 $0x4000;
	s4 =	sadd.s32 $0x0, s18;
	[sflag:s20] =	ssyncadd.s32 $0xFFFFFC00  }
0x1c: {  	[tilespmem:s22], [sflag:$0x2] =	stream.linear.gather [hbm4b:s4+s3], $0x400, $0x38;
	[tilespmem:$0x1E900] =	vst v63  }
0x1d: {  	s21 =	simm.s32 $0x4400;
	s0 =	simm.s32 $0x80;
	_ =	swait.ge [sflag:s20], $0x400  }
0x1e: {  	s4 =	simm.s32 $0x100;
	s22 =	simm.s32 $0x400;
	[sflag:s20] =	ssyncset.done $0x0  }
.LBB2_2:
0x1f: {  	s5 =	sadd.s32 s0, s19  }
0x20: {  	[sflag:s20] =	ssyncadd.s32 $0xFFFFFC00;
	s6 =	smov.u32 s4;
	s8 =	sadd.s32 $0x80, s4  }
0x21: {  	[tilespmem:s22], [sflag:$0x2] =	stream.linear.gather [hbm4b:s5+s3], $0x400, $0x38;
	[tilespmem:$0x1E900] =	vst v63  }
0x22: {  	p1 =	sne.s32 s4, $0x700;
	_ =	swait.ge [sflag:s20], $0x400  }
.Ltmp0:
0x23: {  	[sflag:s20] =	ssyncset.done $0x0;
	(pc) =	sbr.rel @p1 .LBB2_2-.Ltmp0, $4  }
0x24: {  	s4 =	sadd.s32 s0, s18;
	s0 =	smov.u32 s6;
	[sflag:s20] =	ssyncadd.s32 $0xFFFFFC00  }
0x25: {  	[tilespmem:s21], [sflag:$0x2] =	stream.linear.gather [hbm4b:s4+s3], $0x400, $0x38;
	[tilespmem:$0x1E900] =	vst v63  }
0x26: {  	s22 =	sadd.s32 $0x400, s22;
	_ =	swait.ge [sflag:s20], $0x400  }
0x27: {  	s21 =	sadd.s32 $0x400, s21;
	s4 =	smov.u32 s8;
	[sflag:s20] =	ssyncset.done $0x0  }
0x28: {  	s4 =	sadd.s32 s0, s19;
	[sflag:s20] =	ssyncadd.s32 $0xFFFFFC00  }
0x29: {  	[tilespmem:s22], [sflag:$0x2] =	stream.linear.gather [hbm4b:s4+s3], $0x400, $0x38;
	[tilespmem:$0x1E900] =	vst v63  }
0x2a: {  	_ =	swait.ge [sflag:s20], $0x400  }
0x2b: {  	[sflag:s20] =	ssyncset.done $0x0  }
0x2c: {  	s5 =	sadd.s32 s0, s18;
	[sflag:s20] =	ssyncadd.s32 $0xFFFFFC00  }
0x2d: {  	[tilespmem:s21], [sflag:$0x2] =	stream.linear.gather [hbm4b:s5+s3], $0x400, $0x38;
	[tilespmem:$0x1E900] =	vst v63  }
0x2e: {  	_ =	swait.ge [sflag:s20], $0x400  }
0x2f: {  	s6 =	simm.s32 $0x0;
	[sflag:s20] =	ssyncset.done $0x0  }
0x30: {  	s5 =	simm.s32 $0x3C00;
	s8 =	rddreg [dreg:$0x4];
	[sflag:s20] =	ssyncadd.s32 $0xFFFFFC00  }
0x31: {  	[tilespmem:s5], [sflag:$0x2] =	stream.linear.gather [hbm4b:s8+s6], $0x280, $0x38;
	[tilespmem:$0x1E900] =	vst v63  }
0x32: {  	_ =	swait.ge [sflag:s20], $0x280  }
0x33: {  	[sflag:s20] =	ssyncset.done $0x0  }
0x34: {  	s22 =	simm.s32 $0x7C00;
	s21 =	rddreg [dreg:$0x5];
	[sflag:s20] =	ssyncadd.s32 $0xFFFFFD80  }
0x35: {  	[tilespmem:s22], [sflag:$0x2] =	stream.linear.gather [hbm4b:s21+s6], $0x280, $0x38;
	[tilespmem:$0x1E900] =	vst v63  }
0x36: {  	_ =	swait.ge [sflag:s20], $0x280  }
0x37: {  	[sflag:s20] =	ssyncset.done $0x0  }
0x38: {  	s0 =	simm.s32 $0x0;
	s21 =	simm.s32 $0x200;
	[sflag:s20] =	ssyncadd.s32 $0xFFFFFD80  }
.LBB2_4:
0x39: {  	p1 =	sne.s32 s21, $0x9E00;
	[tilespmem:s0+$0x8170] =	vst v0  }
0x3a: {  	[tilespmem:s0+$0x8100] =	vst v0  }
0x3b: {  	[tilespmem:s0+$0x8110] =	vst v0  }
.Ltmp1:
0x3c: {  	[tilespmem:s0+$0x8120] =	vst v0;
	(pc) =	sbr.rel @p1 .LBB2_4-.Ltmp1, $4  }
0x3d: {  	[tilespmem:s0+$0x8130] =	vst v0  }
0x3e: {  	[tilespmem:s0+$0x8140] =	vst v0  }
0x3f: {  	[tilespmem:s0+$0x8150] =	vst v0  }
0x40: {  	[tilespmem:s0+$0x8160] =	vst v0;
	s0 =	sshra.s32 s21, $0x2;
	s21 =	sadd.s32 $0x200, s21  }
0x41: {  	[tilespmem:s0+$0x8170] =	vst v0  }
0x42: {  	[tilespmem:s0+$0x8100] =	vst v0  }
0x43: {  	[tilespmem:s0+$0x8110] =	vst v0  }
0x44: {  	[tilespmem:s0+$0x8120] =	vst v0  }
0x45: {  	[tilespmem:s0+$0x8130] =	vst v0  }
0x46: {  	[tilespmem:s0+$0x8140] =	vst v0  }
0x47: {  	[tilespmem:s0+$0x8150] =	vst v0  }
0x48: {  	[tilespmem:s0+$0x8160] =	vst v0  }
0x49: {  	[spmem:s7] =	stream.linear.scatter [tilespmem:s23], [sflag:$0x2], $0x2800, $0x38;
	[tilespmem:$0x1E900] =	vst v63  }
0x4a: {  	_ =	swait.ge [sflag:s20], $0x2800  }
0x4b: {  	[sflag:s20] =	ssyncset.done $0x0  }
0x4c: {  	s21 =	rddreg [dreg:$0x6];
	[sflag:s20] =	ssyncadd.s32 $0xFFFFD800  }
0x4d: {  	[spmem:s21] =	stream.linear.scatter [tilespmem:s23], [sflag:$0x2], $0x2800, $0x38;
	[tilespmem:$0x1E900] =	vst v63  }
0x4e: {  	_ =	swait.ge [sflag:s20], $0x2800  }
0x4f: {  	[sflag:s20] =	ssyncset.done $0x0  }
0x50: {  	[sflag:s20] =	ssyncadd.s32 $0xFFFFD800  }
0x51: {  	[spmem:s9] =	stream.linear.scatter [tilespmem:s23], [sflag:$0x2], $0x2800, $0x38;
	[tilespmem:$0x1E900] =	vst v63  }
0x52: {  	_ =	swait.ge [sflag:s20], $0x2800  }
0x53: {  	[sflag:s20] =	ssyncset.done $0x0  }
0x54: {  	[sflag:s20] =	ssyncadd.s32 $0xFFFFD800  }
0x55: {  	[spmem:s10] =	stream.linear.scatter [tilespmem:s23], [sflag:$0x2], $0x2800, $0x38;
	[tilespmem:$0x1E900] =	vst v63  }
0x56: {  	_ =	swait.ge [sflag:s20], $0x2800  }
0x57: {  	[sflag:s20] =	ssyncset.done $0x0  }
0x58: {  	[sflag:s20] =	ssyncadd.s32 $0xFFFFD800  }
0x59: {  	[spmem:s11] =	stream.linear.scatter [tilespmem:s23], [sflag:$0x2], $0x2800, $0x38;
	[tilespmem:$0x1E900] =	vst v63  }
0x5a: {  	_ =	swait.ge [sflag:s20], $0x2800  }
0x5b: {  	[sflag:s20] =	ssyncset.done $0x0  }
0x5c: {  	[sflag:s20] =	ssyncadd.s32 $0xFFFFD800  }
0x5d: {  	[spmem:s12] =	stream.linear.scatter [tilespmem:s23], [sflag:$0x2], $0x2800, $0x38;
	[tilespmem:$0x1E900] =	vst v63  }
0x5e: {  	_ =	swait.ge [sflag:s20], $0x2800  }
0x5f: {  	[sflag:s20] =	ssyncset.done $0x0  }
0x60: {  	[sflag:s20] =	ssyncadd.s32 $0xFFFFD800  }
0x61: {  	[spmem:s13] =	stream.linear.scatter [tilespmem:s23], [sflag:$0x2], $0x2800, $0x38;
	[tilespmem:$0x1E900] =	vst v63  }
0x62: {  	_ =	swait.ge [sflag:s20], $0x2800  }
0x63: {  	[sflag:s20] =	ssyncset.done $0x0  }
0x64: {  	[sflag:s20] =	ssyncadd.s32 $0xFFFFD800  }
0x65: {  	[spmem:s14] =	stream.linear.scatter [tilespmem:s23], [sflag:$0x2], $0x2800, $0x38;
	[tilespmem:$0x1E900] =	vst v63  }
0x66: {  	_ =	swait.ge [sflag:s20], $0x2800  }
0x67: {  	[sflag:s20] =	ssyncset.done $0x0  }
0x68: {  	[sflag:s20] =	ssyncadd.s32 $0xFFFFD800  }
0x69: {  	s22 =	simm.s32 $0x0;
	[bflag:$0x0] =	sbarrier.arrive $0xFFFF  }
0x6a: {  	v1 =	vld [tilespmem:s22+$0x0];
	_ =	sdelay $0x4  }
0x6b: {  	[tilespmem:$0x8000] =	vst v1  }
0x6c: {  	v1 =	vld [tilespmem:s22+$0x4000];
	_ =	sdelay $0x4  }
0x6d: {  	[tilespmem:$0x8080] =	vst v1  }
0x6e: {  	v1 =	vld [tilespmem:s22+$0x10];
	_ =	sdelay $0x4  }
0x6f: {  	[tilespmem:$0x8010] =	vst v1  }
0x70: {  	v1 =	vld [tilespmem:s22+$0x4010];
	_ =	sdelay $0x4  }
0x71: {  	[tilespmem:$0x8090] =	vst v1  }
0x72: {  	v1 =	vld [tilespmem:s22+$0x20];
	_ =	sdelay $0x4  }
0x73: {  	[tilespmem:$0x8020] =	vst v1  }
0x74: {  	v1 =	vld [tilespmem:s22+$0x4020];
	_ =	sdelay $0x4  }
0x75: {  	[tilespmem:$0x80A0] =	vst v1  }
0x76: {  	v1 =	vld [tilespmem:s22+$0x30];
	_ =	sdelay $0x4  }
0x77: {  	[tilespmem:$0x8030] =	vst v1  }
0x78: {  	v1 =	vld [tilespmem:s22+$0x4030];
	_ =	sdelay $0x4  }
0x79: {  	[tilespmem:$0x80B0] =	vst v1  }
0x7a: {  	v1 =	vld [tilespmem:s22+$0x40];
	_ =	sdelay $0x4  }
0x7b: {  	[tilespmem:$0x8040] =	vst v1  }
0x7c: {  	v1 =	vld [tilespmem:s22+$0x4040];
	_ =	sdelay $0x4  }
0x7d: {  	[tilespmem:$0x80C0] =	vst v1  }
0x7e: {  	[tilespmem:s23], [sflag:$0x1] =	stream.indirect.gather [hbm4b:s1+s26], $0x80, s28, s26, $0xb8;
	[tilespmem:$0x1E900] =	vst v63  }
0x7f: {  	_ =	swait.ge [sflag:s29], $0x2800  }
0x80: {  	[sflag:s29] =	ssyncset.done $0x0  }
0x81: {  	[sflag:s29] =	ssyncadd.s32 $0xFFFFD800  }
0x82: {  	[spmem:s2] =	stream.indirect.scatter.add.f32 [tilespmem:s23], [sflag:$0x2], $0x80, s30, s26, $0xb8;
	[tilespmem:$0x1E900] =	vst v63  }
0x83: {  	_ =	swait.ge [sflag:s20], $0x2800  }
0x84: {  	s0 =	simm.s32 $0x200;
	s4 =	simm.s32 $0x400;
	[sflag:s20] =	ssyncset.done $0x0  }
.LBB2_6:
0x85: {  	s22 =	sshra.s32 s0, $0x2  }
0x86: {  	[sflag:s20] =	ssyncadd.s32 $0xFFFFD800;
	s0 =	smov.u32 s4;
	s21 =	sadd.s32 $0x200, s4  }
0x87: {  	p1 =	sne.s32 s4, $0xF800;
	v1 =	vld [tilespmem:s22+$0x0];
	_ =	sdelay $0x4  }
0x88: {  	[tilespmem:$0x8000] =	vst v1  }
0x89: {  	v1 =	vld [tilespmem:s22+$0x4000];
	_ =	sdelay $0x4  }
0x8a: {  	[tilespmem:$0x8080] =	vst v1  }
0x8b: {  	v1 =	vld [tilespmem:s22+$0x10];
	_ =	sdelay $0x4  }
0x8c: {  	[tilespmem:$0x8010] =	vst v1  }
0x8d: {  	v1 =	vld [tilespmem:s22+$0x4010];
	_ =	sdelay $0x4  }
0x8e: {  	[tilespmem:$0x8090] =	vst v1  }
0x8f: {  	v1 =	vld [tilespmem:s22+$0x20];
	_ =	sdelay $0x4  }
0x90: {  	[tilespmem:$0x8020] =	vst v1  }
0x91: {  	v1 =	vld [tilespmem:s22+$0x4020];
	_ =	sdelay $0x4  }
0x92: {  	[tilespmem:$0x80A0] =	vst v1  }
0x93: {  	v1 =	vld [tilespmem:s22+$0x30];
	_ =	sdelay $0x4  }
0x94: {  	[tilespmem:$0x8030] =	vst v1  }
0x95: {  	v1 =	vld [tilespmem:s22+$0x4030];
	_ =	sdelay $0x4  }
0x96: {  	[tilespmem:$0x80B0] =	vst v1  }
0x97: {  	v1 =	vld [tilespmem:s22+$0x40];
	_ =	sdelay $0x4  }
0x98: {  	[tilespmem:$0x8040] =	vst v1  }
0x99: {  	v1 =	vld [tilespmem:s22+$0x4040];
	_ =	sdelay $0x4  }
0x9a: {  	[tilespmem:$0x80C0] =	vst v1  }
0x9b: {  	[tilespmem:s23], [sflag:$0x1] =	stream.indirect.gather [hbm4b:s1+s26], $0x80, s28, s26, $0xb8;
	[tilespmem:$0x1E900] =	vst v63  }
0x9c: {  	_ =	swait.ge [sflag:s29], $0x2800  }
.Ltmp2:
0x9d: {  	[sflag:s29] =	ssyncset.done $0x0;
	(pc) =	sbr.rel @p1 .LBB2_6-.Ltmp2, $4  }
0x9e: {  	[sflag:s29] =	ssyncadd.s32 $0xFFFFD800  }
0x9f: {  	[spmem:s2] =	stream.indirect.scatter.add.f32 [tilespmem:s23], [sflag:$0x2], $0x80, s30, s26, $0xb8;
	[tilespmem:$0x1E900] =	vst v63  }
0xa0: {  	_ =	swait.ge [sflag:s20], $0x2800  }
0xa1: {  	s4 =	smov.u32 s21;
	[sflag:s20] =	ssyncset.done $0x0  }
0xa2: {  	s0 =	sshra.s32 s0, $0x2;
	[sflag:s20] =	ssyncadd.s32 $0xFFFFD800  }
0xa3: {  	v1 =	vld [tilespmem:s0+$0x0];
	_ =	sdelay $0x4  }
0xa4: {  	[tilespmem:$0x8000] =	vst v1  }
0xa5: {  	v1 =	vld [tilespmem:s0+$0x4000];
	_ =	sdelay $0x4  }
0xa6: {  	[tilespmem:$0x8080] =	vst v1  }
0xa7: {  	v1 =	vld [tilespmem:s0+$0x10];
	_ =	sdelay $0x4  }
0xa8: {  	[tilespmem:$0x8010] =	vst v1  }
0xa9: {  	v1 =	vld [tilespmem:s0+$0x4010];
	_ =	sdelay $0x4  }
0xaa: {  	[tilespmem:$0x8090] =	vst v1  }
0xab: {  	v1 =	vld [tilespmem:s0+$0x20];
	_ =	sdelay $0x4  }
0xac: {  	[tilespmem:$0x8020] =	vst v1  }
0xad: {  	v1 =	vld [tilespmem:s0+$0x4020];
	_ =	sdelay $0x4  }
0xae: {  	[tilespmem:$0x80A0] =	vst v1  }
0xaf: {  	v1 =	vld [tilespmem:s0+$0x30];
	_ =	sdelay $0x4  }
0xb0: {  	[tilespmem:$0x8030] =	vst v1  }
0xb1: {  	v1 =	vld [tilespmem:s0+$0x4030];
	_ =	sdelay $0x4  }
0xb2: {  	[tilespmem:$0x80B0] =	vst v1  }
0xb3: {  	v1 =	vld [tilespmem:s0+$0x40];
	_ =	sdelay $0x4  }
0xb4: {  	[tilespmem:$0x8040] =	vst v1  }
0xb5: {  	v1 =	vld [tilespmem:s0+$0x4040];
	_ =	sdelay $0x4  }
0xb6: {  	[tilespmem:$0x80C0] =	vst v1  }
0xb7: {  	[tilespmem:s23], [sflag:$0x1] =	stream.indirect.gather [hbm4b:s1+s26], $0x80, s28, s26, $0xb8;
	[tilespmem:$0x1E900] =	vst v63  }
0xb8: {  	_ =	swait.ge [sflag:s29], $0x2800  }
0xb9: {  	[sflag:s29] =	ssyncset.done $0x0  }
0xba: {  	[sflag:s29] =	ssyncadd.s32 $0xFFFFD800  }
0xbb: {  	[spmem:s2] =	stream.indirect.scatter.add.f32 [tilespmem:s23], [sflag:$0x2], $0x80, s30, s26, $0xb8;
	[tilespmem:$0x1E900] =	vst v63  }
0xbc: {  	_ =	swait.ge [sflag:s20], $0x2800  }
0xbd: {  	s22 =	stileid.u32;
	[sflag:s20] =	ssyncset.done $0x0  }
0xbe: {  	s0 =	sshll.u32 s22, $0x6;
	[sflag:s20] =	ssyncadd.s32 $0xFFFFD800  }
0xbf: {  	s0 =	sor.u32 $0x1C02, s0;
	[bflag:$0x0] =	sbarrier.arrive $0xFFFF  }
0xc0: {  	[hbm:s15], [sflag:s0] =	dma.local [spmem:s24], $0x2700  }
0xc1: {  	_ =	swait.ge [sflag:s20], $0x2700  }
0xc2: {  	s31 =	sadd.s32 $0x1, s31;
	[sflag:s20] =	ssyncset.done $0x0  }
0xc3: {  	p1 =	sne.s32 s31, s17;
	[sflag:s20] =	ssyncadd.s32 $0xFFFFD900  }
0xc4: {  	[hbm:s16], [sflag:s0] =	dma.local @!p0 [spmem:s25], $0x100  }
.Ltmp3:
0xc5: {  	_ = 	snop;
	(pc) =	sbr.rel @p1 .LBB2_1-.Ltmp3, $4  }
0xc6: {  	s0 =	simm.s32 @!p0 $0x2  }
0xc7: {  	_ =	swait.ge @!p0 [sflag:s0], $0x100  }
0xc8: {  	[sflag:s0] =	ssyncset.done @!p0 $0x0  }
0xc9: {  	[sflag:s0] =	ssyncadd.s32 @!p0 $0xFFFFFF00  }
0xca: {  	_ =	sfence.sel $0x180000  }
0xcb: {  	[bflag:$0x0] =	sbarrier.arrive $0xFFFF  }
0xcc: {  	_ =	strace $0x9000004D  }
0xcd: {  	s0 =	stileid.u32;
	[bflag:$0x2] =	sbarrier.arrive $0xFFFF  }
0xce: {  	p0 =	sne.s32 s0, $0x0;
	s0 =	rddreg [dreg:$0x3]  }
0xcf: {  	s0 =	sadd.s32 @!p0 $0x100000, s0  }
0xd0: {  	[sflag:s0] =	ssyncadd.tile.s32 @!p0 $0x1;
	_ =	shalt  }
.Lfunc_end2:
_tile_overlayer_lowered:
.L_overlay_start_2:
0xd1: {  	(tag) =	ssettag $0x2  }
0xd2: {  	s0 =	rddreg [dreg:$0x0];
	s2 =	stileid.u32  }
0xd3: {  	s1 =	rddreg [dreg:$0x1];
	p0 =	sne.s32 s2, $0x0  }
0xd4: {  	s3 =	rddreg [dreg:$0x2];
	[bflag:$0x3] =	sbarrier.arrive $0xFFFF;
	s2 =	simm.s32 @!p0 $0x1C02  }
0xd5: {  	[timem:s3], [sflag:s2] =	dma.local @!p0 [hbm:s0], s1  }
0xd6: {  	s0 =	simm.s32 @!p0 $0x2  }
0xd7: {  	_ =	swait.ge @!p0 [sflag:s0], s1  }
0xd8: {  	s1 =	ssub.s32 @!p0 $0x0, s1;
	[sflag:s0] =	ssyncset.done @!p0 $0x0  }
0xd9: {  	[sflag:s0] =	ssyncadd.s32 @!p0 s1  }
0xda: {  	[bflag:$0x3] =	sbarrier.arrive $0xFFFF  }
0xdb: {  	_ =	shalt  }

// kernel: kernel.21.cloned.1.call-start
scs
__scs_entry_jumppad:
0x0: {  	(pc) =	sbr.rel $0x88, $3  }
0x1: {  	(tag) =	ssettag $0x0;
	lr =	simm.s32 $0x1  }
0x2: {  	[smem:$0x3F93] =	sst lr;
	_ =	strace $0xD0000000  }
0x3: {  	_ = 	snop  }
0x4: {  	_ = 	snop  }
0x5: {  	_ = 	snop  }
0x6: {  	_ = 	snop  }
0x7: {  	_ = 	snop  }
__scs_overlays_trampoline_lowered:
0x8: {  	[smem:$0x3FA2] =	sst s0  }
0x9: {  	[smem:$0x3FA3] =	sst s1  }
0xa: {  	[smem:$0x3FA4] =	sst s2  }
0xb: {  	[smem:$0x3FA5] =	sst s3  }
0xc: {  	[smem:$0x3FA6] =	sst s4  }
0xd: {  	[smem:$0x3FA7] =	sst s5  }
0xe: {  	[smem:$0x3FA8] =	sst s6  }
0xf: {  	[smem:$0x3FA9] =	sst s7  }
0x10: {  	[smem:$0x3FAA] =	sst s8  }
0x11: {  	[smem:$0x3FAB] =	sst s9;
	s0 =	simm.s32 @!p0 $0x0  }
0x12: {  	s1 =	sld [smem:$0x3F91];
	s0 =	simm.s32 @p0 $0x1  }
0x13: {  	[smem:$0x3FAC] =	sst s0;
	s0 =	simm.s32 @!p1 $0x0  }
0x14: {  	s2 =	sld [smem:$0x3F90];
	s0 =	simm.s32 @p1 $0x1  }
0x15: {  	[smem:$0x3FAD] =	sst s0;
	s0 =	simm.s32 @!p2 $0x0  }
0x16: {  	s3 =	sld [smem:$0x3FDB];
	s0 =	simm.s32 @p2 $0x1  }
0x17: {  	s4 =	simm.s32 $0x1BF5;
	[smem:$0x3FAF] =	sst s0  }
0x18: {  	s0 =	sld [smem:$0x3F92];
	_ =	swait.ge [sflag:s4], $0x0  }
0x19: {  	s7 =	sld [smem:$0x3F93]  }
0x1a: {  	s8 =	sadd.s32 $0xFFFFE003, lr  }
0x1b: {  	s9 =	sadd.s32 $0xFFFFFEF7, lr;
	s5 =	simm.s32 $0xFFFFFFFF;
	p2 =	slt.u32 s8, $0xFFFFF086  }
0x1c: {  	p1 =	slt.u32 s9, $0xF7A;
	s5 =	simm.s32 @!p2 $0x0  }
0x1d: {  	s5 =	simm.s32 @p1 $0x1;
	p0 =	seq.s32 s7, s2  }
0x1e: {  	s7 =	smul.u32 @!p0 $0xF7A, s2;
	p2 =	seq.s32 @!p0 s5, $0x0  }
0x1f: {  	s9 =	smul.u32 $0xF7A, s1;
	s8 =	simm.s32 @!p0 $0x1BF5;
	p2 =	por !p2, p0  }
0x20: {  	[sflag:s8] =	ssyncset.s32 @!p0 $0xFFFFF086;
	s6 =	sadd.s32 @!p0 s3, s7;
	s7 =	simm.s32 @!p0 $0x108  }
0x21: {  	s3 =	sadd.s32 s3, s9;
	s6 =	sadd.s32 @!p0 $0x88, s6;
	s7 =	simm.s32 @p2 $0x1082  }
0x22: {  	[simem:s7], [sflag:s8] =	dma.local @!p0 [hbm:s6], $0xF7A  }
0x23: {  	s9 =	sor.u32 $0xD0000000, s2;
	s6 =	simm.s32 $0x108;
	_ =	swait.ge @!p0 [sflag:s8], $0x0  }
0x24: {  	s3 =	sadd.s32 $0x88, s3;
	s6 =	simm.s32 @!p1 $0x1082;
	[sflag:s4] =	ssyncset.s32 $0xFFFFF086  }
0x25: {  	[simem:s6], [sflag:s4] =	dma.local [hbm:s3], $0xF7A  }
0x26: {  	[smem:$0x3F93] =	sst s1;
	(tag) =	ssettag s2;
	_ =	strace s9  }
0x27: {  	s1 =	sld [smem:$0x3FA3]  }
0x28: {  	s2 =	sld [smem:$0x3FA4]  }
0x29: {  	s4 =	sld [smem:$0x3FA6]  }
0x2a: {  	p0 =	seq.s32 s5, $0x0;
	s5 =	sld [smem:$0x3FA7]  }
0x2b: {  	s6 =	sld [smem:$0x3FA8]  }
0x2c: {  	s7 =	sld [smem:$0x3FA9]  }
0x2d: {  	s3 =	simm.s32 $0x108;
	s8 =	sld [smem:$0x3FAA]  }
0x2e: {  	s3 =	simm.s32 @!p0 $0x1082;
	s9 =	sld [smem:$0x3FAB]  }
0x2f: {  	lr =	sadd.s32 s0, s3;
	s0 =	sld [smem:$0x3FA2]  }
0x30: {  	s3 =	sld [smem:$0x3FA5]  }
0x31: {  	[smem:$0x3FAE] =	sst s10  }
0x32: {  	s10 =	sld [smem:$0x3FAC];
	_ =	sdelay $0x3  }
0x33: {  	p0 =	seq.s32 s10, $0x1;
	s10 =	sld [smem:$0x3FAE];
	_ =	sdelay $0x3  }
0x34: {  	[smem:$0x3FAE] =	sst s10  }
0x35: {  	s10 =	sld [smem:$0x3FAD];
	_ =	sdelay $0x3  }
0x36: {  	p1 =	seq.s32 s10, $0x1;
	s10 =	sld [smem:$0x3FAE];
	_ =	sdelay $0x3  }
0x37: {  	[smem:$0x3FAE] =	sst s10  }
0x38: {  	s10 =	sld [smem:$0x3FAF]  }
0x39: {  	_ = 	snop;
	(pc) =	sbr.ind lr, $3  }
0x3a: {  	_ = 	snop  }
0x3b: {  	_ = 	snop  }
0x3c: {  	p2 =	seq.s32 s10, $0x1;
	s10 =	sld [smem:$0x3FAE]  }
0x3d: {  	_ =	shalt  }
0x3e: {  	_ =	shalt  }
0x3f: {  	_ =	shalt  }
0x40: {  	_ =	shalt  }
0x41: {  	_ =	shalt  }
0x42: {  	_ =	shalt  }
0x43: {  	_ =	shalt  }
0x44: {  	_ =	shalt  }
0x45: {  	_ =	shalt  }
0x46: {  	_ =	shalt  }
0x47: {  	_ =	shalt  }
0x48: {  	_ =	shalt  }
0x49: {  	_ =	shalt  }
0x4a: {  	_ =	shalt  }
0x4b: {  	_ =	shalt  }
0x4c: {  	_ =	shalt  }
0x4d: {  	_ =	shalt  }
0x4e: {  	_ =	shalt  }
0x4f: {  	_ =	shalt  }
0x50: {  	_ =	shalt  }
0x51: {  	_ =	shalt  }
0x52: {  	_ =	shalt  }
0x53: {  	_ =	shalt  }
0x54: {  	_ =	shalt  }
0x55: {  	_ =	shalt  }
0x56: {  	_ =	shalt  }
0x57: {  	_ =	shalt  }
0x58: {  	_ =	shalt  }
0x59: {  	_ =	shalt  }
0x5a: {  	_ =	shalt  }
0x5b: {  	_ =	shalt  }
0x5c: {  	_ =	shalt  }
0x5d: {  	_ =	shalt  }
0x5e: {  	_ =	shalt  }
0x5f: {  	_ =	shalt  }
0x60: {  	_ =	shalt  }
0x61: {  	_ =	shalt  }
0x62: {  	_ =	shalt  }
0x63: {  	_ =	shalt  }
0x64: {  	_ =	shalt  }
0x65: {  	_ =	shalt  }
0x66: {  	_ =	shalt  }
0x67: {  	_ =	shalt  }
0x68: {  	_ =	shalt  }
0x69: {  	_ =	shalt  }
0x6a: {  	_ =	shalt  }
0x6b: {  	_ =	shalt  }
0x6c: {  	_ =	shalt  }
0x6d: {  	_ =	shalt  }
0x6e: {  	_ =	shalt  }
0x6f: {  	_ =	shalt  }
0x70: {  	_ =	shalt  }
0x71: {  	_ =	shalt  }
0x72: {  	_ =	shalt  }
0x73: {  	_ =	shalt  }
0x74: {  	_ =	shalt  }
0x75: {  	_ =	shalt  }
0x76: {  	_ =	shalt  }
0x77: {  	_ =	shalt  }
0x78: {  	_ =	shalt  }
0x79: {  	_ =	shalt  }
0x7a: {  	_ =	shalt  }
0x7b: {  	_ =	shalt  }
0x7c: {  	_ =	shalt  }
0x7d: {  	_ =	shalt  }
0x7e: {  	_ =	shalt  }
0x7f: {  	_ =	shalt  }
0x80: {  	_ =	shalt  }
0x81: {  	_ =	shalt  }
0x82: {  	_ =	shalt  }
0x83: {  	_ =	shalt  }
0x84: {  	_ =	shalt  }
0x85: {  	_ =	shalt  }
0x86: {  	_ =	shalt  }
0x87: {  	_ =	shalt  }
.Lfunc_end0:
.L_simem_size_0:
called_computation.3_lowered:
.L_overlay_start_0:
0x88: {  	s2 =	sld [smem:$0x3FD9]  }
0x89: {  	s3 =	sld [smem:$0x3FFE];
	_ =	sdelay $0x1  }
0x8a: {  	s1 =	srdreg.scid  }
0x8b: {  	s0 =	sand.u32 $0x1, s1  }
0x8c: {  	s17 =	sshll.u32 s0, $0xA;
	s2 =	sadd.s32 s3, s2  }
0x8d: {  	s2 =	sadd.s32 s2, s17  }
0x8e: {  	[smem:$0x3FBA] =	sst s2  }
0x8f: {  	_ = 	snop  }
0x90: {  	s2 =	sld [smem:$0x3FD0];
	(tm) =	ssettm $0x1  }
0x91: {  	s18 =	sld [smem:$0x3FFB];
	_ =	sdelay $0x3  }
0x92: {  	_ =	strace s18  }
0x93: {  	s3 =	sld [smem:$0x3FFC];
	_ =	sdelay $0x3  }
0x94: {  	_ =	strace s3  }
0x95: {  	s3 =	sld [smem:$0x3FFD];
	_ =	sdelay $0x3  }
0x96: {  	_ =	strace s3  }
0x97: {  	_ =	strace $0x8FFFFFFF  }
0x98: {  	s19 =	sld [smem:$0x3FDB];
	_ =	sdelay $0x1  }
0x99: {  	s4 =	simm.s32 $_scs_section_size  }
0x9a: {  	s5 =	simm.s32 $_size__tile_overlayer_lowered;
	s6 =	simm.s32 $_tile_overlayer_lowered  }
0x9b: {  	s22 =	simm.s32 $0x1BFF;
	s21 =	sshll.u32 s6, $0x1;
	s3 =	sadd.s32 s4, s19  }
0x9c: {  	s7 =	simm.s32 $0x0;
	s20 =	sshll.u32 s5, $0x1;
	s5 =	sadd.s32 s21, s3  }
0x9d: {  	[timem:s7], [sflag:s22] =	dma.local [hbm:s5], s20  }
0x9e: {  	_ =	swait.ge [sflag:s22], s20  }
0x9f: {  	s4 =	ssub.s32 $0x0, s20;
	[sflag:s22] =	ssyncset.done $0x0  }
0xa0: {  	[sflag:s22] =	ssyncadd.s32 s4;
	_ =	sdelay $0x1  }
0xa1: {  	s23 =	simm.s32 $0x1B8B  }
0xa2: {  	_ =	swait.ge [sflag:s23], $0x1  }
0xa3: {  	[sflag:s23] =	ssyncset.done $0x0  }
0xa4: {  	s25 =	simm.s32 $0x1B8E;
	s24 =	sld [smem:$0x3FFE];
	[sflag:s23] =	ssyncadd.s32 $0xFFFFFFFF  }
0xa5: {  	s26 =	simm.s32 $execute0_lowered;
	[smem:$0x3FD2] =	sst s25  }
0xa6: {  	s5 =	sshll.u32 s26, $0x1;
	_ =	strace $0x8000004F;
	[dreg:$0x1] =	wrdreg $0xFFFFFFFF  }
0xa7: {  	s28 =	simm.s32 $_size_execute0_lowered;
	s3 =	sadd.s32 s3, s5;
	[dreg:$0x0] =	wrdreg $0x0  }
0xa8: {  	s5 =	sshll.u32 s28, $0x1;
	[dreg:$0x2] =	wrdreg s3  }
0xa9: {  	[dreg:$0x3] =	wrdreg s5  }
0xaa: {  	[dreg:$0x4] =	wrdreg $0xC0  }
0xab: {  	_ =	task [dreg:s7], $0x5FFFF  }
0xac: {  	[dreg:$0x1] =	wrdreg $0xFFFFFFFF  }
0xad: {  	[dreg:$0x0] =	wrdreg $0x60  }
0xae: {  	[dreg:$0x2] =	wrdreg s2  }
0xaf: {  	[dreg:$0x3] =	wrdreg s24  }
0xb0: {  	[dreg:$0x4] =	wrdreg $0xA9000  }
0xb1: {  	[dreg:$0x5] =	wrdreg $0x9  }
0xb2: {  	_ =	task.clear_ibuf [dreg:s7], $0x6FFFF;
	_ =	strace $0x9000004F  }
0xb3: {  	s29 =	simm.s32 $0x9;
	_ =	strace $0x80000051  }
0xb4: {  	_ =	swait.ge [sflag:s29], $0x1  }
0xb5: {  	[sflag:s29] =	ssyncadd.s32 $0xFFFFFFFF  }
0xb6: {  	_ =	strace $0x90000051  }
0xb7: {  	_ =	sfence  }
0xb8: {  	s30 =	sld [smem:$0x0];
	_ =	sdelay $0x2  }
0xb9: {  	s31 =	sshll.u32 s1, $0xD;
	s1 =	sshrl.u32 s1, $0x2  }
0xba: {  	s3 =	sand.u32 $0x4000, s31;
	s1 =	sadd.s32 s1, s30  }
0xbb: {  	s0 =	sor.u32 s3, s0;
	s1 =	sshll.u32 s1, $0x11  }
0xbc: {  	s0 =	sor.u32 s1, s0  }
0xbd: {  	s0 =	sadd.s32 $0x8F2B, s0  }
0xbe: {  	[sflag:s0] =	ssyncadd.remote.s32 $0x1  }
0xbf: {  	_ =	sfence.sel $0xFFFF  }
0xc0: {  	[dreg:$0x0] =	wrdreg $0xFFFFFFFF;
	(pc) =	sbr.abs _section_cstart, $3  }
0xc1: {  	[dreg:$0x1] =	wrdreg $0xFFFFFFFF  }
0xc2: {  	_ =	task.clear_ibuf [dreg:s7], $0x2FFFF;
	_ =	strace $0x9FFFFFFF  }
0xc3: {  	(tm) =	ssettm $0x7FFFFFFF  }
tec
execute0_lowered:
.L_overlay_start_1:
0x0: {  	(tag) =	ssettag $0x1  }
0x1: {  	s1 =	rddreg [dreg:$0x0]  }
0x2: {  	s0 =	rddreg [dreg:$0x1]  }
0x3: {  	s2 =	rddreg [dreg:$0x2];
	s3 =	simm.s32 $0x0  }
0x4: {  	s4 =	srdreg.scid;
	s22 =	stileid.u32;
	s28 =	simm.s32 $0x8000  }
0x5: {  	s29 =	simm.s32 $0x1;
	s30 =	simm.s32 $0x8080;
	s31 =	simm.s32 $0x0  }
0x6: {  	[smem:$0x7FF] =	sst s3;
	s17 =	sadd.s32 $0x26C00, s0;
	s4 =	sand.u32 $0x1, s4  }
0x7: {  	s18 =	sadd.s32 $0x16C00, s0;
	s20 =	sshll.u32 s22, $0xB;
	s6 =	smul.u32 $0x50000, s22  }
0x8: {  	s0 =	sadd.s32 $0x36C00, s0;
	p0 =	sne.s32 s22, $0xF;
	_ =	strace $0x80000050  }
0x9: {  	s5 =	ssub.s32 $0x2, s4;
	s19 =	sshll.u32 s4, $0xF;
	s4 =	smul.u32 $0x138800, s4  }
0xa: {  	s7 =	sshrl.u32 s5, $0x1;
	s8 =	sor.u32 s20, s19;
	s16 =	sshrl.u32 s6, $0x2  }
0xb: {  	s21 =	ssub.s32 s5, s7;
	s15 =	sor.u32 $0x780, s8;
	s7 =	sadd.s32 s16, s2  }
0xc: {  	s16 =	smul.u32 $0x4E000, s22;
	s23 =	sadd.s32 s17, s15;
	s24 =	sadd.s32 s18, s15  }
0xd: {  	s25 =	sadd.s32 $0x2800, s7;
	s9 =	sadd.s32 $0x5000, s7;
	s10 =	sadd.s32 $0x7800, s7  }
0xe: {  	s11 =	sadd.s32 $0xA000, s7;
	s15 =	smul.u32 $0x13800, s22;
	s12 =	sadd.s32 $0xC800, s7  }
0xf: {  	s13 =	sadd.s32 $0xF000, s7;
	s14 =	sadd.s32 $0x11800, s7;
	[dreg:$0x4] =	wrdreg s23  }
0x10: {  	s18 =	sadd.s32 s19, s18;
	s19 =	sadd.s32 s19, s17;
	[dreg:$0x5] =	wrdreg s24  }
0x11: {  	s17 =	smax.u32 s21, $0x1;
	[dreg:$0x6] =	wrdreg s25;
	s16 =	sshrl.u32 s16, $0x2  }
0x12: {  	s18 =	sadd.s32 s20, s18;
	s19 =	sadd.s32 s20, s19;
	s20 =	simm.s32 $0x2  }
0x13: {  	s23 =	simm.s32 $0x8100;
	s15 =	sadd.s32 s15, s4;
	s4 =	sshrl.u32 s4, $0x3  }
0x14: {  	s26 =	sadd.s32 s16, s2;
	s15 =	sshrl.u32 s15, $0x3;
	s4 =	sadd.s32 s0, s4  }
0x15: {  	s24 =	sshrl.u32 s26, $0x3;
	s16 =	sadd.s32 $0x27000, s4;
	s4 =	sadd.s32 $0x138000, s2  }
0x16: {  	v0 =	vimm.f32 $0.0e+00;
	s26 =	simm.s32 $0x50;
	s15 =	sadd.s32 s0, s15;
	s25 =	sshrl.u32 @!p0 s4, $0x3  }
.LBB2_1:
0x17: {  	s0 =	sadd.s32 $0x0, s19  }
0x18: {  	[tilespmem:s3], [sflag:$0x2] =	stream.linear.gather [hbm4b:s0+s3], $0x400, $0x38;
	[tilespmem:$0x1E900] =	vst v63  }
0x19: {  	_ =	swait.ge [sflag:s20], $0x400  }
0x1a: {  	[sflag:s20] =	ssyncset.done $0x0  }
0x1b: {  	s22 =	simm.s32 $0x4000;
	s4 =	sadd.s32 $0x0, s18;
	[sflag:s20] =	ssyncadd.s32 $0xFFFFFC00  }
0x1c: {  	[tilespmem:s22], [sflag:$0x2] =	stream.linear.gather [hbm4b:s4+s3], $0x400, $0x38;
	[tilespmem:$0x1E900] =	vst v63  }
0x1d: {  	s21 =	simm.s32 $0x4400;
	s0 =	simm.s32 $0x80;
	_ =	swait.ge [sflag:s20], $0x400  }
0x1e: {  	s4 =	simm.s32 $0x100;
	s22 =	simm.s32 $0x400;
	[sflag:s20] =	ssyncset.done $0x0  }
.LBB2_2:
0x1f: {  	s5 =	sadd.s32 s0, s19  }
0x20: {  	[sflag:s20] =	ssyncadd.s32 $0xFFFFFC00;
	s6 =	smov.u32 s4;
	s8 =	sadd.s32 $0x80, s4  }
0x21: {  	[tilespmem:s22], [sflag:$0x2] =	stream.linear.gather [hbm4b:s5+s3], $0x400, $0x38;
	[tilespmem:$0x1E900] =	vst v63  }
0x22: {  	p1 =	sne.s32 s4, $0x700;
	_ =	swait.ge [sflag:s20], $0x400  }
.Ltmp0:
0x23: {  	[sflag:s20] =	ssyncset.done $0x0;
	(pc) =	sbr.rel @p1 .LBB2_2-.Ltmp0, $4  }
0x24: {  	s4 =	sadd.s32 s0, s18;
	s0 =	smov.u32 s6;
	[sflag:s20] =	ssyncadd.s32 $0xFFFFFC00  }
0x25: {  	[tilespmem:s21], [sflag:$0x2] =	stream.linear.gather [hbm4b:s4+s3], $0x400, $0x38;
	[tilespmem:$0x1E900] =	vst v63  }
0x26: {  	s22 =	sadd.s32 $0x400, s22;
	_ =	swait.ge [sflag:s20], $0x400  }
0x27: {  	s21 =	sadd.s32 $0x400, s21;
	s4 =	smov.u32 s8;
	[sflag:s20] =	ssyncset.done $0x0  }
0x28: {  	s4 =	sadd.s32 s0, s19;
	[sflag:s20] =	ssyncadd.s32 $0xFFFFFC00  }
0x29: {  	[tilespmem:s22], [sflag:$0x2] =	stream.linear.gather [hbm4b:s4+s3], $0x400, $0x38;
	[tilespmem:$0x1E900] =	vst v63  }
0x2a: {  	_ =	swait.ge [sflag:s20], $0x400  }
0x2b: {  	[sflag:s20] =	ssyncset.done $0x0  }
0x2c: {  	s5 =	sadd.s32 s0, s18;
	[sflag:s20] =	ssyncadd.s32 $0xFFFFFC00  }
0x2d: {  	[tilespmem:s21], [sflag:$0x2] =	stream.linear.gather [hbm4b:s5+s3], $0x400, $0x38;
	[tilespmem:$0x1E900] =	vst v63  }
0x2e: {  	_ =	swait.ge [sflag:s20], $0x400  }
0x2f: {  	s6 =	simm.s32 $0x0;
	[sflag:s20] =	ssyncset.done $0x0  }
0x30: {  	s5 =	simm.s32 $0x3C00;
	s8 =	rddreg [dreg:$0x4];
	[sflag:s20] =	ssyncadd.s32 $0xFFFFFC00  }
0x31: {  	[tilespmem:s5], [sflag:$0x2] =	stream.linear.gather [hbm4b:s8+s6], $0x280, $0x38;
	[tilespmem:$0x1E900] =	vst v63  }
0x32: {  	_ =	swait.ge [sflag:s20], $0x280  }
0x33: {  	[sflag:s20] =	ssyncset.done $0x0  }
0x34: {  	s22 =	simm.s32 $0x7C00;
	s21 =	rddreg [dreg:$0x5];
	[sflag:s20] =	ssyncadd.s32 $0xFFFFFD80  }
0x35: {  	[tilespmem:s22], [sflag:$0x2] =	stream.linear.gather [hbm4b:s21+s6], $0x280, $0x38;
	[tilespmem:$0x1E900] =	vst v63  }
0x36: {  	_ =	swait.ge [sflag:s20], $0x280  }
0x37: {  	[sflag:s20] =	ssyncset.done $0x0  }
0x38: {  	s0 =	simm.s32 $0x0;
	s21 =	simm.s32 $0x200;
	[sflag:s20] =	ssyncadd.s32 $0xFFFFFD80  }
.LBB2_4:
0x39: {  	p1 =	sne.s32 s21, $0x9E00;
	[tilespmem:s0+$0x8170] =	vst v0  }
0x3a: {  	[tilespmem:s0+$0x8100] =	vst v0  }
0x3b: {  	[tilespmem:s0+$0x8110] =	vst v0  }
.Ltmp1:
0x3c: {  	[tilespmem:s0+$0x8120] =	vst v0;
	(pc) =	sbr.rel @p1 .LBB2_4-.Ltmp1, $4  }
0x3d: {  	[tilespmem:s0+$0x8130] =	vst v0  }
0x3e: {  	[tilespmem:s0+$0x8140] =	vst v0  }
0x3f: {  	[tilespmem:s0+$0x8150] =	vst v0  }
0x40: {  	[tilespmem:s0+$0x8160] =	vst v0;
	s0 =	sshra.s32 s21, $0x2;
	s21 =	sadd.s32 $0x200, s21  }
0x41: {  	[tilespmem:s0+$0x8170] =	vst v0  }
0x42: {  	[tilespmem:s0+$0x8100] =	vst v0  }
0x43: {  	[tilespmem:s0+$0x8110] =	vst v0  }
0x44: {  	[tilespmem:s0+$0x8120] =	vst v0  }
0x45: {  	[tilespmem:s0+$0x8130] =	vst v0  }
0x46: {  	[tilespmem:s0+$0x8140] =	vst v0  }
0x47: {  	[tilespmem:s0+$0x8150] =	vst v0  }
0x48: {  	[tilespmem:s0+$0x8160] =	vst v0  }
0x49: {  	[spmem:s7] =	stream.linear.scatter [tilespmem:s23], [sflag:$0x2], $0x2800, $0x38;
	[tilespmem:$0x1E900] =	vst v63  }
0x4a: {  	_ =	swait.ge [sflag:s20], $0x2800  }
0x4b: {  	[sflag:s20] =	ssyncset.done $0x0  }
0x4c: {  	s21 =	rddreg [dreg:$0x6];
	[sflag:s20] =	ssyncadd.s32 $0xFFFFD800  }
0x4d: {  	[spmem:s21] =	stream.linear.scatter [tilespmem:s23], [sflag:$0x2], $0x2800, $0x38;
	[tilespmem:$0x1E900] =	vst v63  }
0x4e: {  	_ =	swait.ge [sflag:s20], $0x2800  }
0x4f: {  	[sflag:s20] =	ssyncset.done $0x0  }
0x50: {  	[sflag:s20] =	ssyncadd.s32 $0xFFFFD800  }
0x51: {  	[spmem:s9] =	stream.linear.scatter [tilespmem:s23], [sflag:$0x2], $0x2800, $0x38;
	[tilespmem:$0x1E900] =	vst v63  }
0x52: {  	_ =	swait.ge [sflag:s20], $0x2800  }
0x53: {  	[sflag:s20] =	ssyncset.done $0x0  }
0x54: {  	[sflag:s20] =	ssyncadd.s32 $0xFFFFD800  }
0x55: {  	[spmem:s10] =	stream.linear.scatter [tilespmem:s23], [sflag:$0x2], $0x2800, $0x38;
	[tilespmem:$0x1E900] =	vst v63  }
0x56: {  	_ =	swait.ge [sflag:s20], $0x2800  }
0x57: {  	[sflag:s20] =	ssyncset.done $0x0  }
0x58: {  	[sflag:s20] =	ssyncadd.s32 $0xFFFFD800  }
0x59: {  	[spmem:s11] =	stream.linear.scatter [tilespmem:s23], [sflag:$0x2], $0x2800, $0x38;
	[tilespmem:$0x1E900] =	vst v63  }
0x5a: {  	_ =	swait.ge [sflag:s20], $0x2800  }
0x5b: {  	[sflag:s20] =	ssyncset.done $0x0  }
0x5c: {  	[sflag:s20] =	ssyncadd.s32 $0xFFFFD800  }
0x5d: {  	[spmem:s12] =	stream.linear.scatter [tilespmem:s23], [sflag:$0x2], $0x2800, $0x38;
	[tilespmem:$0x1E900] =	vst v63  }
0x5e: {  	_ =	swait.ge [sflag:s20], $0x2800  }
0x5f: {  	[sflag:s20] =	ssyncset.done $0x0  }
0x60: {  	[sflag:s20] =	ssyncadd.s32 $0xFFFFD800  }
0x61: {  	[spmem:s13] =	stream.linear.scatter [tilespmem:s23], [sflag:$0x2], $0x2800, $0x38;
	[tilespmem:$0x1E900] =	vst v63  }
0x62: {  	_ =	swait.ge [sflag:s20], $0x2800  }
0x63: {  	[sflag:s20] =	ssyncset.done $0x0  }
0x64: {  	[sflag:s20] =	ssyncadd.s32 $0xFFFFD800  }
0x65: {  	[spmem:s14] =	stream.linear.scatter [tilespmem:s23], [sflag:$0x2], $0x2800, $0x38;
	[tilespmem:$0x1E900] =	vst v63  }
0x66: {  	_ =	swait.ge [sflag:s20], $0x2800  }
0x67: {  	[sflag:s20] =	ssyncset.done $0x0  }
0x68: {  	[sflag:s20] =	ssyncadd.s32 $0xFFFFD800  }
0x69: {  	s22 =	simm.s32 $0x0;
	[bflag:$0x0] =	sbarrier.arrive $0xFFFF  }
0x6a: {  	v1 =	vld [tilespmem:s22+$0x0];
	_ =	sdelay $0x4  }
0x6b: {  	[tilespmem:$0x8000] =	vst v1  }
0x6c: {  	v1 =	vld [tilespmem:s22+$0x4000];
	_ =	sdelay $0x4  }
0x6d: {  	[tilespmem:$0x8080] =	vst v1  }
0x6e: {  	v1 =	vld [tilespmem:s22+$0x10];
	_ =	sdelay $0x4  }
0x6f: {  	[tilespmem:$0x8010] =	vst v1  }
0x70: {  	v1 =	vld [tilespmem:s22+$0x4010];
	_ =	sdelay $0x4  }
0x71: {  	[tilespmem:$0x8090] =	vst v1  }
0x72: {  	v1 =	vld [tilespmem:s22+$0x20];
	_ =	sdelay $0x4  }
0x73: {  	[tilespmem:$0x8020] =	vst v1  }
0x74: {  	v1 =	vld [tilespmem:s22+$0x4020];
	_ =	sdelay $0x4  }
0x75: {  	[tilespmem:$0x80A0] =	vst v1  }
0x76: {  	v1 =	vld [tilespmem:s22+$0x30];
	_ =	sdelay $0x4  }
0x77: {  	[tilespmem:$0x8030] =	vst v1  }
0x78: {  	v1 =	vld [tilespmem:s22+$0x4030];
	_ =	sdelay $0x4  }
0x79: {  	[tilespmem:$0x80B0] =	vst v1  }
0x7a: {  	v1 =	vld [tilespmem:s22+$0x40];
	_ =	sdelay $0x4  }
0x7b: {  	[tilespmem:$0x8040] =	vst v1  }
0x7c: {  	v1 =	vld [tilespmem:s22+$0x4040];
	_ =	sdelay $0x4  }
0x7d: {  	[tilespmem:$0x80C0] =	vst v1  }
0x7e: {  	[tilespmem:s23], [sflag:$0x1] =	stream.indirect.gather [hbm4b:s1+s26], $0x80, s28, s26, $0xb8;
	[tilespmem:$0x1E900] =	vst v63  }
0x7f: {  	_ =	swait.ge [sflag:s29], $0x2800  }
0x80: {  	[sflag:s29] =	ssyncset.done $0x0  }
0x81: {  	[sflag:s29] =	ssyncadd.s32 $0xFFFFD800  }
0x82: {  	[spmem:s2] =	stream.indirect.scatter.add.f32 [tilespmem:s23], [sflag:$0x2], $0x80, s30, s26, $0xb8;
	[tilespmem:$0x1E900] =	vst v63  }
0x83: {  	_ =	swait.ge [sflag:s20], $0x2800  }
0x84: {  	s0 =	simm.s32 $0x200;
	s4 =	simm.s32 $0x400;
	[sflag:s20] =	ssyncset.done $0x0  }
.LBB2_6:
0x85: {  	s22 =	sshra.s32 s0, $0x2  }
0x86: {  	[sflag:s20] =	ssyncadd.s32 $0xFFFFD800;
	s0 =	smov.u32 s4;
	s21 =	sadd.s32 $0x200, s4  }
0x87: {  	p1 =	sne.s32 s4, $0xF800;
	v1 =	vld [tilespmem:s22+$0x0];
	_ =	sdelay $0x4  }
0x88: {  	[tilespmem:$0x8000] =	vst v1  }
0x89: {  	v1 =	vld [tilespmem:s22+$0x4000];
	_ =	sdelay $0x4  }
0x8a: {  	[tilespmem:$0x8080] =	vst v1  }
0x8b: {  	v1 =	vld [tilespmem:s22+$0x10];
	_ =	sdelay $0x4  }
0x8c: {  	[tilespmem:$0x8010] =	vst v1  }
0x8d: {  	v1 =	vld [tilespmem:s22+$0x4010];
	_ =	sdelay $0x4  }
0x8e: {  	[tilespmem:$0x8090] =	vst v1  }
0x8f: {  	v1 =	vld [tilespmem:s22+$0x20];
	_ =	sdelay $0x4  }
0x90: {  	[tilespmem:$0x8020] =	vst v1  }
0x91: {  	v1 =	vld [tilespmem:s22+$0x4020];
	_ =	sdelay $0x4  }
0x92: {  	[tilespmem:$0x80A0] =	vst v1  }
0x93: {  	v1 =	vld [tilespmem:s22+$0x30];
	_ =	sdelay $0x4  }
0x94: {  	[tilespmem:$0x8030] =	vst v1  }
0x95: {  	v1 =	vld [tilespmem:s22+$0x4030];
	_ =	sdelay $0x4  }
0x96: {  	[tilespmem:$0x80B0] =	vst v1  }
0x97: {  	v1 =	vld [tilespmem:s22+$0x40];
	_ =	sdelay $0x4  }
0x98: {  	[tilespmem:$0x8040] =	vst v1  }
0x99: {  	v1 =	vld [tilespmem:s22+$0x4040];
	_ =	sdelay $0x4  }
0x9a: {  	[tilespmem:$0x80C0] =	vst v1  }
0x9b: {  	[tilespmem:s23], [sflag:$0x1] =	stream.indirect.gather [hbm4b:s1+s26], $0x80, s28, s26, $0xb8;
	[tilespmem:$0x1E900] =	vst v63  }
0x9c: {  	_ =	swait.ge [sflag:s29], $0x2800  }
.Ltmp2:
0x9d: {  	[sflag:s29] =	ssyncset.done $0x0;
	(pc) =	sbr.rel @p1 .LBB2_6-.Ltmp2, $4  }
0x9e: {  	[sflag:s29] =	ssyncadd.s32 $0xFFFFD800  }
0x9f: {  	[spmem:s2] =	stream.indirect.scatter.add.f32 [tilespmem:s23], [sflag:$0x2], $0x80, s30, s26, $0xb8;
	[tilespmem:$0x1E900] =	vst v63  }
0xa0: {  	_ =	swait.ge [sflag:s20], $0x2800  }
0xa1: {  	s4 =	smov.u32 s21;
	[sflag:s20] =	ssyncset.done $0x0  }
0xa2: {  	s0 =	sshra.s32 s0, $0x2;
	[sflag:s20] =	ssyncadd.s32 $0xFFFFD800  }
0xa3: {  	v1 =	vld [tilespmem:s0+$0x0];
	_ =	sdelay $0x4  }
0xa4: {  	[tilespmem:$0x8000] =	vst v1  }
0xa5: {  	v1 =	vld [tilespmem:s0+$0x4000];
	_ =	sdelay $0x4  }
0xa6: {  	[tilespmem:$0x8080] =	vst v1  }
0xa7: {  	v1 =	vld [tilespmem:s0+$0x10];
	_ =	sdelay $0x4  }
0xa8: {  	[tilespmem:$0x8010] =	vst v1  }
0xa9: {  	v1 =	vld [tilespmem:s0+$0x4010];
	_ =	sdelay $0x4  }
0xaa: {  	[tilespmem:$0x8090] =	vst v1  }
0xab: {  	v1 =	vld [tilespmem:s0+$0x20];
	_ =	sdelay $0x4  }
0xac: {  	[tilespmem:$0x8020] =	vst v1  }
0xad: {  	v1 =	vld [tilespmem:s0+$0x4020];
	_ =	sdelay $0x4  }
0xae: {  	[tilespmem:$0x80A0] =	vst v1  }
0xaf: {  	v1 =	vld [tilespmem:s0+$0x30];
	_ =	sdelay $0x4  }
0xb0: {  	[tilespmem:$0x8030] =	vst v1  }
0xb1: {  	v1 =	vld [tilespmem:s0+$0x4030];
	_ =	sdelay $0x4  }
0xb2: {  	[tilespmem:$0x80B0] =	vst v1  }
0xb3: {  	v1 =	vld [tilespmem:s0+$0x40];
	_ =	sdelay $0x4  }
0xb4: {  	[tilespmem:$0x8040] =	vst v1  }
0xb5: {  	v1 =	vld [tilespmem:s0+$0x4040];
	_ =	sdelay $0x4  }
0xb6: {  	[tilespmem:$0x80C0] =	vst v1  }
0xb7: {  	[tilespmem:s23], [sflag:$0x1] =	stream.indirect.gather [hbm4b:s1+s26], $0x80, s28, s26, $0xb8;
	[tilespmem:$0x1E900] =	vst v63  }
0xb8: {  	_ =	swait.ge [sflag:s29], $0x2800  }
0xb9: {  	[sflag:s29] =	ssyncset.done $0x0  }
0xba: {  	[sflag:s29] =	ssyncadd.s32 $0xFFFFD800  }
0xbb: {  	[spmem:s2] =	stream.indirect.scatter.add.f32 [tilespmem:s23], [sflag:$0x2], $0x80, s30, s26, $0xb8;
	[tilespmem:$0x1E900] =	vst v63  }
0xbc: {  	_ =	swait.ge [sflag:s20], $0x2800  }
0xbd: {  	s22 =	stileid.u32;
	[sflag:s20] =	ssyncset.done $0x0  }
0xbe: {  	s0 =	sshll.u32 s22, $0x6;
	[sflag:s20] =	ssyncadd.s32 $0xFFFFD800  }
0xbf: {  	s0 =	sor.u32 $0x1C02, s0;
	[bflag:$0x0] =	sbarrier.arrive $0xFFFF  }
0xc0: {  	[hbm:s15], [sflag:s0] =	dma.local [spmem:s24], $0x2700  }
0xc1: {  	_ =	swait.ge [sflag:s20], $0x2700  }
0xc2: {  	s31 =	sadd.s32 $0x1, s31;
	[sflag:s20] =	ssyncset.done $0x0  }
0xc3: {  	p1 =	sne.s32 s31, s17;
	[sflag:s20] =	ssyncadd.s32 $0xFFFFD900  }
0xc4: {  	[hbm:s16], [sflag:s0] =	dma.local @!p0 [spmem:s25], $0x100  }
.Ltmp3:
0xc5: {  	_ = 	snop;
	(pc) =	sbr.rel @p1 .LBB2_1-.Ltmp3, $4  }
0xc6: {  	s0 =	simm.s32 @!p0 $0x2  }
0xc7: {  	_ =	swait.ge @!p0 [sflag:s0], $0x100  }
0xc8: {  	[sflag:s0] =	ssyncset.done @!p0 $0x0  }
0xc9: {  	[sflag:s0] =	ssyncadd.s32 @!p0 $0xFFFFFF00  }
0xca: {  	_ =	sfence.sel $0x180000  }
0xcb: {  	[bflag:$0x0] =	sbarrier.arrive $0xFFFF  }
0xcc: {  	_ =	strace $0x90000050  }
0xcd: {  	s0 =	stileid.u32;
	[bflag:$0x2] =	sbarrier.arrive $0xFFFF  }
0xce: {  	p0 =	sne.s32 s0, $0x0;
	s0 =	rddreg [dreg:$0x3]  }
0xcf: {  	s0 =	sadd.s32 @!p0 $0x100000, s0  }
0xd0: {  	[sflag:s0] =	ssyncadd.tile.s32 @!p0 $0x1;
	_ =	shalt  }
.Lfunc_end2:
_tile_overlayer_lowered:
.L_overlay_start_2:
0xd1: {  	(tag) =	ssettag $0x2  }
0xd2: {  	s0 =	rddreg [dreg:$0x0];
	s2 =	stileid.u32  }
0xd3: {  	s1 =	rddreg [dreg:$0x1];
	p0 =	sne.s32 s2, $0x0  }
0xd4: {  	s3 =	rddreg [dreg:$0x2];
	[bflag:$0x3] =	sbarrier.arrive $0xFFFF;
	s2 =	simm.s32 @!p0 $0x1C02  }
0xd5: {  	[timem:s3], [sflag:s2] =	dma.local @!p0 [hbm:s0], s1  }
0xd6: {  	s0 =	simm.s32 @!p0 $0x2  }
0xd7: {  	_ =	swait.ge @!p0 [sflag:s0], s1  }
0xd8: {  	s1 =	ssub.s32 @!p0 $0x0, s1;
	[sflag:s0] =	ssyncset.done @!p0 $0x0  }
0xd9: {  	[sflag:s0] =	ssyncadd.s32 @!p0 s1  }
0xda: {  	[bflag:$0x3] =	sbarrier.arrive $0xFFFF  }
0xdb: {  	_ =	shalt  }

</sc_bundles>
